<compile_context>
chip_gen: v7x
topology: tpu7x:2x2x1
jax: 0.10.2.dev20260603
libtpu: 0.0.44.dev20260713+nightly
codegen_flags: <defaults>
</compile_context>

<pallas_src>
import functools

import jax
import jax.numpy as jnp
from jax import lax
from jax.experimental import pallas as pl
from jax.experimental.pallas import tpu as pltpu
from jax.experimental.pallas import tpu_sc as plsc

N = 10000
NPAD = 10240
QB = 256
TT = 512
KNN = 3
D = 128
MASKV = 1e10


def _knn_body(c1t_ref, tb_ref, c2_ref, idx_ref, dist_ref):
    xq = c2_ref[:, 0:1]
    yq = c2_ref[:, 1:2]
    zq = c2_ref[:, 2:3]
    bq = c2_ref[:, 3:4]
    bmin = jnp.min(bq)
    bmax = jnp.max(bq)

    tb = tb_ref[...]
    t_lo = jnp.sum((tb < bmin).astype(jnp.int32))
    t_hi = jnp.sum((tb <= bmax).astype(jnp.int32))
    tile_lo = t_lo // TT
    tile_hi = (t_hi + TT - 1) // TT

    IMASK = (1 << 14) - 1
    INITP = 0x7F000000
    INFP = 0x7F800000

    s0 = jnp.full((QB, 128), INITP, jnp.int32)
    s1 = jnp.full((QB, 128), INITP + 1, jnp.int32)
    s2 = jnp.full((QB, 128), INITP + 2, jnp.int32)

    CW = 128

    def body(t, carry):
        s0, s1, s2 = carry
        blk = c1t_ref[pl.ds(t * 8, 8), :]
        for c in range(TT // CW):
            sl = slice(c * CW, (c + 1) * CW)
            xt = blk[0:1, sl]
            yt = blk[1:2, sl]
            zt = blk[2:3, sl]
            bt = blk[3:4, sl]
            dx = xq - xt
            dy = yq - yt
            dz = zq - zt
            d = dx * dx + dy * dy + dz * dz
            dm = jnp.where(bq != bt, MASKV, d)
            gidx = (lax.broadcasted_iota(jnp.int32, (1, CW), 1)
                    + (t * TT + c * CW))
            q = (lax.bitcast_convert_type(dm, jnp.int32) & ~IMASK) | gidx
            lt0 = q < s0
            lt1 = q < s1
            lt2 = q < s2
            s2 = jnp.where(lt1, s1, jnp.where(lt2, q, s2))
            s1 = jnp.where(lt0, s0, jnp.where(lt1, q, s1))
            s0 = jnp.where(lt0, q, s0)
        return s0, s1, s2

    s0, s1, s2 = lax.fori_loop(tile_lo, tile_hi, body, (s0, s1, s2))

    es = []
    for _ in range(KNN):
        e = jnp.min(s0, axis=1, keepdims=True)
        es.append(e)
        hit = s0 == e
        s0 = jnp.where(hit, s1, s0)
        s1 = jnp.where(hit, s2, s1)
        s2 = jnp.where(hit, INFP, s2)
    e0, e1, e2 = es
    idx_ref[:, 0:1] = e0 & IMASK
    idx_ref[:, 1:2] = e1 & IMASK
    idx_ref[:, 2:3] = e2 & IMASK
    idx_ref[:, 3:8] = jnp.zeros((QB, 5), jnp.int32)
    dist_ref[:, 0:1] = lax.bitcast_convert_type(e0 & ~IMASK, jnp.float32)
    dist_ref[:, 1:2] = lax.bitcast_convert_type(e1 & ~IMASK, jnp.float32)
    dist_ref[:, 2:3] = lax.bitcast_convert_type(e2 & ~IMASK, jnp.float32)
    dist_ref[:, 3:8] = jnp.zeros((QB, 5), jnp.float32)


def _knn_call(c1t_grid, tb_row, c2p):
    return pl.pallas_call(
        _knn_body,
        grid=(NPAD // QB,),
        in_specs=[
            pl.BlockSpec((NPAD // TT * 8, TT), lambda i: (0, 0)),
            pl.BlockSpec((8, NPAD // 8), lambda i: (0, 0)),
            pl.BlockSpec((QB, 4), lambda i: (i, 0)),
        ],
        out_specs=[
            pl.BlockSpec((QB, 8), lambda i: (i, 0)),
            pl.BlockSpec((QB, 8), lambda i: (i, 0)),
        ],
        out_shape=[
            jax.ShapeDtypeStruct((NPAD, 8), jnp.int32),
            jax.ShapeDtypeStruct((NPAD, 8), jnp.float32),
        ],
    )(c1t_grid, tb_row, c2p)


_NC = 2
_NS = 16
_NW = _NC * _NS
QPW = NPAD // _NW
QCH = 40
RCH = QCH * KNN
NCHUNK = QPW // QCH
L = 16


def _lane16(ref, r, c):
    return ref[r, pl.ds(c * L, L)]


def _combine_chunk(rows_v, w_ref, f2_v, err):
    def qbody(q, err):
        w0 = 1.0 / jnp.maximum(w_ref[q * 3 + 0], 1e-16)
        w1 = 1.0 / jnp.maximum(w_ref[q * 3 + 1], 1e-16)
        w2 = 1.0 / jnp.maximum(w_ref[q * 3 + 2], 1e-16)
        inv_den = 1.0 / (w0 + w1 + w2)
        r = q * 3
        for c in range(D // L):
            num = (_lane16(rows_v, r, c) * w0
                   + _lane16(rows_v, r + 1, c) * w1
                   + _lane16(rows_v, r + 2, c) * w2)
            diff = num * inv_den - _lane16(f2_v, q, c)
            err = err + diff * diff
        return err
    return lax.fori_loop(0, QCH, qbody, err)


def _sc_body(f1_ref, idx_ref, w_ref_hbm, f2_ref, out_ref,
             idx0, idx1, rows0, rows1, f20, f21, w0_v, w1_v, err_v,
             sem0, sem1, fsem0, fsem1, wsem0, wsem1):
    cid = lax.axis_index("c")
    sid = lax.axis_index("s")
    wid = sid * _NC + cid
    qbase = wid * QPW
    rbase = qbase * KNN

    nreal = jnp.clip((N - qbase) // QCH, 0, NCHUNK)

    def start(k, idx_v, rows_v, f2_v, w_v, sem, fsem, wsem):
        off = rbase + k * RCH
        pltpu.sync_copy(idx_ref.at[pl.ds(off, RCH)], idx_v)
        pltpu.async_copy(f1_ref.at[idx_v], rows_v, sem)
        pltpu.async_copy(f2_ref.at[pl.ds(qbase + k * QCH, QCH)], f2_v, fsem)
        pltpu.async_copy(w_ref_hbm.at[pl.ds(off, RCH)], w_v, wsem)

    err = jnp.zeros((L,), jnp.float32)

    def pair_body(p, err):
        k = p * 2
        @pl.when(k + 1 < nreal)
        def _():
            start(k + 1, idx1, rows1, f21, w1_v, sem1, fsem1, wsem1)
        pltpu.make_async_copy(f1_ref.at[idx0], rows0, sem0).wait()
        pltpu.make_async_copy(f2_ref.at[pl.ds(qbase, QCH)], f20, fsem0).wait()
        pltpu.make_async_copy(w_ref_hbm.at[pl.ds(rbase, RCH)], w0_v, wsem0).wait()
        err = _combine_chunk(rows0, w0_v, f20, err)

        @pl.when(k + 2 < nreal)
        def _():
            start(k + 2, idx0, rows0, f20, w0_v, sem0, fsem0, wsem0)
        pltpu.make_async_copy(f1_ref.at[idx1], rows1, sem1).wait()
        pltpu.make_async_copy(f2_ref.at[pl.ds(qbase, QCH)], f21, fsem1).wait()
        pltpu.make_async_copy(w_ref_hbm.at[pl.ds(rbase, RCH)], w1_v, wsem1).wait()
        err = _combine_chunk(rows1, w1_v, f21, err)
        return err

    @pl.when(nreal > 0)
    def _():
        start(0, idx0, rows0, f20, w0_v, sem0, fsem0, wsem0)

    err = lax.fori_loop(0, nreal // 2, pair_body, err)
    err_v[...] = err
    pltpu.sync_copy(err_v, out_ref.at[pl.ds(wid * L, L)])


@functools.cache
def _make_sc_call():
    return functools.partial(
        pl.kernel,
        mesh=plsc.VectorSubcoreMesh(core_axis_name="c", subcore_axis_name="s"),
        out_type=jax.ShapeDtypeStruct((_NW * L,), jnp.float32),
        scratch_types=[
            pltpu.VMEM((RCH,), jnp.int32),
            pltpu.VMEM((RCH,), jnp.int32),
            pltpu.VMEM((RCH, D), jnp.float32),
            pltpu.VMEM((RCH, D), jnp.float32),
            pltpu.VMEM((QCH, D), jnp.float32),
            pltpu.VMEM((QCH, D), jnp.float32),
            pltpu.VMEM((RCH, L), jnp.float32),
            pltpu.VMEM((RCH, L), jnp.float32),
            pltpu.VMEM((L,), jnp.float32),
            pltpu.SemaphoreType.DMA,
            pltpu.SemaphoreType.DMA,
            pltpu.SemaphoreType.DMA,
            pltpu.SemaphoreType.DMA,
            pltpu.SemaphoreType.DMA,
            pltpu.SemaphoreType.DMA,
        ],
    )(_sc_body)


def _sc_call(f1, idx_flat, w16, f2):
    return _make_sc_call()(f1, idx_flat, w16, f2)


def _sum_body(p_ref, out_ref):
    out_ref[...] = (jnp.sum(p_ref[...]) / jnp.float32(N * D)).reshape(1, 1)


def _sum_call(partials):
    return pl.pallas_call(
        _sum_body,
        out_shape=jax.ShapeDtypeStruct((1, 1), jnp.float32),
    )(partials)


@jax.jit
def kernel(true_x, true_batch, pred_x, pred_batch):
    tb = true_batch.astype(jnp.float32)
    pb = pred_batch.astype(jnp.float32)
    c1 = true_x[:, :3]
    c2 = pred_x[:, :3]
    f1 = true_x[:, 3:]
    f2 = pred_x[:, 3:]

    pad = NPAD - N
    tb_p = jnp.pad(tb, (0, pad), constant_values=127.0)
    pb_p = jnp.pad(pb, (0, pad), constant_values=126.0)
    c1_p = jnp.pad(c1, ((0, pad), (0, 0)), constant_values=1e8)
    c2_p = jnp.pad(c2, ((0, pad), (0, 0)))

    c1t = jnp.concatenate(
        [c1_p, tb_p[:, None], jnp.zeros((NPAD, 4), jnp.float32)], axis=1)
    c1t_grid = c1t.reshape(NPAD // TT, TT, 8).transpose(0, 2, 1).reshape(-1, TT)
    tb_row = tb_p.reshape(8, NPAD // 8)
    c2q = jnp.concatenate([c2_p, pb_p[:, None]], axis=1)

    idx8, dist8 = _knn_call(c1t_grid, tb_row, c2q)
    idx_flat = idx8[:, :KNN].reshape(-1)
    w16 = jnp.broadcast_to(dist8[:, :KNN].reshape(-1, 1), (KNN * NPAD, 16))

    partials = _sc_call(f1, idx_flat, w16, f2)
    out = _sum_call(partials.reshape(32, 16))
    return out[0, 0]

# --- scband reference (transcript-rebuilt; emitter-appended) ---
"""Pipeline reference for scband-knn-mse-3642132267673 (READ-ONLY COPY).

The authoritative reference and input builder live on the scoring server;
editing this copy changes nothing except your own understanding.
"""

import jax, jax.numpy as jnp
import numpy as np

K = 3
CHUNK = 1000


def setup_inputs(seed: int = 0) -> dict:
    key = jax.random.key(seed)
    k1, k2, k3, k4 = jax.random.split(key, 4)
    true_x = jax.random.normal(k1, (10000, 131), dtype=jnp.float32)
    pred_x = jax.random.normal(k2, (10000, 131), dtype=jnp.float32)
    true_batch = jnp.sort(jax.random.randint(k3, (10000,), 0, 16)).astype(jnp.int64)
    pred_batch = jnp.sort(jax.random.randint(k4, (10000,), 0, 16)).astype(jnp.int64)
    return {"true_x": true_x, "true_batch": true_batch, "pred_x": pred_x, "pred_batch": pred_batch}


def _knn_interpolate(f1, c1, c2, b1, b2, k):
    # batch-aware kNN interpolation (faithful to torch_geometric.nn.knn_interpolate):
    # for each query point in c2, find k nearest points in c1 within the same batch,
    # weight features by 1/d^2 and normalize.
    n2 = c2.shape[0]
    c2r = c2.reshape(n2 // CHUNK, CHUNK, c2.shape[-1])
    b2r = b2.reshape(n2 // CHUNK, CHUNK)

    def chunk_fn(args):
        c2c, b2c = args
        d2 = jnp.sum((c2c[:, None, :] - c1[None, :, :]) ** 2, axis=-1)
        mask = b2c[:, None] != b1[None, :]
        d2m = jnp.where(mask, jnp.float32(1e10), d2)
        _, idx = jax.lax.top_k(-d2m, k)  # k nearest neighbor indices into c1/f1
        nb_c = jnp.take(c1, idx, axis=0)  # [CHUNK, k, 3]
        sq = jnp.sum((nb_c - c2c[:, None, :]) ** 2, axis=-1)  # recomputed squared dists
        w = 1.0 / jnp.clip(sq, 1e-16, None)  # [CHUNK, k]
        nb_f = jnp.take(f1, idx, axis=0)  # [CHUNK, k, d]
        num = jnp.sum(nb_f * w[..., None], axis=1)
        den = jnp.sum(w, axis=1, keepdims=True)
        return num / den

    out = jax.lax.map(chunk_fn, (c2r, b2r))
    return out.reshape(n2, -1)


def reference(true_x, true_batch, pred_x, pred_batch):
    c1 = true_x[:, :3]
    c2 = pred_x[:, :3]
    f1 = true_x[:, 3:]
    f2 = pred_x[:, 3:]
    f1_interp = _knn_interpolate(f1, c1, c2, true_batch, pred_batch, K)
    return jnp.mean((f1_interp - f2) ** 2)

if __name__ == "__main__":
    import jax
    _d = setup_inputs()
    print(jax.jit(kernel)(*tuple(_d.values())))

</pallas_src>

<mosaic_0001>
#map = affine_map<(d0, d1) -> (0, 0)>
#map1 = affine_map<(d0, d1) -> (0)>
module attributes {stable_mosaic.version = 14 : i64} {
  func.func @_sc_body(%arg0: i32, %arg1: i32, %arg2: memref<10000x128xf32, #tpu.memory_space<hbm>>, %arg3: memref<30720xi32, #tpu.memory_space<hbm>>, %arg4: memref<30720x16xf32, #tpu.memory_space<hbm>>, %arg5: memref<10000x128xf32, #tpu.memory_space<hbm>>, %arg6: memref<512xf32, #tpu.memory_space<hbm>>, %arg7: memref<120xi32, #tpu.memory_space<vmem>>, %arg8: memref<120xi32, #tpu.memory_space<vmem>>, %arg9: memref<120x128xf32, #tpu.memory_space<vmem>>, %arg10: memref<120x128xf32, #tpu.memory_space<vmem>>, %arg11: memref<40x128xf32, #tpu.memory_space<vmem>>, %arg12: memref<40x128xf32, #tpu.memory_space<vmem>>, %arg13: memref<120x16xf32, #tpu.memory_space<vmem>>, %arg14: memref<120x16xf32, #tpu.memory_space<vmem>>, %arg15: memref<16xf32, #tpu.memory_space<vmem>>, %arg16: memref<!tpu.dma_semaphore, #tpu.memory_space<semaphore_mem>>, %arg17: memref<!tpu.dma_semaphore, #tpu.memory_space<semaphore_mem>>, %arg18: memref<!tpu.dma_semaphore, #tpu.memory_space<semaphore_mem>>, %arg19: memref<!tpu.dma_semaphore, #tpu.memory_space<semaphore_mem>>, %arg20: memref<!tpu.dma_semaphore, #tpu.memory_space<semaphore_mem>>, %arg21: memref<!tpu.dma_semaphore, #tpu.memory_space<semaphore_mem>>) attributes {dimension_semantics = [#tpu.dimension_semantics<core_parallel>, #tpu.dimension_semantics<subcore_parallel>], iteration_bounds = array<i64: 2, 16>, scalar_prefetch = 0 : i64, scratch_operands = 15 : i64, tpu.core_type = #tpu.core_type<sc_vector_subcore>, window_params = [{transform_indices = #map}, {transform_indices = #map1}, {transform_indices = #map}, {transform_indices = #map}, {transform_indices = #map1}]} {
    %mul3A = arith.constant 2 : i32
    %mul3A_0 = arith.muli %arg1, %mul3A : i32
    %add3A = arith.addi %mul3A_0, %arg0 : i32
    %mul3A_1 = arith.constant 320 : i32
    %mul3A_2 = arith.muli %add3A, %mul3A_1 : i32
    %mul3A_3 = arith.constant 3 : i32
    %mul3A_4 = arith.muli %mul3A_2, %mul3A_3 : i32
    %sub3A = arith.constant 10000 : i32
    %sub3A_5 = arith.subi %sub3A, %mul3A_2 : i32
    %jit3A = arith.constant 40 : i32
    %div3A = arith.divsi %sub3A_5, %jit3A : i32
    %sign3A = arith.constant 0 : i32
    %sign3A_6 = arith.cmpi sgt, %sub3A_5, %sign3A : i32
    %sign3A_7 = arith.extui %sign3A_6 : i1 to i32
    %sign3A_8 = arith.constant 0 : i32
    %sign3A_9 = arith.cmpi slt, %sub3A_5, %sign3A_8 : i32
    %sign3A_10 = arith.extui %sign3A_9 : i1 to i32
    %sign3A_11 = arith.subi %sign3A_7, %sign3A_10 : i32
    %sign3A_12 = arith.constant 0 : i32
    %sign3A_13 = arith.cmpi sgt, %jit3A, %sign3A_12 : i32
    %sign3A_14 = arith.extui %sign3A_13 : i1 to i32
    %sign3A_15 = arith.constant 0 : i32
    %sign3A_16 = arith.cmpi slt, %jit3A, %sign3A_15 : i32
    %sign3A_17 = arith.extui %sign3A_16 : i1 to i32
    %sign3A_18 = arith.subi %sign3A_14, %sign3A_17 : i32
    %ne3A = arith.cmpi ne, %sign3A_11, %sign3A_18 : i32
    %rem3A = arith.remsi %sub3A_5, %jit3A : i32
    %ne3A_19 = arith.constant 0 : i32
    %ne3A_20 = arith.cmpi ne, %rem3A, %ne3A_19 : i32
    %and3A = arith.andi %ne3A, %ne3A_20 : i1
    %sub3A_21 = arith.constant 1 : i32
    %sub3A_22 = arith.subi %div3A, %sub3A_21 : i32
    %select_n3A = arith.select %and3A, %sub3A_22, %div3A : i32
    %jit3A_23 = arith.constant 0 : i32
    %jit3A_24 = arith.constant 8 : i32
    %max3A = arith.maxsi %jit3A_23, %select_n3A : i32
    %min3A = arith.minsi %jit3A_24, %max3A : i32
    %broadcast_in_dim3A = arith.constant 0.000000e+00 : f32
    %broadcast_in_dim3A_25 = vector.broadcast %broadcast_in_dim3A : f32 to vector<16xf32>
    %gt3A = arith.constant 0 : i32
    %gt3A_26 = arith.cmpi sgt, %min3A, %gt3A : i32
    %convert_element_type3A = arith.extui %gt3A_26 : i1 to i32
    %cond3A = arith.constant 0 : i32
    %cond3A_27 = arith.cmpi ne, %convert_element_type3A, %cond3A : i32
    scf.if %cond3A_27 {
      %add3A_67 = arith.constant 0 : i32
      %add3A_68 = arith.addi %mul3A_4, %add3A_67 : i32
      "tpu.region"() ({
        %run_scoped3A = tpu.sem_alloc : memref<!tpu.dma_semaphore, #tpu.memory_space<semaphore_mem>>
        %dma_start3A_81 = tpu.memref_slice %arg3[%add3A_68] : memref<30720xi32, #tpu.memory_space<hbm>> -> memref<120xi32, #tpu.memory_space<hbm>>
        %dma_start3A_82 = tpu.memref_slice %arg3[%add3A_68] : memref<30720xi32, #tpu.memory_space<hbm>> -> memref<120xi32, #tpu.memory_space<hbm>>
        tpu.enqueue_dma source(%dma_start3A_82 : memref<120xi32, #tpu.memory_space<hbm>>) target(%arg7 : memref<120xi32, #tpu.memory_space<vmem>>) target_semaphore(%run_scoped3A : memref<!tpu.dma_semaphore, #tpu.memory_space<semaphore_mem>>)
        %dma_wait3A = tpu.memref_slice %arg3[%add3A_68] : memref<30720xi32, #tpu.memory_space<hbm>> -> memref<120xi32, #tpu.memory_space<hbm>>
        %dma_wait3A_83 = tpu.memref_slice %arg3[%add3A_68] : memref<30720xi32, #tpu.memory_space<hbm>> -> memref<120xi32, #tpu.memory_space<hbm>>
        tpu.wait_dma2 semaphore(%run_scoped3A : memref<!tpu.dma_semaphore, #tpu.memory_space<semaphore_mem>>) src(%dma_wait3A_83 : memref<120xi32, #tpu.memory_space<hbm>>) dst(%arg7 : memref<120xi32, #tpu.memory_space<vmem>>)
        tpu.yield
      }) : () -> ()
      %dma_start3A = arith.constant 0 : i32
      %dma_start3A_69 = arith.constant 0 : i32
      %dma_start3A_70 = tpu.memref_slice %arg2[%dma_start3A, %dma_start3A_69] : memref<10000x128xf32, #tpu.memory_space<hbm>> -> memref<10000x128xf32, #tpu.memory_space<hbm>>
      tpu.enqueue_indirect_dma source(%dma_start3A_70 : memref<10000x128xf32, #tpu.memory_space<hbm>>) target(%arg9 : memref<120x128xf32, #tpu.memory_space<vmem>>) offsets(%arg7 : memref<120xi32, #tpu.memory_space<vmem>>) semaphore(%arg16 : memref<!tpu.dma_semaphore, #tpu.memory_space<semaphore_mem>>)
      %add3A_71 = arith.constant 0 : i32
      %add3A_72 = arith.addi %mul3A_2, %add3A_71 : i32
      %dma_start3A_73 = arith.constant 0 : i32
      %dma_start3A_74 = tpu.memref_slice %arg5[%add3A_72, %dma_start3A_73] : memref<10000x128xf32, #tpu.memory_space<hbm>> -> memref<40x128xf32, #tpu.memory_space<hbm>>
      %dma_start3A_75 = arith.constant 0 : i32
      %dma_start3A_76 = tpu.memref_slice %arg5[%add3A_72, %dma_start3A_75] : memref<10000x128xf32, #tpu.memory_space<hbm>> -> memref<40x128xf32, #tpu.memory_space<hbm>>
      tpu.enqueue_dma source(%dma_start3A_76 : memref<40x128xf32, #tpu.memory_space<hbm>>) target(%arg11 : memref<40x128xf32, #tpu.memory_space<vmem>>) target_semaphore(%arg18 : memref<!tpu.dma_semaphore, #tpu.memory_space<semaphore_mem>>)
      %dma_start3A_77 = arith.constant 0 : i32
      %dma_start3A_78 = tpu.memref_slice %arg4[%add3A_68, %dma_start3A_77] : memref<30720x16xf32, #tpu.memory_space<hbm>> -> memref<120x16xf32, #tpu.memory_space<hbm>>
      %dma_start3A_79 = arith.constant 0 : i32
      %dma_start3A_80 = tpu.memref_slice %arg4[%add3A_68, %dma_start3A_79] : memref<30720x16xf32, #tpu.memory_space<hbm>> -> memref<120x16xf32, #tpu.memory_space<hbm>>
      tpu.enqueue_dma source(%dma_start3A_80 : memref<120x16xf32, #tpu.memory_space<hbm>>) target(%arg13 : memref<120x16xf32, #tpu.memory_space<vmem>>) target_semaphore(%arg20 : memref<!tpu.dma_semaphore, #tpu.memory_space<semaphore_mem>>)
    } else {
    }
    %jit3A_28 = arith.constant 2 : i32
    %div3A_29 = arith.divsi %min3A, %jit3A_28 : i32
    %sign3A_30 = arith.constant 0 : i32
    %sign3A_31 = arith.cmpi sgt, %min3A, %sign3A_30 : i32
    %sign3A_32 = arith.extui %sign3A_31 : i1 to i32
    %sign3A_33 = arith.constant 0 : i32
    %sign3A_34 = arith.cmpi slt, %min3A, %sign3A_33 : i32
    %sign3A_35 = arith.extui %sign3A_34 : i1 to i32
    %sign3A_36 = arith.subi %sign3A_32, %sign3A_35 : i32
    %sign3A_37 = arith.constant 0 : i32
    %sign3A_38 = arith.cmpi sgt, %jit3A_28, %sign3A_37 : i32
    %sign3A_39 = arith.extui %sign3A_38 : i1 to i32
    %sign3A_40 = arith.constant 0 : i32
    %sign3A_41 = arith.cmpi slt, %jit3A_28, %sign3A_40 : i32
    %sign3A_42 = arith.extui %sign3A_41 : i1 to i32
    %sign3A_43 = arith.subi %sign3A_39, %sign3A_42 : i32
    %ne3A_44 = arith.cmpi ne, %sign3A_36, %sign3A_43 : i32
    %rem3A_45 = arith.remsi %min3A, %jit3A_28 : i32
    %ne3A_46 = arith.constant 0 : i32
    %ne3A_47 = arith.cmpi ne, %rem3A_45, %ne3A_46 : i32
    %and3A_48 = arith.andi %ne3A_44, %ne3A_47 : i1
    %sub3A_49 = arith.constant 1 : i32
    %sub3A_50 = arith.subi %div3A_29, %sub3A_49 : i32
    %select_n3A_51 = arith.select %and3A_48, %sub3A_50, %div3A_29 : i32
    %while3A = arith.constant 0 : i32
    %while3A_52 = arith.subi %select_n3A_51, %while3A : i32
    %while3A_53 = arith.addi %while3A, %while3A_52 : i32
    %while3A_54 = arith.constant 1 : i32
    %while3A_55 = arith.divsi %while3A_52, %while3A_54 : i32
    %while3A_56 = arith.muli %while3A_55, %while3A_54 : i32
    %while3A_57 = arith.addi %while3A, %while3A_56 : i32
    %while3A_58 = arith.constant 1 : i32
    %while3A_59 = scf.for %while3A_67 = %while3A to %while3A_57 step %while3A_58 iter_args(%while3A_68 = %broadcast_in_dim3A_25) -> (vector<16xf32>)  : i32 {
      %mul3A_69 = arith.constant 2 : i32
      %mul3A_70 = arith.muli %while3A_67, %mul3A_69 : i32
      %add3A_71 = arith.constant 1 : i32
      %add3A_72 = arith.addi %mul3A_70, %add3A_71 : i32
      %lt3A = arith.cmpi slt, %add3A_72, %min3A : i32
      %convert_element_type3A_73 = arith.extui %lt3A : i1 to i32
      %cond3A_74 = arith.constant 0 : i32
      %cond3A_75 = arith.cmpi ne, %convert_element_type3A_73, %cond3A_74 : i32
      scf.if %cond3A_75 {
        %add3A_114 = arith.constant 1 : i32
        %add3A_115 = arith.addi %mul3A_70, %add3A_114 : i32
        %mul3A_116 = arith.constant 120 : i32
        %mul3A_117 = arith.muli %add3A_115, %mul3A_116 : i32
        %add3A_118 = arith.addi %mul3A_4, %mul3A_117 : i32
        "tpu.region"() ({
          %run_scoped3A = tpu.sem_alloc : memref<!tpu.dma_semaphore, #tpu.memory_space<semaphore_mem>>
          %dma_start3A_132 = tpu.memref_slice %arg3[%add3A_118] : memref<30720xi32, #tpu.memory_space<hbm>> -> memref<120xi32, #tpu.memory_space<hbm>>
          %dma_start3A_133 = tpu.memref_slice %arg3[%add3A_118] : memref<30720xi32, #tpu.memory_space<hbm>> -> memref<120xi32, #tpu.memory_space<hbm>>
          tpu.enqueue_dma source(%dma_start3A_133 : memref<120xi32, #tpu.memory_space<hbm>>) target(%arg8 : memref<120xi32, #tpu.memory_space<vmem>>) target_semaphore(%run_scoped3A : memref<!tpu.dma_semaphore, #tpu.memory_space<semaphore_mem>>)
          %dma_wait3A_134 = tpu.memref_slice %arg3[%add3A_118] : memref<30720xi32, #tpu.memory_space<hbm>> -> memref<120xi32, #tpu.memory_space<hbm>>
          %dma_wait3A_135 = tpu.memref_slice %arg3[%add3A_118] : memref<30720xi32, #tpu.memory_space<hbm>> -> memref<120xi32, #tpu.memory_space<hbm>>
          tpu.wait_dma2 semaphore(%run_scoped3A : memref<!tpu.dma_semaphore, #tpu.memory_space<semaphore_mem>>) src(%dma_wait3A_135 : memref<120xi32, #tpu.memory_space<hbm>>) dst(%arg8 : memref<120xi32, #tpu.memory_space<vmem>>)
          tpu.yield
        }) : () -> ()
        %dma_start3A = arith.constant 0 : i32
        %dma_start3A_119 = arith.constant 0 : i32
        %dma_start3A_120 = tpu.memref_slice %arg2[%dma_start3A, %dma_start3A_119] : memref<10000x128xf32, #tpu.memory_space<hbm>> -> memref<10000x128xf32, #tpu.memory_space<hbm>>
        tpu.enqueue_indirect_dma source(%dma_start3A_120 : memref<10000x128xf32, #tpu.memory_space<hbm>>) target(%arg10 : memref<120x128xf32, #tpu.memory_space<vmem>>) offsets(%arg8 : memref<120xi32, #tpu.memory_space<vmem>>) semaphore(%arg17 : memref<!tpu.dma_semaphore, #tpu.memory_space<semaphore_mem>>)
        %mul3A_121 = arith.constant 40 : i32
        %mul3A_122 = arith.muli %add3A_115, %mul3A_121 : i32
        %add3A_123 = arith.addi %mul3A_2, %mul3A_122 : i32
        %dma_start3A_124 = arith.constant 0 : i32
        %dma_start3A_125 = tpu.memref_slice %arg5[%add3A_123, %dma_start3A_124] : memref<10000x128xf32, #tpu.memory_space<hbm>> -> memref<40x128xf32, #tpu.memory_space<hbm>>
        %dma_start3A_126 = arith.constant 0 : i32
        %dma_start3A_127 = tpu.memref_slice %arg5[%add3A_123, %dma_start3A_126] : memref<10000x128xf32, #tpu.memory_space<hbm>> -> memref<40x128xf32, #tpu.memory_space<hbm>>
        tpu.enqueue_dma source(%dma_start3A_127 : memref<40x128xf32, #tpu.memory_space<hbm>>) target(%arg12 : memref<40x128xf32, #tpu.memory_space<vmem>>) target_semaphore(%arg19 : memref<!tpu.dma_semaphore, #tpu.memory_space<semaphore_mem>>)
        %dma_start3A_128 = arith.constant 0 : i32
        %dma_start3A_129 = tpu.memref_slice %arg4[%add3A_118, %dma_start3A_128] : memref<30720x16xf32, #tpu.memory_space<hbm>> -> memref<120x16xf32, #tpu.memory_space<hbm>>
        %dma_start3A_130 = arith.constant 0 : i32
        %dma_start3A_131 = tpu.memref_slice %arg4[%add3A_118, %dma_start3A_130] : memref<30720x16xf32, #tpu.memory_space<hbm>> -> memref<120x16xf32, #tpu.memory_space<hbm>>
        tpu.enqueue_dma source(%dma_start3A_131 : memref<120x16xf32, #tpu.memory_space<hbm>>) target(%arg14 : memref<120x16xf32, #tpu.memory_space<vmem>>) target_semaphore(%arg21 : memref<!tpu.dma_semaphore, #tpu.memory_space<semaphore_mem>>)
      } else {
      }
      %dma_wait3A = arith.constant 0 : i32
      %dma_wait3A_76 = arith.constant 0 : i32
      %dma_wait3A_77 = tpu.memref_slice %arg2[%dma_wait3A, %dma_wait3A_76] : memref<10000x128xf32, #tpu.memory_space<hbm>> -> memref<10000x128xf32, #tpu.memory_space<hbm>>
      tpu.wait_indirect_dma semaphore(%arg16 : memref<!tpu.dma_semaphore, #tpu.memory_space<semaphore_mem>>) src(%dma_wait3A_77 : memref<10000x128xf32, #tpu.memory_space<hbm>>) dst(%arg9 : memref<120x128xf32, #tpu.memory_space<vmem>>)
      %dma_wait3A_78 = arith.constant 0 : i32
      %dma_wait3A_79 = tpu.memref_slice %arg5[%mul3A_2, %dma_wait3A_78] : memref<10000x128xf32, #tpu.memory_space<hbm>> -> memref<40x128xf32, #tpu.memory_space<hbm>>
      %dma_wait3A_80 = arith.constant 0 : i32
      %dma_wait3A_81 = tpu.memref_slice %arg5[%mul3A_2, %dma_wait3A_80] : memref<10000x128xf32, #tpu.memory_space<hbm>> -> memref<40x128xf32, #tpu.memory_space<hbm>>
      tpu.wait_dma2 semaphore(%arg18 : memref<!tpu.dma_semaphore, #tpu.memory_space<semaphore_mem>>) src(%dma_wait3A_81 : memref<40x128xf32, #tpu.memory_space<hbm>>) dst(%arg11 : memref<40x128xf32, #tpu.memory_space<vmem>>)
      %dma_wait3A_82 = arith.constant 0 : i32
      %dma_wait3A_83 = tpu.memref_slice %arg4[%mul3A_4, %dma_wait3A_82] : memref<30720x16xf32, #tpu.memory_space<hbm>> -> memref<120x16xf32, #tpu.memory_space<hbm>>
      %dma_wait3A_84 = arith.constant 0 : i32
      %dma_wait3A_85 = tpu.memref_slice %arg4[%mul3A_4, %dma_wait3A_84] : memref<30720x16xf32, #tpu.memory_space<hbm>> -> memref<120x16xf32, #tpu.memory_space<hbm>>
      tpu.wait_dma2 semaphore(%arg20 : memref<!tpu.dma_semaphore, #tpu.memory_space<semaphore_mem>>) src(%dma_wait3A_85 : memref<120x16xf32, #tpu.memory_space<hbm>>) dst(%arg13 : memref<120x16xf32, #tpu.memory_space<vmem>>)
      %scan3A = arith.constant 0 : i32
      %scan3A_86 = arith.constant 40 : i32
      %scan3A_87 = arith.addi %scan3A, %scan3A_86 : i32
      %scan3A_88 = arith.constant 1 : i32
      %scan3A_89 = scf.for %scan3A_114 = %scan3A to %scan3A_87 step %scan3A_88 iter_args(%scan3A_115 = %while3A_68) -> (vector<16xf32>)  : i32 {
        %mul3A_116 = arith.constant 3 : i32
        %mul3A_117 = arith.muli %scan3A_114, %mul3A_116 : i32
        %add3A_118 = arith.constant 0 : i32
        %add3A_119 = arith.addi %mul3A_117, %add3A_118 : i32
        %get3A = arith.index_cast %add3A_119 : i32 to index
        %get3A_120 = arith.constant 0 : index
        %get3A_121 = tpu.vector_load %arg13[%get3A, %get3A_120] {strides = array<i32>} : memref<120x16xf32, #tpu.memory_space<vmem>>, vector<1x16xf32>,
        %get3A_122 = vector.shape_cast %get3A_121 : vector<1x16xf32> to vector<16xf32>
        %max3A_123 = arith.constant 1.000000e-16 : f32
        %max3A_124 = vector.broadcast %max3A_123 : f32 to vector<16xf32>
        %max3A_125 = arith.maximumf %get3A_122, %max3A_124 : vector<16xf32>
        %div3A_126 = arith.constant 1.000000e+00 : f32
        %div3A_127 = vector.broadcast %div3A_126 : f32 to vector<16xf32>
        %div3A_128 = arith.divf %div3A_127, %max3A_125 : vector<16xf32>
        %mul3A_129 = arith.constant 3 : i32
        %mul3A_130 = arith.muli %scan3A_114, %mul3A_129 : i32
        %add3A_131 = arith.constant 1 : i32
        %add3A_132 = arith.addi %mul3A_130, %add3A_131 : i32
        %get3A_133 = arith.index_cast %add3A_132 : i32 to index
        %get3A_134 = arith.constant 0 : index
        %get3A_135 = tpu.vector_load %arg13[%get3A_133, %get3A_134] {strides = array<i32>} : memref<120x16xf32, #tpu.memory_space<vmem>>, vector<1x16xf32>,
        %get3A_136 = vector.shape_cast %get3A_135 : vector<1x16xf32> to vector<16xf32>
        %max3A_137 = arith.constant 1.000000e-16 : f32
        %max3A_138 = vector.broadcast %max3A_137 : f32 to vector<16xf32>
        %max3A_139 = arith.maximumf %get3A_136, %max3A_138 : vector<16xf32>
        %div3A_140 = arith.constant 1.000000e+00 : f32
        %div3A_141 = vector.broadcast %div3A_140 : f32 to vector<16xf32>
        %div3A_142 = arith.divf %div3A_141, %max3A_139 : vector<16xf32>
        %mul3A_143 = arith.constant 3 : i32
        %mul3A_144 = arith.muli %scan3A_114, %mul3A_143 : i32
        %add3A_145 = arith.constant 2 : i32
        %add3A_146 = arith.addi %mul3A_144, %add3A_145 : i32
        %get3A_147 = arith.index_cast %add3A_146 : i32 to index
        %get3A_148 = arith.constant 0 : index
        %get3A_149 = tpu.vector_load %arg13[%get3A_147, %get3A_148] {strides = array<i32>} : memref<120x16xf32, #tpu.memory_space<vmem>>, vector<1x16xf32>,
        %get3A_150 = vector.shape_cast %get3A_149 : vector<1x16xf32> to vector<16xf32>
        %max3A_151 = arith.constant 1.000000e-16 : f32
        %max3A_152 = vector.broadcast %max3A_151 : f32 to vector<16xf32>
        %max3A_153 = arith.maximumf %get3A_150, %max3A_152 : vector<16xf32>
        %div3A_154 = arith.constant 1.000000e+00 : f32
        %div3A_155 = vector.broadcast %div3A_154 : f32 to vector<16xf32>
        %div3A_156 = arith.divf %div3A_155, %max3A_153 : vector<16xf32>
        %add3A_157 = arith.addf %div3A_128, %div3A_142 : vector<16xf32>
        %add3A_158 = arith.addf %add3A_157, %div3A_156 : vector<16xf32>
        %div3A_159 = arith.constant 1.000000e+00 : f32
        %div3A_160 = vector.broadcast %div3A_159 : f32 to vector<16xf32>
        %div3A_161 = arith.divf %div3A_160, %add3A_158 : vector<16xf32>
        %mul3A_162 = arith.constant 3 : i32
        %mul3A_163 = arith.muli %scan3A_114, %mul3A_162 : i32
        %get3A_164 = arith.index_cast %mul3A_163 : i32 to index
        %get3A_165 = arith.constant 0 : index
        %get3A_166 = tpu.vector_load %arg9[%get3A_164, %get3A_165] {strides = array<i32>} : memref<120x128xf32, #tpu.memory_space<vmem>>, vector<1x16xf32>,
        %get3A_167 = vector.shape_cast %get3A_166 : vector<1x16xf32> to vector<16xf32>
        %mul3A_168 = arith.mulf %get3A_167, %div3A_128 : vector<16xf32>
        %add3A_169 = arith.constant 1 : i32
        %add3A_170 = arith.addi %mul3A_163, %add3A_169 : i32
        %get3A_171 = arith.index_cast %add3A_170 : i32 to index
        %get3A_172 = arith.constant 0 : index
        %get3A_173 = tpu.vector_load %arg9[%get3A_171, %get3A_172] {strides = array<i32>} : memref<120x128xf32, #tpu.memory_space<vmem>>, vector<1x16xf32>,
        %get3A_174 = vector.shape_cast %get3A_173 : vector<1x16xf32> to vector<16xf32>
        %mul3A_175 = arith.mulf %get3A_174, %div3A_142 : vector<16xf32>
        %add3A_176 = arith.addf %mul3A_168, %mul3A_175 : vector<16xf32>
        %add3A_177 = arith.constant 2 : i32
        %add3A_178 = arith.addi %mul3A_163, %add3A_177 : i32
        %get3A_179 = arith.index_cast %add3A_178 : i32 to index
        %get3A_180 = arith.constant 0 : index
        %get3A_181 = tpu.vector_load %arg9[%get3A_179, %get3A_180] {strides = array<i32>} : memref<120x128xf32, #tpu.memory_space<vmem>>, vector<1x16xf32>,
        %get3A_182 = vector.shape_cast %get3A_181 : vector<1x16xf32> to vector<16xf32>
        %mul3A_183 = arith.mulf %get3A_182, %div3A_156 : vector<16xf32>
        %add3A_184 = arith.addf %add3A_176, %mul3A_183 : vector<16xf32>
        %mul3A_185 = arith.mulf %add3A_184, %div3A_161 : vector<16xf32>
        %get3A_186 = arith.index_cast %scan3A_114 : i32 to index
        %get3A_187 = arith.constant 0 : index
        %get3A_188 = tpu.vector_load %arg11[%get3A_186, %get3A_187] {strides = array<i32>} : memref<40x128xf32, #tpu.memory_space<vmem>>, vector<1x16xf32>,
        %get3A_189 = vector.shape_cast %get3A_188 : vector<1x16xf32> to vector<16xf32>
        %sub3A_190 = arith.subf %mul3A_185, %get3A_189 : vector<16xf32>
        %mul3A_191 = arith.mulf %sub3A_190, %sub3A_190 : vector<16xf32>
        %add3A_192 = arith.addf %scan3A_115, %mul3A_191 : vector<16xf32>
        %get3A_193 = arith.index_cast %mul3A_163 : i32 to index
        %get3A_194 = arith.constant 16 : index
        %get3A_195 = tpu.vector_load %arg9[%get3A_193, %get3A_194] {strides = array<i32>} : memref<120x128xf32, #tpu.memory_space<vmem>>, vector<1x16xf32>,
        %get3A_196 = vector.shape_cast %get3A_195 : vector<1x16xf32> to vector<16xf32>
        %mul3A_197 = arith.mulf %get3A_196, %div3A_128 : vector<16xf32>
        %add3A_198 = arith.constant 1 : i32
        %add3A_199 = arith.addi %mul3A_163, %add3A_198 : i32
        %get3A_200 = arith.index_cast %add3A_199 : i32 to index
        %get3A_201 = arith.constant 16 : index
        %get3A_202 = tpu.vector_load %arg9[%get3A_200, %get3A_201] {strides = array<i32>} : memref<120x128xf32, #tpu.memory_space<vmem>>, vector<1x16xf32>,
        %get3A_203 = vector.shape_cast %get3A_202 : vector<1x16xf32> to vector<16xf32>
        %mul3A_204 = arith.mulf %get3A_203, %div3A_142 : vector<16xf32>
        %add3A_205 = arith.addf %mul3A_197, %mul3A_204 : vector<16xf32>
        %add3A_206 = arith.constant 2 : i32
        %add3A_207 = arith.addi %mul3A_163, %add3A_206 : i32
        %get3A_208 = arith.index_cast %add3A_207 : i32 to index
        %get3A_209 = arith.constant 16 : index
        %get3A_210 = tpu.vector_load %arg9[%get3A_208, %get3A_209] {strides = array<i32>} : memref<120x128xf32, #tpu.memory_space<vmem>>, vector<1x16xf32>,
        %get3A_211 = vector.shape_cast %get3A_210 : vector<1x16xf32> to vector<16xf32>
        %mul3A_212 = arith.mulf %get3A_211, %div3A_156 : vector<16xf32>
        %add3A_213 = arith.addf %add3A_205, %mul3A_212 : vector<16xf32>
        %mul3A_214 = arith.mulf %add3A_213, %div3A_161 : vector<16xf32>
        %get3A_215 = arith.index_cast %scan3A_114 : i32 to index
        %get3A_216 = arith.constant 16 : index
        %get3A_217 = tpu.vector_load %arg11[%get3A_215, %get3A_216] {strides = array<i32>} : memref<40x128xf32, #tpu.memory_space<vmem>>, vector<1x16xf32>,
        %get3A_218 = vector.shape_cast %get3A_217 : vector<1x16xf32> to vector<16xf32>
        %sub3A_219 = arith.subf %mul3A_214, %get3A_218 : vector<16xf32>
        %mul3A_220 = arith.mulf %sub3A_219, %sub3A_219 : vector<16xf32>
        %add3A_221 = arith.addf %add3A_192, %mul3A_220 : vector<16xf32>
        %get3A_222 = arith.index_cast %mul3A_163 : i32 to index
        %get3A_223 = arith.constant 32 : index
        %get3A_224 = tpu.vector_load %arg9[%get3A_222, %get3A_223] {strides = array<i32>} : memref<120x128xf32, #tpu.memory_space<vmem>>, vector<1x16xf32>,
        %get3A_225 = vector.shape_cast %get3A_224 : vector<1x16xf32> to vector<16xf32>
        %mul3A_226 = arith.mulf %get3A_225, %div3A_128 : vector<16xf32>
        %add3A_227 = arith.constant 1 : i32
        %add3A_228 = arith.addi %mul3A_163, %add3A_227 : i32
        %get3A_229 = arith.index_cast %add3A_228 : i32 to index
        %get3A_230 = arith.constant 32 : index
        %get3A_231 = tpu.vector_load %arg9[%get3A_229, %get3A_230] {strides = array<i32>} : memref<120x128xf32, #tpu.memory_space<vmem>>, vector<1x16xf32>,
        %get3A_232 = vector.shape_cast %get3A_231 : vector<1x16xf32> to vector<16xf32>
        %mul3A_233 = arith.mulf %get3A_232, %div3A_142 : vector<16xf32>
        %add3A_234 = arith.addf %mul3A_226, %mul3A_233 : vector<16xf32>
        %add3A_235 = arith.constant 2 : i32
        %add3A_236 = arith.addi %mul3A_163, %add3A_235 : i32
        %get3A_237 = arith.index_cast %add3A_236 : i32 to index
        %get3A_238 = arith.constant 32 : index
        %get3A_239 = tpu.vector_load %arg9[%get3A_237, %get3A_238] {strides = array<i32>} : memref<120x128xf32, #tpu.memory_space<vmem>>, vector<1x16xf32>,
        %get3A_240 = vector.shape_cast %get3A_239 : vector<1x16xf32> to vector<16xf32>
        %mul3A_241 = arith.mulf %get3A_240, %div3A_156 : vector<16xf32>
        %add3A_242 = arith.addf %add3A_234, %mul3A_241 : vector<16xf32>
        %mul3A_243 = arith.mulf %add3A_242, %div3A_161 : vector<16xf32>
        %get3A_244 = arith.index_cast %scan3A_114 : i32 to index
        %get3A_245 = arith.constant 32 : index
        %get3A_246 = tpu.vector_load %arg11[%get3A_244, %get3A_245] {strides = array<i32>} : memref<40x128xf32, #tpu.memory_space<vmem>>, vector<1x16xf32>,
        %get3A_247 = vector.shape_cast %get3A_246 : vector<1x16xf32> to vector<16xf32>
        %sub3A_248 = arith.subf %mul3A_243, %get3A_247 : vector<16xf32>
        %mul3A_249 = arith.mulf %sub3A_248, %sub3A_248 : vector<16xf32>
        %add3A_250 = arith.addf %add3A_221, %mul3A_249 : vector<16xf32>
        %get3A_251 = arith.index_cast %mul3A_163 : i32 to index
        %get3A_252 = arith.constant 48 : index
        %get3A_253 = tpu.vector_load %arg9[%get3A_251, %get3A_252] {strides = array<i32>} : memref<120x128xf32, #tpu.memory_space<vmem>>, vector<1x16xf32>,
        %get3A_254 = vector.shape_cast %get3A_253 : vector<1x16xf32> to vector<16xf32>
        %mul3A_255 = arith.mulf %get3A_254, %div3A_128 : vector<16xf32>
        %add3A_256 = arith.constant 1 : i32
        %add3A_257 = arith.addi %mul3A_163, %add3A_256 : i32
        %get3A_258 = arith.index_cast %add3A_257 : i32 to index
        %get3A_259 = arith.constant 48 : index
        %get3A_260 = tpu.vector_load %arg9[%get3A_258, %get3A_259] {strides = array<i32>} : memref<120x128xf32, #tpu.memory_space<vmem>>, vector<1x16xf32>,
        %get3A_261 = vector.shape_cast %get3A_260 : vector<1x16xf32> to vector<16xf32>
        %mul3A_262 = arith.mulf %get3A_261, %div3A_142 : vector<16xf32>
        %add3A_263 = arith.addf %mul3A_255, %mul3A_262 : vector<16xf32>
        %add3A_264 = arith.constant 2 : i32
        %add3A_265 = arith.addi %mul3A_163, %add3A_264 : i32
        %get3A_266 = arith.index_cast %add3A_265 : i32 to index
        %get3A_267 = arith.constant 48 : index
        %get3A_268 = tpu.vector_load %arg9[%get3A_266, %get3A_267] {strides = array<i32>} : memref<120x128xf32, #tpu.memory_space<vmem>>, vector<1x16xf32>,
        %get3A_269 = vector.shape_cast %get3A_268 : vector<1x16xf32> to vector<16xf32>
        %mul3A_270 = arith.mulf %get3A_269, %div3A_156 : vector<16xf32>
        %add3A_271 = arith.addf %add3A_263, %mul3A_270 : vector<16xf32>
        %mul3A_272 = arith.mulf %add3A_271, %div3A_161 : vector<16xf32>
        %get3A_273 = arith.index_cast %scan3A_114 : i32 to index
        %get3A_274 = arith.constant 48 : index
        %get3A_275 = tpu.vector_load %arg11[%get3A_273, %get3A_274] {strides = array<i32>} : memref<40x128xf32, #tpu.memory_space<vmem>>, vector<1x16xf32>,
        %get3A_276 = vector.shape_cast %get3A_275 : vector<1x16xf32> to vector<16xf32>
        %sub3A_277 = arith.subf %mul3A_272, %get3A_276 : vector<16xf32>
        %mul3A_278 = arith.mulf %sub3A_277, %sub3A_277 : vector<16xf32>
        %add3A_279 = arith.addf %add3A_250, %mul3A_278 : vector<16xf32>
        %get3A_280 = arith.index_cast %mul3A_163 : i32 to index
        %get3A_281 = arith.constant 64 : index
        %get3A_282 = tpu.vector_load %arg9[%get3A_280, %get3A_281] {strides = array<i32>} : memref<120x128xf32, #tpu.memory_space<vmem>>, vector<1x16xf32>,
        %get3A_283 = vector.shape_cast %get3A_282 : vector<1x16xf32> to vector<16xf32>
        %mul3A_284 = arith.mulf %get3A_283, %div3A_128 : vector<16xf32>
        %add3A_285 = arith.constant 1 : i32
        %add3A_286 = arith.addi %mul3A_163, %add3A_285 : i32
        %get3A_287 = arith.index_cast %add3A_286 : i32 to index
        %get3A_288 = arith.constant 64 : index
        %get3A_289 = tpu.vector_load %arg9[%get3A_287, %get3A_288] {strides = array<i32>} : memref<120x128xf32, #tpu.memory_space<vmem>>, vector<1x16xf32>,
        %get3A_290 = vector.shape_cast %get3A_289 : vector<1x16xf32> to vector<16xf32>
        %mul3A_291 = arith.mulf %get3A_290, %div3A_142 : vector<16xf32>
        %add3A_292 = arith.addf %mul3A_284, %mul3A_291 : vector<16xf32>
        %add3A_293 = arith.constant 2 : i32
        %add3A_294 = arith.addi %mul3A_163, %add3A_293 : i32
        %get3A_295 = arith.index_cast %add3A_294 : i32 to index
        %get3A_296 = arith.constant 64 : index
        %get3A_297 = tpu.vector_load %arg9[%get3A_295, %get3A_296] {strides = array<i32>} : memref<120x128xf32, #tpu.memory_space<vmem>>, vector<1x16xf32>,
        %get3A_298 = vector.shape_cast %get3A_297 : vector<1x16xf32> to vector<16xf32>
        %mul3A_299 = arith.mulf %get3A_298, %div3A_156 : vector<16xf32>
        %add3A_300 = arith.addf %add3A_292, %mul3A_299 : vector<16xf32>
        %mul3A_301 = arith.mulf %add3A_300, %div3A_161 : vector<16xf32>
        %get3A_302 = arith.index_cast %scan3A_114 : i32 to index
        %get3A_303 = arith.constant 64 : index
        %get3A_304 = tpu.vector_load %arg11[%get3A_302, %get3A_303] {strides = array<i32>} : memref<40x128xf32, #tpu.memory_space<vmem>>, vector<1x16xf32>,
        %get3A_305 = vector.shape_cast %get3A_304 : vector<1x16xf32> to vector<16xf32>
        %sub3A_306 = arith.subf %mul3A_301, %get3A_305 : vector<16xf32>
        %mul3A_307 = arith.mulf %sub3A_306, %sub3A_306 : vector<16xf32>
        %add3A_308 = arith.addf %add3A_279, %mul3A_307 : vector<16xf32>
        %get3A_309 = arith.index_cast %mul3A_163 : i32 to index
        %get3A_310 = arith.constant 80 : index
        %get3A_311 = tpu.vector_load %arg9[%get3A_309, %get3A_310] {strides = array<i32>} : memref<120x128xf32, #tpu.memory_space<vmem>>, vector<1x16xf32>,
        %get3A_312 = vector.shape_cast %get3A_311 : vector<1x16xf32> to vector<16xf32>
        %mul3A_313 = arith.mulf %get3A_312, %div3A_128 : vector<16xf32>
        %add3A_314 = arith.constant 1 : i32
        %add3A_315 = arith.addi %mul3A_163, %add3A_314 : i32
        %get3A_316 = arith.index_cast %add3A_315 : i32 to index
        %get3A_317 = arith.constant 80 : index
        %get3A_318 = tpu.vector_load %arg9[%get3A_316, %get3A_317] {strides = array<i32>} : memref<120x128xf32, #tpu.memory_space<vmem>>, vector<1x16xf32>,
        %get3A_319 = vector.shape_cast %get3A_318 : vector<1x16xf32> to vector<16xf32>
        %mul3A_320 = arith.mulf %get3A_319, %div3A_142 : vector<16xf32>
        %add3A_321 = arith.addf %mul3A_313, %mul3A_320 : vector<16xf32>
        %add3A_322 = arith.constant 2 : i32
        %add3A_323 = arith.addi %mul3A_163, %add3A_322 : i32
        %get3A_324 = arith.index_cast %add3A_323 : i32 to index
        %get3A_325 = arith.constant 80 : index
        %get3A_326 = tpu.vector_load %arg9[%get3A_324, %get3A_325] {strides = array<i32>} : memref<120x128xf32, #tpu.memory_space<vmem>>, vector<1x16xf32>,
        %get3A_327 = vector.shape_cast %get3A_326 : vector<1x16xf32> to vector<16xf32>
        %mul3A_328 = arith.mulf %get3A_327, %div3A_156 : vector<16xf32>
        %add3A_329 = arith.addf %add3A_321, %mul3A_328 : vector<16xf32>
        %mul3A_330 = arith.mulf %add3A_329, %div3A_161 : vector<16xf32>
        %get3A_331 = arith.index_cast %scan3A_114 : i32 to index
        %get3A_332 = arith.constant 80 : index
        %get3A_333 = tpu.vector_load %arg11[%get3A_331, %get3A_332] {strides = array<i32>} : memref<40x128xf32, #tpu.memory_space<vmem>>, vector<1x16xf32>,
        %get3A_334 = vector.shape_cast %get3A_333 : vector<1x16xf32> to vector<16xf32>
        %sub3A_335 = arith.subf %mul3A_330, %get3A_334 : vector<16xf32>
        %mul3A_336 = arith.mulf %sub3A_335, %sub3A_335 : vector<16xf32>
        %add3A_337 = arith.addf %add3A_308, %mul3A_336 : vector<16xf32>
        %get3A_338 = arith.index_cast %mul3A_163 : i32 to index
        %get3A_339 = arith.constant 96 : index
        %get3A_340 = tpu.vector_load %arg9[%get3A_338, %get3A_339] {strides = array<i32>} : memref<120x128xf32, #tpu.memory_space<vmem>>, vector<1x16xf32>,
        %get3A_341 = vector.shape_cast %get3A_340 : vector<1x16xf32> to vector<16xf32>
        %mul3A_342 = arith.mulf %get3A_341, %div3A_128 : vector<16xf32>
        %add3A_343 = arith.constant 1 : i32
        %add3A_344 = arith.addi %mul3A_163, %add3A_343 : i32
        %get3A_345 = arith.index_cast %add3A_344 : i32 to index
        %get3A_346 = arith.constant 96 : index
        %get3A_347 = tpu.vector_load %arg9[%get3A_345, %get3A_346] {strides = array<i32>} : memref<120x128xf32, #tpu.memory_space<vmem>>, vector<1x16xf32>,
        %get3A_348 = vector.shape_cast %get3A_347 : vector<1x16xf32> to vector<16xf32>
        %mul3A_349 = arith.mulf %get3A_348, %div3A_142 : vector<16xf32>
        %add3A_350 = arith.addf %mul3A_342, %mul3A_349 : vector<16xf32>
        %add3A_351 = arith.constant 2 : i32
        %add3A_352 = arith.addi %mul3A_163, %add3A_351 : i32
        %get3A_353 = arith.index_cast %add3A_352 : i32 to index
        %get3A_354 = arith.constant 96 : index
        %get3A_355 = tpu.vector_load %arg9[%get3A_353, %get3A_354] {strides = array<i32>} : memref<120x128xf32, #tpu.memory_space<vmem>>, vector<1x16xf32>,
        %get3A_356 = vector.shape_cast %get3A_355 : vector<1x16xf32> to vector<16xf32>
        %mul3A_357 = arith.mulf %get3A_356, %div3A_156 : vector<16xf32>
        %add3A_358 = arith.addf %add3A_350, %mul3A_357 : vector<16xf32>
        %mul3A_359 = arith.mulf %add3A_358, %div3A_161 : vector<16xf32>
        %get3A_360 = arith.index_cast %scan3A_114 : i32 to index
        %get3A_361 = arith.constant 96 : index
        %get3A_362 = tpu.vector_load %arg11[%get3A_360, %get3A_361] {strides = array<i32>} : memref<40x128xf32, #tpu.memory_space<vmem>>, vector<1x16xf32>,
        %get3A_363 = vector.shape_cast %get3A_362 : vector<1x16xf32> to vector<16xf32>
        %sub3A_364 = arith.subf %mul3A_359, %get3A_363 : vector<16xf32>
        %mul3A_365 = arith.mulf %sub3A_364, %sub3A_364 : vector<16xf32>
        %add3A_366 = arith.addf %add3A_337, %mul3A_365 : vector<16xf32>
        %get3A_367 = arith.index_cast %mul3A_163 : i32 to index
        %get3A_368 = arith.constant 112 : index
        %get3A_369 = tpu.vector_load %arg9[%get3A_367, %get3A_368] {strides = array<i32>} : memref<120x128xf32, #tpu.memory_space<vmem>>, vector<1x16xf32>,
        %get3A_370 = vector.shape_cast %get3A_369 : vector<1x16xf32> to vector<16xf32>
        %mul3A_371 = arith.mulf %get3A_370, %div3A_128 : vector<16xf32>
        %add3A_372 = arith.constant 1 : i32
        %add3A_373 = arith.addi %mul3A_163, %add3A_372 : i32
        %get3A_374 = arith.index_cast %add3A_373 : i32 to index
        %get3A_375 = arith.constant 112 : index
        %get3A_376 = tpu.vector_load %arg9[%get3A_374, %get3A_375] {strides = array<i32>} : memref<120x128xf32, #tpu.memory_space<vmem>>, vector<1x16xf32>,
        %get3A_377 = vector.shape_cast %get3A_376 : vector<1x16xf32> to vector<16xf32>
        %mul3A_378 = arith.mulf %get3A_377, %div3A_142 : vector<16xf32>
        %add3A_379 = arith.addf %mul3A_371, %mul3A_378 : vector<16xf32>
        %add3A_380 = arith.constant 2 : i32
        %add3A_381 = arith.addi %mul3A_163, %add3A_380 : i32
        %get3A_382 = arith.index_cast %add3A_381 : i32 to index
        %get3A_383 = arith.constant 112 : index
        %get3A_384 = tpu.vector_load %arg9[%get3A_382, %get3A_383] {strides = array<i32>} : memref<120x128xf32, #tpu.memory_space<vmem>>, vector<1x16xf32>,
        %get3A_385 = vector.shape_cast %get3A_384 : vector<1x16xf32> to vector<16xf32>
        %mul3A_386 = arith.mulf %get3A_385, %div3A_156 : vector<16xf32>
        %add3A_387 = arith.addf %add3A_379, %mul3A_386 : vector<16xf32>
        %mul3A_388 = arith.mulf %add3A_387, %div3A_161 : vector<16xf32>
        %get3A_389 = arith.index_cast %scan3A_114 : i32 to index
        %get3A_390 = arith.constant 112 : index
        %get3A_391 = tpu.vector_load %arg11[%get3A_389, %get3A_390] {strides = array<i32>} : memref<40x128xf32, #tpu.memory_space<vmem>>, vector<1x16xf32>,
        %get3A_392 = vector.shape_cast %get3A_391 : vector<1x16xf32> to vector<16xf32>
        %sub3A_393 = arith.subf %mul3A_388, %get3A_392 : vector<16xf32>
        %mul3A_394 = arith.mulf %sub3A_393, %sub3A_393 : vector<16xf32>
        %add3A_395 = arith.addf %add3A_366, %mul3A_394 : vector<16xf32>
        scf.yield %add3A_395 : vector<16xf32>
      }
      %scan3A_90 = arith.constant 40 : i32
      %add3A_91 = arith.constant 2 : i32
      %add3A_92 = arith.addi %mul3A_70, %add3A_91 : i32
      %lt3A_93 = arith.cmpi slt, %add3A_92, %min3A : i32
      %convert_element_type3A_94 = arith.extui %lt3A_93 : i1 to i32
      %cond3A_95 = arith.constant 0 : i32
      %cond3A_96 = arith.cmpi ne, %convert_element_type3A_94, %cond3A_95 : i32
      scf.if %cond3A_96 {
        %add3A_114 = arith.constant 2 : i32
        %add3A_115 = arith.addi %mul3A_70, %add3A_114 : i32
        %mul3A_116 = arith.constant 120 : i32
        %mul3A_117 = arith.muli %add3A_115, %mul3A_116 : i32
        %add3A_118 = arith.addi %mul3A_4, %mul3A_117 : i32
        "tpu.region"() ({
          %run_scoped3A = tpu.sem_alloc : memref<!tpu.dma_semaphore, #tpu.memory_space<semaphore_mem>>
          %dma_start3A_132 = tpu.memref_slice %arg3[%add3A_118] : memref<30720xi32, #tpu.memory_space<hbm>> -> memref<120xi32, #tpu.memory_space<hbm>>
          %dma_start3A_133 = tpu.memref_slice %arg3[%add3A_118] : memref<30720xi32, #tpu.memory_space<hbm>> -> memref<120xi32, #tpu.memory_space<hbm>>
          tpu.enqueue_dma source(%dma_start3A_133 : memref<120xi32, #tpu.memory_space<hbm>>) target(%arg7 : memref<120xi32, #tpu.memory_space<vmem>>) target_semaphore(%run_scoped3A : memref<!tpu.dma_semaphore, #tpu.memory_space<semaphore_mem>>)
          %dma_wait3A_134 = tpu.memref_slice %arg3[%add3A_118] : memref<30720xi32, #tpu.memory_space<hbm>> -> memref<120xi32, #tpu.memory_space<hbm>>
          %dma_wait3A_135 = tpu.memref_slice %arg3[%add3A_118] : memref<30720xi32, #tpu.memory_space<hbm>> -> memref<120xi32, #tpu.memory_space<hbm>>
          tpu.wait_dma2 semaphore(%run_scoped3A : memref<!tpu.dma_semaphore, #tpu.memory_space<semaphore_mem>>) src(%dma_wait3A_135 : memref<120xi32, #tpu.memory_space<hbm>>) dst(%arg7 : memref<120xi32, #tpu.memory_space<vmem>>)
          tpu.yield
        }) : () -> ()
        %dma_start3A = arith.constant 0 : i32
        %dma_start3A_119 = arith.constant 0 : i32
        %dma_start3A_120 = tpu.memref_slice %arg2[%dma_start3A, %dma_start3A_119] : memref<10000x128xf32, #tpu.memory_space<hbm>> -> memref<10000x128xf32, #tpu.memory_space<hbm>>
        tpu.enqueue_indirect_dma source(%dma_start3A_120 : memref<10000x128xf32, #tpu.memory_space<hbm>>) target(%arg9 : memref<120x128xf32, #tpu.memory_space<vmem>>) offsets(%arg7 : memref<120xi32, #tpu.memory_space<vmem>>) semaphore(%arg16 : memref<!tpu.dma_semaphore, #tpu.memory_space<semaphore_mem>>)
        %mul3A_121 = arith.constant 40 : i32
        %mul3A_122 = arith.muli %add3A_115, %mul3A_121 : i32
        %add3A_123 = arith.addi %mul3A_2, %mul3A_122 : i32
        %dma_start3A_124 = arith.constant 0 : i32
        %dma_start3A_125 = tpu.memref_slice %arg5[%add3A_123, %dma_start3A_124] : memref<10000x128xf32, #tpu.memory_space<hbm>> -> memref<40x128xf32, #tpu.memory_space<hbm>>
        %dma_start3A_126 = arith.constant 0 : i32
        %dma_start3A_127 = tpu.memref_slice %arg5[%add3A_123, %dma_start3A_126] : memref<10000x128xf32, #tpu.memory_space<hbm>> -> memref<40x128xf32, #tpu.memory_space<hbm>>
        tpu.enqueue_dma source(%dma_start3A_127 : memref<40x128xf32, #tpu.memory_space<hbm>>) target(%arg11 : memref<40x128xf32, #tpu.memory_space<vmem>>) target_semaphore(%arg18 : memref<!tpu.dma_semaphore, #tpu.memory_space<semaphore_mem>>)
        %dma_start3A_128 = arith.constant 0 : i32
        %dma_start3A_129 = tpu.memref_slice %arg4[%add3A_118, %dma_start3A_128] : memref<30720x16xf32, #tpu.memory_space<hbm>> -> memref<120x16xf32, #tpu.memory_space<hbm>>
        %dma_start3A_130 = arith.constant 0 : i32
        %dma_start3A_131 = tpu.memref_slice %arg4[%add3A_118, %dma_start3A_130] : memref<30720x16xf32, #tpu.memory_space<hbm>> -> memref<120x16xf32, #tpu.memory_space<hbm>>
        tpu.enqueue_dma source(%dma_start3A_131 : memref<120x16xf32, #tpu.memory_space<hbm>>) target(%arg13 : memref<120x16xf32, #tpu.memory_space<vmem>>) target_semaphore(%arg20 : memref<!tpu.dma_semaphore, #tpu.memory_space<semaphore_mem>>)
      } else {
      }
      %dma_wait3A_97 = arith.constant 0 : i32
      %dma_wait3A_98 = arith.constant 0 : i32
      %dma_wait3A_99 = tpu.memref_slice %arg2[%dma_wait3A_97, %dma_wait3A_98] : memref<10000x128xf32, #tpu.memory_space<hbm>> -> memref<10000x128xf32, #tpu.memory_space<hbm>>
      tpu.wait_indirect_dma semaphore(%arg17 : memref<!tpu.dma_semaphore, #tpu.memory_space<semaphore_mem>>) src(%dma_wait3A_99 : memref<10000x128xf32, #tpu.memory_space<hbm>>) dst(%arg10 : memref<120x128xf32, #tpu.memory_space<vmem>>)
      %dma_wait3A_100 = arith.constant 0 : i32
      %dma_wait3A_101 = tpu.memref_slice %arg5[%mul3A_2, %dma_wait3A_100] : memref<10000x128xf32, #tpu.memory_space<hbm>> -> memref<40x128xf32, #tpu.memory_space<hbm>>
      %dma_wait3A_102 = arith.constant 0 : i32
      %dma_wait3A_103 = tpu.memref_slice %arg5[%mul3A_2, %dma_wait3A_102] : memref<10000x128xf32, #tpu.memory_space<hbm>> -> memref<40x128xf32, #tpu.memory_space<hbm>>
      tpu.wait_dma2 semaphore(%arg19 : memref<!tpu.dma_semaphore, #tpu.memory_space<semaphore_mem>>) src(%dma_wait3A_103 : memref<40x128xf32, #tpu.memory_space<hbm>>) dst(%arg12 : memref<40x128xf32, #tpu.memory_space<vmem>>)
      %dma_wait3A_104 = arith.constant 0 : i32
      %dma_wait3A_105 = tpu.memref_slice %arg4[%mul3A_4, %dma_wait3A_104] : memref<30720x16xf32, #tpu.memory_space<hbm>> -> memref<120x16xf32, #tpu.memory_space<hbm>>
      %dma_wait3A_106 = arith.constant 0 : i32
      %dma_wait3A_107 = tpu.memref_slice %arg4[%mul3A_4, %dma_wait3A_106] : memref<30720x16xf32, #tpu.memory_space<hbm>> -> memref<120x16xf32, #tpu.memory_space<hbm>>
      tpu.wait_dma2 semaphore(%arg21 : memref<!tpu.dma_semaphore, #tpu.memory_space<semaphore_mem>>) src(%dma_wait3A_107 : memref<120x16xf32, #tpu.memory_space<hbm>>) dst(%arg14 : memref<120x16xf32, #tpu.memory_space<vmem>>)
      %scan3A_108 = arith.constant 0 : i32
      %scan3A_109 = arith.constant 40 : i32
      %scan3A_110 = arith.addi %scan3A_108, %scan3A_109 : i32
      %scan3A_111 = arith.constant 1 : i32
      %scan3A_112 = scf.for %scan3A_114 = %scan3A_108 to %scan3A_110 step %scan3A_111 iter_args(%scan3A_115 = %scan3A_89) -> (vector<16xf32>)  : i32 {
        %mul3A_116 = arith.constant 3 : i32
        %mul3A_117 = arith.muli %scan3A_114, %mul3A_116 : i32
        %add3A_118 = arith.constant 0 : i32
        %add3A_119 = arith.addi %mul3A_117, %add3A_118 : i32
        %get3A = arith.index_cast %add3A_119 : i32 to index
        %get3A_120 = arith.constant 0 : index
        %get3A_121 = tpu.vector_load %arg14[%get3A, %get3A_120] {strides = array<i32>} : memref<120x16xf32, #tpu.memory_space<vmem>>, vector<1x16xf32>,
        %get3A_122 = vector.shape_cast %get3A_121 : vector<1x16xf32> to vector<16xf32>
        %max3A_123 = arith.constant 1.000000e-16 : f32
        %max3A_124 = vector.broadcast %max3A_123 : f32 to vector<16xf32>
        %max3A_125 = arith.maximumf %get3A_122, %max3A_124 : vector<16xf32>
        %div3A_126 = arith.constant 1.000000e+00 : f32
        %div3A_127 = vector.broadcast %div3A_126 : f32 to vector<16xf32>
        %div3A_128 = arith.divf %div3A_127, %max3A_125 : vector<16xf32>
        %mul3A_129 = arith.constant 3 : i32
        %mul3A_130 = arith.muli %scan3A_114, %mul3A_129 : i32
        %add3A_131 = arith.constant 1 : i32
        %add3A_132 = arith.addi %mul3A_130, %add3A_131 : i32
        %get3A_133 = arith.index_cast %add3A_132 : i32 to index
        %get3A_134 = arith.constant 0 : index
        %get3A_135 = tpu.vector_load %arg14[%get3A_133, %get3A_134] {strides = array<i32>} : memref<120x16xf32, #tpu.memory_space<vmem>>, vector<1x16xf32>,
        %get3A_136 = vector.shape_cast %get3A_135 : vector<1x16xf32> to vector<16xf32>
        %max3A_137 = arith.constant 1.000000e-16 : f32
        %max3A_138 = vector.broadcast %max3A_137 : f32 to vector<16xf32>
        %max3A_139 = arith.maximumf %get3A_136, %max3A_138 : vector<16xf32>
        %div3A_140 = arith.constant 1.000000e+00 : f32
        %div3A_141 = vector.broadcast %div3A_140 : f32 to vector<16xf32>
        %div3A_142 = arith.divf %div3A_141, %max3A_139 : vector<16xf32>
        %mul3A_143 = arith.constant 3 : i32
        %mul3A_144 = arith.muli %scan3A_114, %mul3A_143 : i32
        %add3A_145 = arith.constant 2 : i32
        %add3A_146 = arith.addi %mul3A_144, %add3A_145 : i32
        %get3A_147 = arith.index_cast %add3A_146 : i32 to index
        %get3A_148 = arith.constant 0 : index
        %get3A_149 = tpu.vector_load %arg14[%get3A_147, %get3A_148] {strides = array<i32>} : memref<120x16xf32, #tpu.memory_space<vmem>>, vector<1x16xf32>,
        %get3A_150 = vector.shape_cast %get3A_149 : vector<1x16xf32> to vector<16xf32>
        %max3A_151 = arith.constant 1.000000e-16 : f32
        %max3A_152 = vector.broadcast %max3A_151 : f32 to vector<16xf32>
        %max3A_153 = arith.maximumf %get3A_150, %max3A_152 : vector<16xf32>
        %div3A_154 = arith.constant 1.000000e+00 : f32
        %div3A_155 = vector.broadcast %div3A_154 : f32 to vector<16xf32>
        %div3A_156 = arith.divf %div3A_155, %max3A_153 : vector<16xf32>
        %add3A_157 = arith.addf %div3A_128, %div3A_142 : vector<16xf32>
        %add3A_158 = arith.addf %add3A_157, %div3A_156 : vector<16xf32>
        %div3A_159 = arith.constant 1.000000e+00 : f32
        %div3A_160 = vector.broadcast %div3A_159 : f32 to vector<16xf32>
        %div3A_161 = arith.divf %div3A_160, %add3A_158 : vector<16xf32>
        %mul3A_162 = arith.constant 3 : i32
        %mul3A_163 = arith.muli %scan3A_114, %mul3A_162 : i32
        %get3A_164 = arith.index_cast %mul3A_163 : i32 to index
        %get3A_165 = arith.constant 0 : index
        %get3A_166 = tpu.vector_load %arg10[%get3A_164, %get3A_165] {strides = array<i32>} : memref<120x128xf32, #tpu.memory_space<vmem>>, vector<1x16xf32>,
        %get3A_167 = vector.shape_cast %get3A_166 : vector<1x16xf32> to vector<16xf32>
        %mul3A_168 = arith.mulf %get3A_167, %div3A_128 : vector<16xf32>
        %add3A_169 = arith.constant 1 : i32
        %add3A_170 = arith.addi %mul3A_163, %add3A_169 : i32
        %get3A_171 = arith.index_cast %add3A_170 : i32 to index
        %get3A_172 = arith.constant 0 : index
        %get3A_173 = tpu.vector_load %arg10[%get3A_171, %get3A_172] {strides = array<i32>} : memref<120x128xf32, #tpu.memory_space<vmem>>, vector<1x16xf32>,
        %get3A_174 = vector.shape_cast %get3A_173 : vector<1x16xf32> to vector<16xf32>
        %mul3A_175 = arith.mulf %get3A_174, %div3A_142 : vector<16xf32>
        %add3A_176 = arith.addf %mul3A_168, %mul3A_175 : vector<16xf32>
        %add3A_177 = arith.constant 2 : i32
        %add3A_178 = arith.addi %mul3A_163, %add3A_177 : i32
        %get3A_179 = arith.index_cast %add3A_178 : i32 to index
        %get3A_180 = arith.constant 0 : index
        %get3A_181 = tpu.vector_load %arg10[%get3A_179, %get3A_180] {strides = array<i32>} : memref<120x128xf32, #tpu.memory_space<vmem>>, vector<1x16xf32>,
        %get3A_182 = vector.shape_cast %get3A_181 : vector<1x16xf32> to vector<16xf32>
        %mul3A_183 = arith.mulf %get3A_182, %div3A_156 : vector<16xf32>
        %add3A_184 = arith.addf %add3A_176, %mul3A_183 : vector<16xf32>
        %mul3A_185 = arith.mulf %add3A_184, %div3A_161 : vector<16xf32>
        %get3A_186 = arith.index_cast %scan3A_114 : i32 to index
        %get3A_187 = arith.constant 0 : index
        %get3A_188 = tpu.vector_load %arg12[%get3A_186, %get3A_187] {strides = array<i32>} : memref<40x128xf32, #tpu.memory_space<vmem>>, vector<1x16xf32>,
        %get3A_189 = vector.shape_cast %get3A_188 : vector<1x16xf32> to vector<16xf32>
        %sub3A_190 = arith.subf %mul3A_185, %get3A_189 : vector<16xf32>
        %mul3A_191 = arith.mulf %sub3A_190, %sub3A_190 : vector<16xf32>
        %add3A_192 = arith.addf %scan3A_115, %mul3A_191 : vector<16xf32>
        %get3A_193 = arith.index_cast %mul3A_163 : i32 to index
        %get3A_194 = arith.constant 16 : index
        %get3A_195 = tpu.vector_load %arg10[%get3A_193, %get3A_194] {strides = array<i32>} : memref<120x128xf32, #tpu.memory_space<vmem>>, vector<1x16xf32>,
        %get3A_196 = vector.shape_cast %get3A_195 : vector<1x16xf32> to vector<16xf32>
        %mul3A_197 = arith.mulf %get3A_196, %div3A_128 : vector<16xf32>
        %add3A_198 = arith.constant 1 : i32
        %add3A_199 = arith.addi %mul3A_163, %add3A_198 : i32
        %get3A_200 = arith.index_cast %add3A_199 : i32 to index
        %get3A_201 = arith.constant 16 : index
        %get3A_202 = tpu.vector_load %arg10[%get3A_200, %get3A_201] {strides = array<i32>} : memref<120x128xf32, #tpu.memory_space<vmem>>, vector<1x16xf32>,
        %get3A_203 = vector.shape_cast %get3A_202 : vector<1x16xf32> to vector<16xf32>
        %mul3A_204 = arith.mulf %get3A_203, %div3A_142 : vector<16xf32>
        %add3A_205 = arith.addf %mul3A_197, %mul3A_204 : vector<16xf32>
        %add3A_206 = arith.constant 2 : i32
        %add3A_207 = arith.addi %mul3A_163, %add3A_206 : i32
        %get3A_208 = arith.index_cast %add3A_207 : i32 to index
        %get3A_209 = arith.constant 16 : index
        %get3A_210 = tpu.vector_load %arg10[%get3A_208, %get3A_209] {strides = array<i32>} : memref<120x128xf32, #tpu.memory_space<vmem>>, vector<1x16xf32>,
        %get3A_211 = vector.shape_cast %get3A_210 : vector<1x16xf32> to vector<16xf32>
        %mul3A_212 = arith.mulf %get3A_211, %div3A_156 : vector<16xf32>
        %add3A_213 = arith.addf %add3A_205, %mul3A_212 : vector<16xf32>
        %mul3A_214 = arith.mulf %add3A_213, %div3A_161 : vector<16xf32>
        %get3A_215 = arith.index_cast %scan3A_114 : i32 to index
        %get3A_216 = arith.constant 16 : index
        %get3A_217 = tpu.vector_load %arg12[%get3A_215, %get3A_216] {strides = array<i32>} : memref<40x128xf32, #tpu.memory_space<vmem>>, vector<1x16xf32>,
        %get3A_218 = vector.shape_cast %get3A_217 : vector<1x16xf32> to vector<16xf32>
        %sub3A_219 = arith.subf %mul3A_214, %get3A_218 : vector<16xf32>
        %mul3A_220 = arith.mulf %sub3A_219, %sub3A_219 : vector<16xf32>
        %add3A_221 = arith.addf %add3A_192, %mul3A_220 : vector<16xf32>
        %get3A_222 = arith.index_cast %mul3A_163 : i32 to index
        %get3A_223 = arith.constant 32 : index
        %get3A_224 = tpu.vector_load %arg10[%get3A_222, %get3A_223] {strides = array<i32>} : memref<120x128xf32, #tpu.memory_space<vmem>>, vector<1x16xf32>,
        %get3A_225 = vector.shape_cast %get3A_224 : vector<1x16xf32> to vector<16xf32>
        %mul3A_226 = arith.mulf %get3A_225, %div3A_128 : vector<16xf32>
        %add3A_227 = arith.constant 1 : i32
        %add3A_228 = arith.addi %mul3A_163, %add3A_227 : i32
        %get3A_229 = arith.index_cast %add3A_228 : i32 to index
        %get3A_230 = arith.constant 32 : index
        %get3A_231 = tpu.vector_load %arg10[%get3A_229, %get3A_230] {strides = array<i32>} : memref<120x128xf32, #tpu.memory_space<vmem>>, vector<1x16xf32>,
        %get3A_232 = vector.shape_cast %get3A_231 : vector<1x16xf32> to vector<16xf32>
        %mul3A_233 = arith.mulf %get3A_232, %div3A_142 : vector<16xf32>
        %add3A_234 = arith.addf %mul3A_226, %mul3A_233 : vector<16xf32>
        %add3A_235 = arith.constant 2 : i32
        %add3A_236 = arith.addi %mul3A_163, %add3A_235 : i32
        %get3A_237 = arith.index_cast %add3A_236 : i32 to index
        %get3A_238 = arith.constant 32 : index
        %get3A_239 = tpu.vector_load %arg10[%get3A_237, %get3A_238] {strides = array<i32>} : memref<120x128xf32, #tpu.memory_space<vmem>>, vector<1x16xf32>,
        %get3A_240 = vector.shape_cast %get3A_239 : vector<1x16xf32> to vector<16xf32>
        %mul3A_241 = arith.mulf %get3A_240, %div3A_156 : vector<16xf32>
        %add3A_242 = arith.addf %add3A_234, %mul3A_241 : vector<16xf32>
        %mul3A_243 = arith.mulf %add3A_242, %div3A_161 : vector<16xf32>
        %get3A_244 = arith.index_cast %scan3A_114 : i32 to index
        %get3A_245 = arith.constant 32 : index
        %get3A_246 = tpu.vector_load %arg12[%get3A_244, %get3A_245] {strides = array<i32>} : memref<40x128xf32, #tpu.memory_space<vmem>>, vector<1x16xf32>,
        %get3A_247 = vector.shape_cast %get3A_246 : vector<1x16xf32> to vector<16xf32>
        %sub3A_248 = arith.subf %mul3A_243, %get3A_247 : vector<16xf32>
        %mul3A_249 = arith.mulf %sub3A_248, %sub3A_248 : vector<16xf32>
        %add3A_250 = arith.addf %add3A_221, %mul3A_249 : vector<16xf32>
        %get3A_251 = arith.index_cast %mul3A_163 : i32 to index
        %get3A_252 = arith.constant 48 : index
        %get3A_253 = tpu.vector_load %arg10[%get3A_251, %get3A_252] {strides = array<i32>} : memref<120x128xf32, #tpu.memory_space<vmem>>, vector<1x16xf32>,
        %get3A_254 = vector.shape_cast %get3A_253 : vector<1x16xf32> to vector<16xf32>
        %mul3A_255 = arith.mulf %get3A_254, %div3A_128 : vector<16xf32>
        %add3A_256 = arith.constant 1 : i32
        %add3A_257 = arith.addi %mul3A_163, %add3A_256 : i32
        %get3A_258 = arith.index_cast %add3A_257 : i32 to index
        %get3A_259 = arith.constant 48 : index
        %get3A_260 = tpu.vector_load %arg10[%get3A_258, %get3A_259] {strides = array<i32>} : memref<120x128xf32, #tpu.memory_space<vmem>>, vector<1x16xf32>,
        %get3A_261 = vector.shape_cast %get3A_260 : vector<1x16xf32> to vector<16xf32>
        %mul3A_262 = arith.mulf %get3A_261, %div3A_142 : vector<16xf32>
        %add3A_263 = arith.addf %mul3A_255, %mul3A_262 : vector<16xf32>
        %add3A_264 = arith.constant 2 : i32
        %add3A_265 = arith.addi %mul3A_163, %add3A_264 : i32
        %get3A_266 = arith.index_cast %add3A_265 : i32 to index
        %get3A_267 = arith.constant 48 : index
        %get3A_268 = tpu.vector_load %arg10[%get3A_266, %get3A_267] {strides = array<i32>} : memref<120x128xf32, #tpu.memory_space<vmem>>, vector<1x16xf32>,
        %get3A_269 = vector.shape_cast %get3A_268 : vector<1x16xf32> to vector<16xf32>
        %mul3A_270 = arith.mulf %get3A_269, %div3A_156 : vector<16xf32>
        %add3A_271 = arith.addf %add3A_263, %mul3A_270 : vector<16xf32>
        %mul3A_272 = arith.mulf %add3A_271, %div3A_161 : vector<16xf32>
        %get3A_273 = arith.index_cast %scan3A_114 : i32 to index
        %get3A_274 = arith.constant 48 : index
        %get3A_275 = tpu.vector_load %arg12[%get3A_273, %get3A_274] {strides = array<i32>} : memref<40x128xf32, #tpu.memory_space<vmem>>, vector<1x16xf32>,
        %get3A_276 = vector.shape_cast %get3A_275 : vector<1x16xf32> to vector<16xf32>
        %sub3A_277 = arith.subf %mul3A_272, %get3A_276 : vector<16xf32>
        %mul3A_278 = arith.mulf %sub3A_277, %sub3A_277 : vector<16xf32>
        %add3A_279 = arith.addf %add3A_250, %mul3A_278 : vector<16xf32>
        %get3A_280 = arith.index_cast %mul3A_163 : i32 to index
        %get3A_281 = arith.constant 64 : index
        %get3A_282 = tpu.vector_load %arg10[%get3A_280, %get3A_281] {strides = array<i32>} : memref<120x128xf32, #tpu.memory_space<vmem>>, vector<1x16xf32>,
        %get3A_283 = vector.shape_cast %get3A_282 : vector<1x16xf32> to vector<16xf32>
        %mul3A_284 = arith.mulf %get3A_283, %div3A_128 : vector<16xf32>
        %add3A_285 = arith.constant 1 : i32
        %add3A_286 = arith.addi %mul3A_163, %add3A_285 : i32
        %get3A_287 = arith.index_cast %add3A_286 : i32 to index
        %get3A_288 = arith.constant 64 : index
        %get3A_289 = tpu.vector_load %arg10[%get3A_287, %get3A_288] {strides = array<i32>} : memref<120x128xf32, #tpu.memory_space<vmem>>, vector<1x16xf32>,
        %get3A_290 = vector.shape_cast %get3A_289 : vector<1x16xf32> to vector<16xf32>
        %mul3A_291 = arith.mulf %get3A_290, %div3A_142 : vector<16xf32>
        %add3A_292 = arith.addf %mul3A_284, %mul3A_291 : vector<16xf32>
        %add3A_293 = arith.constant 2 : i32
        %add3A_294 = arith.addi %mul3A_163, %add3A_293 : i32
        %get3A_295 = arith.index_cast %add3A_294 : i32 to index
        %get3A_296 = arith.constant 64 : index
        %get3A_297 = tpu.vector_load %arg10[%get3A_295, %get3A_296] {strides = array<i32>} : memref<120x128xf32, #tpu.memory_space<vmem>>, vector<1x16xf32>,
        %get3A_298 = vector.shape_cast %get3A_297 : vector<1x16xf32> to vector<16xf32>
        %mul3A_299 = arith.mulf %get3A_298, %div3A_156 : vector<16xf32>
        %add3A_300 = arith.addf %add3A_292, %mul3A_299 : vector<16xf32>
        %mul3A_301 = arith.mulf %add3A_300, %div3A_161 : vector<16xf32>
        %get3A_302 = arith.index_cast %scan3A_114 : i32 to index
        %get3A_303 = arith.constant 64 : index
        %get3A_304 = tpu.vector_load %arg12[%get3A_302, %get3A_303] {strides = array<i32>} : memref<40x128xf32, #tpu.memory_space<vmem>>, vector<1x16xf32>,
        %get3A_305 = vector.shape_cast %get3A_304 : vector<1x16xf32> to vector<16xf32>
        %sub3A_306 = arith.subf %mul3A_301, %get3A_305 : vector<16xf32>
        %mul3A_307 = arith.mulf %sub3A_306, %sub3A_306 : vector<16xf32>
        %add3A_308 = arith.addf %add3A_279, %mul3A_307 : vector<16xf32>
        %get3A_309 = arith.index_cast %mul3A_163 : i32 to index
        %get3A_310 = arith.constant 80 : index
        %get3A_311 = tpu.vector_load %arg10[%get3A_309, %get3A_310] {strides = array<i32>} : memref<120x128xf32, #tpu.memory_space<vmem>>, vector<1x16xf32>,
        %get3A_312 = vector.shape_cast %get3A_311 : vector<1x16xf32> to vector<16xf32>
        %mul3A_313 = arith.mulf %get3A_312, %div3A_128 : vector<16xf32>
        %add3A_314 = arith.constant 1 : i32
        %add3A_315 = arith.addi %mul3A_163, %add3A_314 : i32
        %get3A_316 = arith.index_cast %add3A_315 : i32 to index
        %get3A_317 = arith.constant 80 : index
        %get3A_318 = tpu.vector_load %arg10[%get3A_316, %get3A_317] {strides = array<i32>} : memref<120x128xf32, #tpu.memory_space<vmem>>, vector<1x16xf32>,
        %get3A_319 = vector.shape_cast %get3A_318 : vector<1x16xf32> to vector<16xf32>
        %mul3A_320 = arith.mulf %get3A_319, %div3A_142 : vector<16xf32>
        %add3A_321 = arith.addf %mul3A_313, %mul3A_320 : vector<16xf32>
        %add3A_322 = arith.constant 2 : i32
        %add3A_323 = arith.addi %mul3A_163, %add3A_322 : i32
        %get3A_324 = arith.index_cast %add3A_323 : i32 to index
        %get3A_325 = arith.constant 80 : index
        %get3A_326 = tpu.vector_load %arg10[%get3A_324, %get3A_325] {strides = array<i32>} : memref<120x128xf32, #tpu.memory_space<vmem>>, vector<1x16xf32>,
        %get3A_327 = vector.shape_cast %get3A_326 : vector<1x16xf32> to vector<16xf32>
        %mul3A_328 = arith.mulf %get3A_327, %div3A_156 : vector<16xf32>
        %add3A_329 = arith.addf %add3A_321, %mul3A_328 : vector<16xf32>
        %mul3A_330 = arith.mulf %add3A_329, %div3A_161 : vector<16xf32>
        %get3A_331 = arith.index_cast %scan3A_114 : i32 to index
        %get3A_332 = arith.constant 80 : index
        %get3A_333 = tpu.vector_load %arg12[%get3A_331, %get3A_332] {strides = array<i32>} : memref<40x128xf32, #tpu.memory_space<vmem>>, vector<1x16xf32>,
        %get3A_334 = vector.shape_cast %get3A_333 : vector<1x16xf32> to vector<16xf32>
        %sub3A_335 = arith.subf %mul3A_330, %get3A_334 : vector<16xf32>
        %mul3A_336 = arith.mulf %sub3A_335, %sub3A_335 : vector<16xf32>
        %add3A_337 = arith.addf %add3A_308, %mul3A_336 : vector<16xf32>
        %get3A_338 = arith.index_cast %mul3A_163 : i32 to index
        %get3A_339 = arith.constant 96 : index
        %get3A_340 = tpu.vector_load %arg10[%get3A_338, %get3A_339] {strides = array<i32>} : memref<120x128xf32, #tpu.memory_space<vmem>>, vector<1x16xf32>,
        %get3A_341 = vector.shape_cast %get3A_340 : vector<1x16xf32> to vector<16xf32>
        %mul3A_342 = arith.mulf %get3A_341, %div3A_128 : vector<16xf32>
        %add3A_343 = arith.constant 1 : i32
        %add3A_344 = arith.addi %mul3A_163, %add3A_343 : i32
        %get3A_345 = arith.index_cast %add3A_344 : i32 to index
        %get3A_346 = arith.constant 96 : index
        %get3A_347 = tpu.vector_load %arg10[%get3A_345, %get3A_346] {strides = array<i32>} : memref<120x128xf32, #tpu.memory_space<vmem>>, vector<1x16xf32>,
        %get3A_348 = vector.shape_cast %get3A_347 : vector<1x16xf32> to vector<16xf32>
        %mul3A_349 = arith.mulf %get3A_348, %div3A_142 : vector<16xf32>
        %add3A_350 = arith.addf %mul3A_342, %mul3A_349 : vector<16xf32>
        %add3A_351 = arith.constant 2 : i32
        %add3A_352 = arith.addi %mul3A_163, %add3A_351 : i32
        %get3A_353 = arith.index_cast %add3A_352 : i32 to index
        %get3A_354 = arith.constant 96 : index
        %get3A_355 = tpu.vector_load %arg10[%get3A_353, %get3A_354] {strides = array<i32>} : memref<120x128xf32, #tpu.memory_space<vmem>>, vector<1x16xf32>,
        %get3A_356 = vector.shape_cast %get3A_355 : vector<1x16xf32> to vector<16xf32>
        %mul3A_357 = arith.mulf %get3A_356, %div3A_156 : vector<16xf32>
        %add3A_358 = arith.addf %add3A_350, %mul3A_357 : vector<16xf32>
        %mul3A_359 = arith.mulf %add3A_358, %div3A_161 : vector<16xf32>
        %get3A_360 = arith.index_cast %scan3A_114 : i32 to index
        %get3A_361 = arith.constant 96 : index
        %get3A_362 = tpu.vector_load %arg12[%get3A_360, %get3A_361] {strides = array<i32>} : memref<40x128xf32, #tpu.memory_space<vmem>>, vector<1x16xf32>,
        %get3A_363 = vector.shape_cast %get3A_362 : vector<1x16xf32> to vector<16xf32>
        %sub3A_364 = arith.subf %mul3A_359, %get3A_363 : vector<16xf32>
        %mul3A_365 = arith.mulf %sub3A_364, %sub3A_364 : vector<16xf32>
        %add3A_366 = arith.addf %add3A_337, %mul3A_365 : vector<16xf32>
        %get3A_367 = arith.index_cast %mul3A_163 : i32 to index
        %get3A_368 = arith.constant 112 : index
        %get3A_369 = tpu.vector_load %arg10[%get3A_367, %get3A_368] {strides = array<i32>} : memref<120x128xf32, #tpu.memory_space<vmem>>, vector<1x16xf32>,
        %get3A_370 = vector.shape_cast %get3A_369 : vector<1x16xf32> to vector<16xf32>
        %mul3A_371 = arith.mulf %get3A_370, %div3A_128 : vector<16xf32>
        %add3A_372 = arith.constant 1 : i32
        %add3A_373 = arith.addi %mul3A_163, %add3A_372 : i32
        %get3A_374 = arith.index_cast %add3A_373 : i32 to index
        %get3A_375 = arith.constant 112 : index
        %get3A_376 = tpu.vector_load %arg10[%get3A_374, %get3A_375] {strides = array<i32>} : memref<120x128xf32, #tpu.memory_space<vmem>>, vector<1x16xf32>,
        %get3A_377 = vector.shape_cast %get3A_376 : vector<1x16xf32> to vector<16xf32>
        %mul3A_378 = arith.mulf %get3A_377, %div3A_142 : vector<16xf32>
        %add3A_379 = arith.addf %mul3A_371, %mul3A_378 : vector<16xf32>
        %add3A_380 = arith.constant 2 : i32
        %add3A_381 = arith.addi %mul3A_163, %add3A_380 : i32
        %get3A_382 = arith.index_cast %add3A_381 : i32 to index
        %get3A_383 = arith.constant 112 : index
        %get3A_384 = tpu.vector_load %arg10[%get3A_382, %get3A_383] {strides = array<i32>} : memref<120x128xf32, #tpu.memory_space<vmem>>, vector<1x16xf32>,
        %get3A_385 = vector.shape_cast %get3A_384 : vector<1x16xf32> to vector<16xf32>
        %mul3A_386 = arith.mulf %get3A_385, %div3A_156 : vector<16xf32>
        %add3A_387 = arith.addf %add3A_379, %mul3A_386 : vector<16xf32>
        %mul3A_388 = arith.mulf %add3A_387, %div3A_161 : vector<16xf32>
        %get3A_389 = arith.index_cast %scan3A_114 : i32 to index
        %get3A_390 = arith.constant 112 : index
        %get3A_391 = tpu.vector_load %arg12[%get3A_389, %get3A_390] {strides = array<i32>} : memref<40x128xf32, #tpu.memory_space<vmem>>, vector<1x16xf32>,
        %get3A_392 = vector.shape_cast %get3A_391 : vector<1x16xf32> to vector<16xf32>
        %sub3A_393 = arith.subf %mul3A_388, %get3A_392 : vector<16xf32>
        %mul3A_394 = arith.mulf %sub3A_393, %sub3A_393 : vector<16xf32>
        %add3A_395 = arith.addf %add3A_366, %mul3A_394 : vector<16xf32>
        scf.yield %add3A_395 : vector<16xf32>
      }
      %scan3A_113 = arith.constant 40 : i32
      scf.yield %scan3A_112 : vector<16xf32>
    }
    %while3A_60 = arith.constant 1 : i32
    %while3A_61 = scf.for %while3A_67 = %while3A_57 to %while3A_53 step %while3A_60 iter_args(%while3A_68 = %while3A_59) -> (vector<16xf32>)  : i32 {
      %mul3A_69 = arith.constant 2 : i32
      %mul3A_70 = arith.muli %while3A_67, %mul3A_69 : i32
      %add3A_71 = arith.constant 1 : i32
      %add3A_72 = arith.addi %mul3A_70, %add3A_71 : i32
      %lt3A = arith.cmpi slt, %add3A_72, %min3A : i32
      %convert_element_type3A_73 = arith.extui %lt3A : i1 to i32
      %cond3A_74 = arith.constant 0 : i32
      %cond3A_75 = arith.cmpi ne, %convert_element_type3A_73, %cond3A_74 : i32
      scf.if %cond3A_75 {
        %add3A_114 = arith.constant 1 : i32
        %add3A_115 = arith.addi %mul3A_70, %add3A_114 : i32
        %mul3A_116 = arith.constant 120 : i32
        %mul3A_117 = arith.muli %add3A_115, %mul3A_116 : i32
        %add3A_118 = arith.addi %mul3A_4, %mul3A_117 : i32
        "tpu.region"() ({
          %run_scoped3A = tpu.sem_alloc : memref<!tpu.dma_semaphore, #tpu.memory_space<semaphore_mem>>
          %dma_start3A_132 = tpu.memref_slice %arg3[%add3A_118] : memref<30720xi32, #tpu.memory_space<hbm>> -> memref<120xi32, #tpu.memory_space<hbm>>
          %dma_start3A_133 = tpu.memref_slice %arg3[%add3A_118] : memref<30720xi32, #tpu.memory_space<hbm>> -> memref<120xi32, #tpu.memory_space<hbm>>
          tpu.enqueue_dma source(%dma_start3A_133 : memref<120xi32, #tpu.memory_space<hbm>>) target(%arg8 : memref<120xi32, #tpu.memory_space<vmem>>) target_semaphore(%run_scoped3A : memref<!tpu.dma_semaphore, #tpu.memory_space<semaphore_mem>>)
          %dma_wait3A_134 = tpu.memref_slice %arg3[%add3A_118] : memref<30720xi32, #tpu.memory_space<hbm>> -> memref<120xi32, #tpu.memory_space<hbm>>
          %dma_wait3A_135 = tpu.memref_slice %arg3[%add3A_118] : memref<30720xi32, #tpu.memory_space<hbm>> -> memref<120xi32, #tpu.memory_space<hbm>>
          tpu.wait_dma2 semaphore(%run_scoped3A : memref<!tpu.dma_semaphore, #tpu.memory_space<semaphore_mem>>) src(%dma_wait3A_135 : memref<120xi32, #tpu.memory_space<hbm>>) dst(%arg8 : memref<120xi32, #tpu.memory_space<vmem>>)
          tpu.yield
        }) : () -> ()
        %dma_start3A = arith.constant 0 : i32
        %dma_start3A_119 = arith.constant 0 : i32
        %dma_start3A_120 = tpu.memref_slice %arg2[%dma_start3A, %dma_start3A_119] : memref<10000x128xf32, #tpu.memory_space<hbm>> -> memref<10000x128xf32, #tpu.memory_space<hbm>>
        tpu.enqueue_indirect_dma source(%dma_start3A_120 : memref<10000x128xf32, #tpu.memory_space<hbm>>) target(%arg10 : memref<120x128xf32, #tpu.memory_space<vmem>>) offsets(%arg8 : memref<120xi32, #tpu.memory_space<vmem>>) semaphore(%arg17 : memref<!tpu.dma_semaphore, #tpu.memory_space<semaphore_mem>>)
        %mul3A_121 = arith.constant 40 : i32
        %mul3A_122 = arith.muli %add3A_115, %mul3A_121 : i32
        %add3A_123 = arith.addi %mul3A_2, %mul3A_122 : i32
        %dma_start3A_124 = arith.constant 0 : i32
        %dma_start3A_125 = tpu.memref_slice %arg5[%add3A_123, %dma_start3A_124] : memref<10000x128xf32, #tpu.memory_space<hbm>> -> memref<40x128xf32, #tpu.memory_space<hbm>>
        %dma_start3A_126 = arith.constant 0 : i32
        %dma_start3A_127 = tpu.memref_slice %arg5[%add3A_123, %dma_start3A_126] : memref<10000x128xf32, #tpu.memory_space<hbm>> -> memref<40x128xf32, #tpu.memory_space<hbm>>
        tpu.enqueue_dma source(%dma_start3A_127 : memref<40x128xf32, #tpu.memory_space<hbm>>) target(%arg12 : memref<40x128xf32, #tpu.memory_space<vmem>>) target_semaphore(%arg19 : memref<!tpu.dma_semaphore, #tpu.memory_space<semaphore_mem>>)
        %dma_start3A_128 = arith.constant 0 : i32
        %dma_start3A_129 = tpu.memref_slice %arg4[%add3A_118, %dma_start3A_128] : memref<30720x16xf32, #tpu.memory_space<hbm>> -> memref<120x16xf32, #tpu.memory_space<hbm>>
        %dma_start3A_130 = arith.constant 0 : i32
        %dma_start3A_131 = tpu.memref_slice %arg4[%add3A_118, %dma_start3A_130] : memref<30720x16xf32, #tpu.memory_space<hbm>> -> memref<120x16xf32, #tpu.memory_space<hbm>>
        tpu.enqueue_dma source(%dma_start3A_131 : memref<120x16xf32, #tpu.memory_space<hbm>>) target(%arg14 : memref<120x16xf32, #tpu.memory_space<vmem>>) target_semaphore(%arg21 : memref<!tpu.dma_semaphore, #tpu.memory_space<semaphore_mem>>)
      } else {
      }
      %dma_wait3A = arith.constant 0 : i32
      %dma_wait3A_76 = arith.constant 0 : i32
      %dma_wait3A_77 = tpu.memref_slice %arg2[%dma_wait3A, %dma_wait3A_76] : memref<10000x128xf32, #tpu.memory_space<hbm>> -> memref<10000x128xf32, #tpu.memory_space<hbm>>
      tpu.wait_indirect_dma semaphore(%arg16 : memref<!tpu.dma_semaphore, #tpu.memory_space<semaphore_mem>>) src(%dma_wait3A_77 : memref<10000x128xf32, #tpu.memory_space<hbm>>) dst(%arg9 : memref<120x128xf32, #tpu.memory_space<vmem>>)
      %dma_wait3A_78 = arith.constant 0 : i32
      %dma_wait3A_79 = tpu.memref_slice %arg5[%mul3A_2, %dma_wait3A_78] : memref<10000x128xf32, #tpu.memory_space<hbm>> -> memref<40x128xf32, #tpu.memory_space<hbm>>
      %dma_wait3A_80 = arith.constant 0 : i32
      %dma_wait3A_81 = tpu.memref_slice %arg5[%mul3A_2, %dma_wait3A_80] : memref<10000x128xf32, #tpu.memory_space<hbm>> -> memref<40x128xf32, #tpu.memory_space<hbm>>
      tpu.wait_dma2 semaphore(%arg18 : memref<!tpu.dma_semaphore, #tpu.memory_space<semaphore_mem>>) src(%dma_wait3A_81 : memref<40x128xf32, #tpu.memory_space<hbm>>) dst(%arg11 : memref<40x128xf32, #tpu.memory_space<vmem>>)
      %dma_wait3A_82 = arith.constant 0 : i32
      %dma_wait3A_83 = tpu.memref_slice %arg4[%mul3A_4, %dma_wait3A_82] : memref<30720x16xf32, #tpu.memory_space<hbm>> -> memref<120x16xf32, #tpu.memory_space<hbm>>
      %dma_wait3A_84 = arith.constant 0 : i32
      %dma_wait3A_85 = tpu.memref_slice %arg4[%mul3A_4, %dma_wait3A_84] : memref<30720x16xf32, #tpu.memory_space<hbm>> -> memref<120x16xf32, #tpu.memory_space<hbm>>
      tpu.wait_dma2 semaphore(%arg20 : memref<!tpu.dma_semaphore, #tpu.memory_space<semaphore_mem>>) src(%dma_wait3A_85 : memref<120x16xf32, #tpu.memory_space<hbm>>) dst(%arg13 : memref<120x16xf32, #tpu.memory_space<vmem>>)
      %scan3A = arith.constant 0 : i32
      %scan3A_86 = arith.constant 40 : i32
      %scan3A_87 = arith.addi %scan3A, %scan3A_86 : i32
      %scan3A_88 = arith.constant 1 : i32
      %scan3A_89 = scf.for %scan3A_114 = %scan3A to %scan3A_87 step %scan3A_88 iter_args(%scan3A_115 = %while3A_68) -> (vector<16xf32>)  : i32 {
        %mul3A_116 = arith.constant 3 : i32
        %mul3A_117 = arith.muli %scan3A_114, %mul3A_116 : i32
        %add3A_118 = arith.constant 0 : i32
        %add3A_119 = arith.addi %mul3A_117, %add3A_118 : i32
        %get3A = arith.index_cast %add3A_119 : i32 to index
        %get3A_120 = arith.constant 0 : index
        %get3A_121 = tpu.vector_load %arg13[%get3A, %get3A_120] {strides = array<i32>} : memref<120x16xf32, #tpu.memory_space<vmem>>, vector<1x16xf32>,
        %get3A_122 = vector.shape_cast %get3A_121 : vector<1x16xf32> to vector<16xf32>
        %max3A_123 = arith.constant 1.000000e-16 : f32
        %max3A_124 = vector.broadcast %max3A_123 : f32 to vector<16xf32>
        %max3A_125 = arith.maximumf %get3A_122, %max3A_124 : vector<16xf32>
        %div3A_126 = arith.constant 1.000000e+00 : f32
        %div3A_127 = vector.broadcast %div3A_126 : f32 to vector<16xf32>
        %div3A_128 = arith.divf %div3A_127, %max3A_125 : vector<16xf32>
        %mul3A_129 = arith.constant 3 : i32
        %mul3A_130 = arith.muli %scan3A_114, %mul3A_129 : i32
        %add3A_131 = arith.constant 1 : i32
        %add3A_132 = arith.addi %mul3A_130, %add3A_131 : i32
        %get3A_133 = arith.index_cast %add3A_132 : i32 to index
        %get3A_134 = arith.constant 0 : index
        %get3A_135 = tpu.vector_load %arg13[%get3A_133, %get3A_134] {strides = array<i32>} : memref<120x16xf32, #tpu.memory_space<vmem>>, vector<1x16xf32>,
        %get3A_136 = vector.shape_cast %get3A_135 : vector<1x16xf32> to vector<16xf32>
        %max3A_137 = arith.constant 1.000000e-16 : f32
        %max3A_138 = vector.broadcast %max3A_137 : f32 to vector<16xf32>
        %max3A_139 = arith.maximumf %get3A_136, %max3A_138 : vector<16xf32>
        %div3A_140 = arith.constant 1.000000e+00 : f32
        %div3A_141 = vector.broadcast %div3A_140 : f32 to vector<16xf32>
        %div3A_142 = arith.divf %div3A_141, %max3A_139 : vector<16xf32>
        %mul3A_143 = arith.constant 3 : i32
        %mul3A_144 = arith.muli %scan3A_114, %mul3A_143 : i32
        %add3A_145 = arith.constant 2 : i32
        %add3A_146 = arith.addi %mul3A_144, %add3A_145 : i32
        %get3A_147 = arith.index_cast %add3A_146 : i32 to index
        %get3A_148 = arith.constant 0 : index
        %get3A_149 = tpu.vector_load %arg13[%get3A_147, %get3A_148] {strides = array<i32>} : memref<120x16xf32, #tpu.memory_space<vmem>>, vector<1x16xf32>,
        %get3A_150 = vector.shape_cast %get3A_149 : vector<1x16xf32> to vector<16xf32>
        %max3A_151 = arith.constant 1.000000e-16 : f32
        %max3A_152 = vector.broadcast %max3A_151 : f32 to vector<16xf32>
        %max3A_153 = arith.maximumf %get3A_150, %max3A_152 : vector<16xf32>
        %div3A_154 = arith.constant 1.000000e+00 : f32
        %div3A_155 = vector.broadcast %div3A_154 : f32 to vector<16xf32>
        %div3A_156 = arith.divf %div3A_155, %max3A_153 : vector<16xf32>
        %add3A_157 = arith.addf %div3A_128, %div3A_142 : vector<16xf32>
        %add3A_158 = arith.addf %add3A_157, %div3A_156 : vector<16xf32>
        %div3A_159 = arith.constant 1.000000e+00 : f32
        %div3A_160 = vector.broadcast %div3A_159 : f32 to vector<16xf32>
        %div3A_161 = arith.divf %div3A_160, %add3A_158 : vector<16xf32>
        %mul3A_162 = arith.constant 3 : i32
        %mul3A_163 = arith.muli %scan3A_114, %mul3A_162 : i32
        %get3A_164 = arith.index_cast %mul3A_163 : i32 to index
        %get3A_165 = arith.constant 0 : index
        %get3A_166 = tpu.vector_load %arg9[%get3A_164, %get3A_165] {strides = array<i32>} : memref<120x128xf32, #tpu.memory_space<vmem>>, vector<1x16xf32>,
        %get3A_167 = vector.shape_cast %get3A_166 : vector<1x16xf32> to vector<16xf32>
        %mul3A_168 = arith.mulf %get3A_167, %div3A_128 : vector<16xf32>
        %add3A_169 = arith.constant 1 : i32
        %add3A_170 = arith.addi %mul3A_163, %add3A_169 : i32
        %get3A_171 = arith.index_cast %add3A_170 : i32 to index
        %get3A_172 = arith.constant 0 : index
        %get3A_173 = tpu.vector_load %arg9[%get3A_171, %get3A_172] {strides = array<i32>} : memref<120x128xf32, #tpu.memory_space<vmem>>, vector<1x16xf32>,
        %get3A_174 = vector.shape_cast %get3A_173 : vector<1x16xf32> to vector<16xf32>
        %mul3A_175 = arith.mulf %get3A_174, %div3A_142 : vector<16xf32>
        %add3A_176 = arith.addf %mul3A_168, %mul3A_175 : vector<16xf32>
        %add3A_177 = arith.constant 2 : i32
        %add3A_178 = arith.addi %mul3A_163, %add3A_177 : i32
        %get3A_179 = arith.index_cast %add3A_178 : i32 to index
        %get3A_180 = arith.constant 0 : index
        %get3A_181 = tpu.vector_load %arg9[%get3A_179, %get3A_180] {strides = array<i32>} : memref<120x128xf32, #tpu.memory_space<vmem>>, vector<1x16xf32>,
        %get3A_182 = vector.shape_cast %get3A_181 : vector<1x16xf32> to vector<16xf32>
        %mul3A_183 = arith.mulf %get3A_182, %div3A_156 : vector<16xf32>
        %add3A_184 = arith.addf %add3A_176, %mul3A_183 : vector<16xf32>
        %mul3A_185 = arith.mulf %add3A_184, %div3A_161 : vector<16xf32>
        %get3A_186 = arith.index_cast %scan3A_114 : i32 to index
        %get3A_187 = arith.constant 0 : index
        %get3A_188 = tpu.vector_load %arg11[%get3A_186, %get3A_187] {strides = array<i32>} : memref<40x128xf32, #tpu.memory_space<vmem>>, vector<1x16xf32>,
        %get3A_189 = vector.shape_cast %get3A_188 : vector<1x16xf32> to vector<16xf32>
        %sub3A_190 = arith.subf %mul3A_185, %get3A_189 : vector<16xf32>
        %mul3A_191 = arith.mulf %sub3A_190, %sub3A_190 : vector<16xf32>
        %add3A_192 = arith.addf %scan3A_115, %mul3A_191 : vector<16xf32>
        %get3A_193 = arith.index_cast %mul3A_163 : i32 to index
        %get3A_194 = arith.constant 16 : index
        %get3A_195 = tpu.vector_load %arg9[%get3A_193, %get3A_194] {strides = array<i32>} : memref<120x128xf32, #tpu.memory_space<vmem>>, vector<1x16xf32>,
        %get3A_196 = vector.shape_cast %get3A_195 : vector<1x16xf32> to vector<16xf32>
        %mul3A_197 = arith.mulf %get3A_196, %div3A_128 : vector<16xf32>
        %add3A_198 = arith.constant 1 : i32
        %add3A_199 = arith.addi %mul3A_163, %add3A_198 : i32
        %get3A_200 = arith.index_cast %add3A_199 : i32 to index
        %get3A_201 = arith.constant 16 : index
        %get3A_202 = tpu.vector_load %arg9[%get3A_200, %get3A_201] {strides = array<i32>} : memref<120x128xf32, #tpu.memory_space<vmem>>, vector<1x16xf32>,
        %get3A_203 = vector.shape_cast %get3A_202 : vector<1x16xf32> to vector<16xf32>
        %mul3A_204 = arith.mulf %get3A_203, %div3A_142 : vector<16xf32>
        %add3A_205 = arith.addf %mul3A_197, %mul3A_204 : vector<16xf32>
        %add3A_206 = arith.constant 2 : i32
        %add3A_207 = arith.addi %mul3A_163, %add3A_206 : i32
        %get3A_208 = arith.index_cast %add3A_207 : i32 to index
        %get3A_209 = arith.constant 16 : index
        %get3A_210 = tpu.vector_load %arg9[%get3A_208, %get3A_209] {strides = array<i32>} : memref<120x128xf32, #tpu.memory_space<vmem>>, vector<1x16xf32>,
        %get3A_211 = vector.shape_cast %get3A_210 : vector<1x16xf32> to vector<16xf32>
        %mul3A_212 = arith.mulf %get3A_211, %div3A_156 : vector<16xf32>
        %add3A_213 = arith.addf %add3A_205, %mul3A_212 : vector<16xf32>
        %mul3A_214 = arith.mulf %add3A_213, %div3A_161 : vector<16xf32>
        %get3A_215 = arith.index_cast %scan3A_114 : i32 to index
        %get3A_216 = arith.constant 16 : index
        %get3A_217 = tpu.vector_load %arg11[%get3A_215, %get3A_216] {strides = array<i32>} : memref<40x128xf32, #tpu.memory_space<vmem>>, vector<1x16xf32>,
        %get3A_218 = vector.shape_cast %get3A_217 : vector<1x16xf32> to vector<16xf32>
        %sub3A_219 = arith.subf %mul3A_214, %get3A_218 : vector<16xf32>
        %mul3A_220 = arith.mulf %sub3A_219, %sub3A_219 : vector<16xf32>
        %add3A_221 = arith.addf %add3A_192, %mul3A_220 : vector<16xf32>
        %get3A_222 = arith.index_cast %mul3A_163 : i32 to index
        %get3A_223 = arith.constant 32 : index
        %get3A_224 = tpu.vector_load %arg9[%get3A_222, %get3A_223] {strides = array<i32>} : memref<120x128xf32, #tpu.memory_space<vmem>>, vector<1x16xf32>,
        %get3A_225 = vector.shape_cast %get3A_224 : vector<1x16xf32> to vector<16xf32>
        %mul3A_226 = arith.mulf %get3A_225, %div3A_128 : vector<16xf32>
        %add3A_227 = arith.constant 1 : i32
        %add3A_228 = arith.addi %mul3A_163, %add3A_227 : i32
        %get3A_229 = arith.index_cast %add3A_228 : i32 to index
        %get3A_230 = arith.constant 32 : index
        %get3A_231 = tpu.vector_load %arg9[%get3A_229, %get3A_230] {strides = array<i32>} : memref<120x128xf32, #tpu.memory_space<vmem>>, vector<1x16xf32>,
        %get3A_232 = vector.shape_cast %get3A_231 : vector<1x16xf32> to vector<16xf32>
        %mul3A_233 = arith.mulf %get3A_232, %div3A_142 : vector<16xf32>
        %add3A_234 = arith.addf %mul3A_226, %mul3A_233 : vector<16xf32>
        %add3A_235 = arith.constant 2 : i32
        %add3A_236 = arith.addi %mul3A_163, %add3A_235 : i32
        %get3A_237 = arith.index_cast %add3A_236 : i32 to index
        %get3A_238 = arith.constant 32 : index
        %get3A_239 = tpu.vector_load %arg9[%get3A_237, %get3A_238] {strides = array<i32>} : memref<120x128xf32, #tpu.memory_space<vmem>>, vector<1x16xf32>,
        %get3A_240 = vector.shape_cast %get3A_239 : vector<1x16xf32> to vector<16xf32>
        %mul3A_241 = arith.mulf %get3A_240, %div3A_156 : vector<16xf32>
        %add3A_242 = arith.addf %add3A_234, %mul3A_241 : vector<16xf32>
        %mul3A_243 = arith.mulf %add3A_242, %div3A_161 : vector<16xf32>
        %get3A_244 = arith.index_cast %scan3A_114 : i32 to index
        %get3A_245 = arith.constant 32 : index
        %get3A_246 = tpu.vector_load %arg11[%get3A_244, %get3A_245] {strides = array<i32>} : memref<40x128xf32, #tpu.memory_space<vmem>>, vector<1x16xf32>,
        %get3A_247 = vector.shape_cast %get3A_246 : vector<1x16xf32> to vector<16xf32>
        %sub3A_248 = arith.subf %mul3A_243, %get3A_247 : vector<16xf32>
        %mul3A_249 = arith.mulf %sub3A_248, %sub3A_248 : vector<16xf32>
        %add3A_250 = arith.addf %add3A_221, %mul3A_249 : vector<16xf32>
        %get3A_251 = arith.index_cast %mul3A_163 : i32 to index
        %get3A_252 = arith.constant 48 : index
        %get3A_253 = tpu.vector_load %arg9[%get3A_251, %get3A_252] {strides = array<i32>} : memref<120x128xf32, #tpu.memory_space<vmem>>, vector<1x16xf32>,
        %get3A_254 = vector.shape_cast %get3A_253 : vector<1x16xf32> to vector<16xf32>
        %mul3A_255 = arith.mulf %get3A_254, %div3A_128 : vector<16xf32>
        %add3A_256 = arith.constant 1 : i32
        %add3A_257 = arith.addi %mul3A_163, %add3A_256 : i32
        %get3A_258 = arith.index_cast %add3A_257 : i32 to index
        %get3A_259 = arith.constant 48 : index
        %get3A_260 = tpu.vector_load %arg9[%get3A_258, %get3A_259] {strides = array<i32>} : memref<120x128xf32, #tpu.memory_space<vmem>>, vector<1x16xf32>,
        %get3A_261 = vector.shape_cast %get3A_260 : vector<1x16xf32> to vector<16xf32>
        %mul3A_262 = arith.mulf %get3A_261, %div3A_142 : vector<16xf32>
        %add3A_263 = arith.addf %mul3A_255, %mul3A_262 : vector<16xf32>
        %add3A_264 = arith.constant 2 : i32
        %add3A_265 = arith.addi %mul3A_163, %add3A_264 : i32
        %get3A_266 = arith.index_cast %add3A_265 : i32 to index
        %get3A_267 = arith.constant 48 : index
        %get3A_268 = tpu.vector_load %arg9[%get3A_266, %get3A_267] {strides = array<i32>} : memref<120x128xf32, #tpu.memory_space<vmem>>, vector<1x16xf32>,
        %get3A_269 = vector.shape_cast %get3A_268 : vector<1x16xf32> to vector<16xf32>
        %mul3A_270 = arith.mulf %get3A_269, %div3A_156 : vector<16xf32>
        %add3A_271 = arith.addf %add3A_263, %mul3A_270 : vector<16xf32>
        %mul3A_272 = arith.mulf %add3A_271, %div3A_161 : vector<16xf32>
        %get3A_273 = arith.index_cast %scan3A_114 : i32 to index
        %get3A_274 = arith.constant 48 : index
        %get3A_275 = tpu.vector_load %arg11[%get3A_273, %get3A_274] {strides = array<i32>} : memref<40x128xf32, #tpu.memory_space<vmem>>, vector<1x16xf32>,
        %get3A_276 = vector.shape_cast %get3A_275 : vector<1x16xf32> to vector<16xf32>
        %sub3A_277 = arith.subf %mul3A_272, %get3A_276 : vector<16xf32>
        %mul3A_278 = arith.mulf %sub3A_277, %sub3A_277 : vector<16xf32>
        %add3A_279 = arith.addf %add3A_250, %mul3A_278 : vector<16xf32>
        %get3A_280 = arith.index_cast %mul3A_163 : i32 to index
        %get3A_281 = arith.constant 64 : index
        %get3A_282 = tpu.vector_load %arg9[%get3A_280, %get3A_281] {strides = array<i32>} : memref<120x128xf32, #tpu.memory_space<vmem>>, vector<1x16xf32>,
        %get3A_283 = vector.shape_cast %get3A_282 : vector<1x16xf32> to vector<16xf32>
        %mul3A_284 = arith.mulf %get3A_283, %div3A_128 : vector<16xf32>
        %add3A_285 = arith.constant 1 : i32
        %add3A_286 = arith.addi %mul3A_163, %add3A_285 : i32
        %get3A_287 = arith.index_cast %add3A_286 : i32 to index
        %get3A_288 = arith.constant 64 : index
        %get3A_289 = tpu.vector_load %arg9[%get3A_287, %get3A_288] {strides = array<i32>} : memref<120x128xf32, #tpu.memory_space<vmem>>, vector<1x16xf32>,
        %get3A_290 = vector.shape_cast %get3A_289 : vector<1x16xf32> to vector<16xf32>
        %mul3A_291 = arith.mulf %get3A_290, %div3A_142 : vector<16xf32>
        %add3A_292 = arith.addf %mul3A_284, %mul3A_291 : vector<16xf32>
        %add3A_293 = arith.constant 2 : i32
        %add3A_294 = arith.addi %mul3A_163, %add3A_293 : i32
        %get3A_295 = arith.index_cast %add3A_294 : i32 to index
        %get3A_296 = arith.constant 64 : index
        %get3A_297 = tpu.vector_load %arg9[%get3A_295, %get3A_296] {strides = array<i32>} : memref<120x128xf32, #tpu.memory_space<vmem>>, vector<1x16xf32>,
        %get3A_298 = vector.shape_cast %get3A_297 : vector<1x16xf32> to vector<16xf32>
        %mul3A_299 = arith.mulf %get3A_298, %div3A_156 : vector<16xf32>
        %add3A_300 = arith.addf %add3A_292, %mul3A_299 : vector<16xf32>
        %mul3A_301 = arith.mulf %add3A_300, %div3A_161 : vector<16xf32>
        %get3A_302 = arith.index_cast %scan3A_114 : i32 to index
        %get3A_303 = arith.constant 64 : index
        %get3A_304 = tpu.vector_load %arg11[%get3A_302, %get3A_303] {strides = array<i32>} : memref<40x128xf32, #tpu.memory_space<vmem>>, vector<1x16xf32>,
        %get3A_305 = vector.shape_cast %get3A_304 : vector<1x16xf32> to vector<16xf32>
        %sub3A_306 = arith.subf %mul3A_301, %get3A_305 : vector<16xf32>
        %mul3A_307 = arith.mulf %sub3A_306, %sub3A_306 : vector<16xf32>
        %add3A_308 = arith.addf %add3A_279, %mul3A_307 : vector<16xf32>
        %get3A_309 = arith.index_cast %mul3A_163 : i32 to index
        %get3A_310 = arith.constant 80 : index
        %get3A_311 = tpu.vector_load %arg9[%get3A_309, %get3A_310] {strides = array<i32>} : memref<120x128xf32, #tpu.memory_space<vmem>>, vector<1x16xf32>,
        %get3A_312 = vector.shape_cast %get3A_311 : vector<1x16xf32> to vector<16xf32>
        %mul3A_313 = arith.mulf %get3A_312, %div3A_128 : vector<16xf32>
        %add3A_314 = arith.constant 1 : i32
        %add3A_315 = arith.addi %mul3A_163, %add3A_314 : i32
        %get3A_316 = arith.index_cast %add3A_315 : i32 to index
        %get3A_317 = arith.constant 80 : index
        %get3A_318 = tpu.vector_load %arg9[%get3A_316, %get3A_317] {strides = array<i32>} : memref<120x128xf32, #tpu.memory_space<vmem>>, vector<1x16xf32>,
        %get3A_319 = vector.shape_cast %get3A_318 : vector<1x16xf32> to vector<16xf32>
        %mul3A_320 = arith.mulf %get3A_319, %div3A_142 : vector<16xf32>
        %add3A_321 = arith.addf %mul3A_313, %mul3A_320 : vector<16xf32>
        %add3A_322 = arith.constant 2 : i32
        %add3A_323 = arith.addi %mul3A_163, %add3A_322 : i32
        %get3A_324 = arith.index_cast %add3A_323 : i32 to index
        %get3A_325 = arith.constant 80 : index
        %get3A_326 = tpu.vector_load %arg9[%get3A_324, %get3A_325] {strides = array<i32>} : memref<120x128xf32, #tpu.memory_space<vmem>>, vector<1x16xf32>,
        %get3A_327 = vector.shape_cast %get3A_326 : vector<1x16xf32> to vector<16xf32>
        %mul3A_328 = arith.mulf %get3A_327, %div3A_156 : vector<16xf32>
        %add3A_329 = arith.addf %add3A_321, %mul3A_328 : vector<16xf32>
        %mul3A_330 = arith.mulf %add3A_329, %div3A_161 : vector<16xf32>
        %get3A_331 = arith.index_cast %scan3A_114 : i32 to index
        %get3A_332 = arith.constant 80 : index
        %get3A_333 = tpu.vector_load %arg11[%get3A_331, %get3A_332] {strides = array<i32>} : memref<40x128xf32, #tpu.memory_space<vmem>>, vector<1x16xf32>,
        %get3A_334 = vector.shape_cast %get3A_333 : vector<1x16xf32> to vector<16xf32>
        %sub3A_335 = arith.subf %mul3A_330, %get3A_334 : vector<16xf32>
        %mul3A_336 = arith.mulf %sub3A_335, %sub3A_335 : vector<16xf32>
        %add3A_337 = arith.addf %add3A_308, %mul3A_336 : vector<16xf32>
        %get3A_338 = arith.index_cast %mul3A_163 : i32 to index
        %get3A_339 = arith.constant 96 : index
        %get3A_340 = tpu.vector_load %arg9[%get3A_338, %get3A_339] {strides = array<i32>} : memref<120x128xf32, #tpu.memory_space<vmem>>, vector<1x16xf32>,
        %get3A_341 = vector.shape_cast %get3A_340 : vector<1x16xf32> to vector<16xf32>
        %mul3A_342 = arith.mulf %get3A_341, %div3A_128 : vector<16xf32>
        %add3A_343 = arith.constant 1 : i32
        %add3A_344 = arith.addi %mul3A_163, %add3A_343 : i32
        %get3A_345 = arith.index_cast %add3A_344 : i32 to index
        %get3A_346 = arith.constant 96 : index
        %get3A_347 = tpu.vector_load %arg9[%get3A_345, %get3A_346] {strides = array<i32>} : memref<120x128xf32, #tpu.memory_space<vmem>>, vector<1x16xf32>,
        %get3A_348 = vector.shape_cast %get3A_347 : vector<1x16xf32> to vector<16xf32>
        %mul3A_349 = arith.mulf %get3A_348, %div3A_142 : vector<16xf32>
        %add3A_350 = arith.addf %mul3A_342, %mul3A_349 : vector<16xf32>
        %add3A_351 = arith.constant 2 : i32
        %add3A_352 = arith.addi %mul3A_163, %add3A_351 : i32
        %get3A_353 = arith.index_cast %add3A_352 : i32 to index
        %get3A_354 = arith.constant 96 : index
        %get3A_355 = tpu.vector_load %arg9[%get3A_353, %get3A_354] {strides = array<i32>} : memref<120x128xf32, #tpu.memory_space<vmem>>, vector<1x16xf32>,
        %get3A_356 = vector.shape_cast %get3A_355 : vector<1x16xf32> to vector<16xf32>
        %mul3A_357 = arith.mulf %get3A_356, %div3A_156 : vector<16xf32>
        %add3A_358 = arith.addf %add3A_350, %mul3A_357 : vector<16xf32>
        %mul3A_359 = arith.mulf %add3A_358, %div3A_161 : vector<16xf32>
        %get3A_360 = arith.index_cast %scan3A_114 : i32 to index
        %get3A_361 = arith.constant 96 : index
        %get3A_362 = tpu.vector_load %arg11[%get3A_360, %get3A_361] {strides = array<i32>} : memref<40x128xf32, #tpu.memory_space<vmem>>, vector<1x16xf32>,
        %get3A_363 = vector.shape_cast %get3A_362 : vector<1x16xf32> to vector<16xf32>
        %sub3A_364 = arith.subf %mul3A_359, %get3A_363 : vector<16xf32>
        %mul3A_365 = arith.mulf %sub3A_364, %sub3A_364 : vector<16xf32>
        %add3A_366 = arith.addf %add3A_337, %mul3A_365 : vector<16xf32>
        %get3A_367 = arith.index_cast %mul3A_163 : i32 to index
        %get3A_368 = arith.constant 112 : index
        %get3A_369 = tpu.vector_load %arg9[%get3A_367, %get3A_368] {strides = array<i32>} : memref<120x128xf32, #tpu.memory_space<vmem>>, vector<1x16xf32>,
        %get3A_370 = vector.shape_cast %get3A_369 : vector<1x16xf32> to vector<16xf32>
        %mul3A_371 = arith.mulf %get3A_370, %div3A_128 : vector<16xf32>
        %add3A_372 = arith.constant 1 : i32
        %add3A_373 = arith.addi %mul3A_163, %add3A_372 : i32
        %get3A_374 = arith.index_cast %add3A_373 : i32 to index
        %get3A_375 = arith.constant 112 : index
        %get3A_376 = tpu.vector_load %arg9[%get3A_374, %get3A_375] {strides = array<i32>} : memref<120x128xf32, #tpu.memory_space<vmem>>, vector<1x16xf32>,
        %get3A_377 = vector.shape_cast %get3A_376 : vector<1x16xf32> to vector<16xf32>
        %mul3A_378 = arith.mulf %get3A_377, %div3A_142 : vector<16xf32>
        %add3A_379 = arith.addf %mul3A_371, %mul3A_378 : vector<16xf32>
        %add3A_380 = arith.constant 2 : i32
        %add3A_381 = arith.addi %mul3A_163, %add3A_380 : i32
        %get3A_382 = arith.index_cast %add3A_381 : i32 to index
        %get3A_383 = arith.constant 112 : index
        %get3A_384 = tpu.vector_load %arg9[%get3A_382, %get3A_383] {strides = array<i32>} : memref<120x128xf32, #tpu.memory_space<vmem>>, vector<1x16xf32>,
        %get3A_385 = vector.shape_cast %get3A_384 : vector<1x16xf32> to vector<16xf32>
        %mul3A_386 = arith.mulf %get3A_385, %div3A_156 : vector<16xf32>
        %add3A_387 = arith.addf %add3A_379, %mul3A_386 : vector<16xf32>
        %mul3A_388 = arith.mulf %add3A_387, %div3A_161 : vector<16xf32>
        %get3A_389 = arith.index_cast %scan3A_114 : i32 to index
        %get3A_390 = arith.constant 112 : index
        %get3A_391 = tpu.vector_load %arg11[%get3A_389, %get3A_390] {strides = array<i32>} : memref<40x128xf32, #tpu.memory_space<vmem>>, vector<1x16xf32>,
        %get3A_392 = vector.shape_cast %get3A_391 : vector<1x16xf32> to vector<16xf32>
        %sub3A_393 = arith.subf %mul3A_388, %get3A_392 : vector<16xf32>
        %mul3A_394 = arith.mulf %sub3A_393, %sub3A_393 : vector<16xf32>
        %add3A_395 = arith.addf %add3A_366, %mul3A_394 : vector<16xf32>
        scf.yield %add3A_395 : vector<16xf32>
      }
      %scan3A_90 = arith.constant 40 : i32
      %add3A_91 = arith.constant 2 : i32
      %add3A_92 = arith.addi %mul3A_70, %add3A_91 : i32
      %lt3A_93 = arith.cmpi slt, %add3A_92, %min3A : i32
      %convert_element_type3A_94 = arith.extui %lt3A_93 : i1 to i32
      %cond3A_95 = arith.constant 0 : i32
      %cond3A_96 = arith.cmpi ne, %convert_element_type3A_94, %cond3A_95 : i32
      scf.if %cond3A_96 {
        %add3A_114 = arith.constant 2 : i32
        %add3A_115 = arith.addi %mul3A_70, %add3A_114 : i32
        %mul3A_116 = arith.constant 120 : i32
        %mul3A_117 = arith.muli %add3A_115, %mul3A_116 : i32
        %add3A_118 = arith.addi %mul3A_4, %mul3A_117 : i32
        "tpu.region"() ({
          %run_scoped3A = tpu.sem_alloc : memref<!tpu.dma_semaphore, #tpu.memory_space<semaphore_mem>>
          %dma_start3A_132 = tpu.memref_slice %arg3[%add3A_118] : memref<30720xi32, #tpu.memory_space<hbm>> -> memref<120xi32, #tpu.memory_space<hbm>>
          %dma_start3A_133 = tpu.memref_slice %arg3[%add3A_118] : memref<30720xi32, #tpu.memory_space<hbm>> -> memref<120xi32, #tpu.memory_space<hbm>>
          tpu.enqueue_dma source(%dma_start3A_133 : memref<120xi32, #tpu.memory_space<hbm>>) target(%arg7 : memref<120xi32, #tpu.memory_space<vmem>>) target_semaphore(%run_scoped3A : memref<!tpu.dma_semaphore, #tpu.memory_space<semaphore_mem>>)
          %dma_wait3A_134 = tpu.memref_slice %arg3[%add3A_118] : memref<30720xi32, #tpu.memory_space<hbm>> -> memref<120xi32, #tpu.memory_space<hbm>>
          %dma_wait3A_135 = tpu.memref_slice %arg3[%add3A_118] : memref<30720xi32, #tpu.memory_space<hbm>> -> memref<120xi32, #tpu.memory_space<hbm>>
          tpu.wait_dma2 semaphore(%run_scoped3A : memref<!tpu.dma_semaphore, #tpu.memory_space<semaphore_mem>>) src(%dma_wait3A_135 : memref<120xi32, #tpu.memory_space<hbm>>) dst(%arg7 : memref<120xi32, #tpu.memory_space<vmem>>)
          tpu.yield
        }) : () -> ()
        %dma_start3A = arith.constant 0 : i32
        %dma_start3A_119 = arith.constant 0 : i32
        %dma_start3A_120 = tpu.memref_slice %arg2[%dma_start3A, %dma_start3A_119] : memref<10000x128xf32, #tpu.memory_space<hbm>> -> memref<10000x128xf32, #tpu.memory_space<hbm>>
        tpu.enqueue_indirect_dma source(%dma_start3A_120 : memref<10000x128xf32, #tpu.memory_space<hbm>>) target(%arg9 : memref<120x128xf32, #tpu.memory_space<vmem>>) offsets(%arg7 : memref<120xi32, #tpu.memory_space<vmem>>) semaphore(%arg16 : memref<!tpu.dma_semaphore, #tpu.memory_space<semaphore_mem>>)
        %mul3A_121 = arith.constant 40 : i32
        %mul3A_122 = arith.muli %add3A_115, %mul3A_121 : i32
        %add3A_123 = arith.addi %mul3A_2, %mul3A_122 : i32
        %dma_start3A_124 = arith.constant 0 : i32
        %dma_start3A_125 = tpu.memref_slice %arg5[%add3A_123, %dma_start3A_124] : memref<10000x128xf32, #tpu.memory_space<hbm>> -> memref<40x128xf32, #tpu.memory_space<hbm>>
        %dma_start3A_126 = arith.constant 0 : i32
        %dma_start3A_127 = tpu.memref_slice %arg5[%add3A_123, %dma_start3A_126] : memref<10000x128xf32, #tpu.memory_space<hbm>> -> memref<40x128xf32, #tpu.memory_space<hbm>>
        tpu.enqueue_dma source(%dma_start3A_127 : memref<40x128xf32, #tpu.memory_space<hbm>>) target(%arg11 : memref<40x128xf32, #tpu.memory_space<vmem>>) target_semaphore(%arg18 : memref<!tpu.dma_semaphore, #tpu.memory_space<semaphore_mem>>)
        %dma_start3A_128 = arith.constant 0 : i32
        %dma_start3A_129 = tpu.memref_slice %arg4[%add3A_118, %dma_start3A_128] : memref<30720x16xf32, #tpu.memory_space<hbm>> -> memref<120x16xf32, #tpu.memory_space<hbm>>
        %dma_start3A_130 = arith.constant 0 : i32
        %dma_start3A_131 = tpu.memref_slice %arg4[%add3A_118, %dma_start3A_130] : memref<30720x16xf32, #tpu.memory_space<hbm>> -> memref<120x16xf32, #tpu.memory_space<hbm>>
        tpu.enqueue_dma source(%dma_start3A_131 : memref<120x16xf32, #tpu.memory_space<hbm>>) target(%arg13 : memref<120x16xf32, #tpu.memory_space<vmem>>) target_semaphore(%arg20 : memref<!tpu.dma_semaphore, #tpu.memory_space<semaphore_mem>>)
      } else {
      }
      %dma_wait3A_97 = arith.constant 0 : i32
      %dma_wait3A_98 = arith.constant 0 : i32
      %dma_wait3A_99 = tpu.memref_slice %arg2[%dma_wait3A_97, %dma_wait3A_98] : memref<10000x128xf32, #tpu.memory_space<hbm>> -> memref<10000x128xf32, #tpu.memory_space<hbm>>
      tpu.wait_indirect_dma semaphore(%arg17 : memref<!tpu.dma_semaphore, #tpu.memory_space<semaphore_mem>>) src(%dma_wait3A_99 : memref<10000x128xf32, #tpu.memory_space<hbm>>) dst(%arg10 : memref<120x128xf32, #tpu.memory_space<vmem>>)
      %dma_wait3A_100 = arith.constant 0 : i32
      %dma_wait3A_101 = tpu.memref_slice %arg5[%mul3A_2, %dma_wait3A_100] : memref<10000x128xf32, #tpu.memory_space<hbm>> -> memref<40x128xf32, #tpu.memory_space<hbm>>
      %dma_wait3A_102 = arith.constant 0 : i32
      %dma_wait3A_103 = tpu.memref_slice %arg5[%mul3A_2, %dma_wait3A_102] : memref<10000x128xf32, #tpu.memory_space<hbm>> -> memref<40x128xf32, #tpu.memory_space<hbm>>
      tpu.wait_dma2 semaphore(%arg19 : memref<!tpu.dma_semaphore, #tpu.memory_space<semaphore_mem>>) src(%dma_wait3A_103 : memref<40x128xf32, #tpu.memory_space<hbm>>) dst(%arg12 : memref<40x128xf32, #tpu.memory_space<vmem>>)
      %dma_wait3A_104 = arith.constant 0 : i32
      %dma_wait3A_105 = tpu.memref_slice %arg4[%mul3A_4, %dma_wait3A_104] : memref<30720x16xf32, #tpu.memory_space<hbm>> -> memref<120x16xf32, #tpu.memory_space<hbm>>
      %dma_wait3A_106 = arith.constant 0 : i32
      %dma_wait3A_107 = tpu.memref_slice %arg4[%mul3A_4, %dma_wait3A_106] : memref<30720x16xf32, #tpu.memory_space<hbm>> -> memref<120x16xf32, #tpu.memory_space<hbm>>
      tpu.wait_dma2 semaphore(%arg21 : memref<!tpu.dma_semaphore, #tpu.memory_space<semaphore_mem>>) src(%dma_wait3A_107 : memref<120x16xf32, #tpu.memory_space<hbm>>) dst(%arg14 : memref<120x16xf32, #tpu.memory_space<vmem>>)
      %scan3A_108 = arith.constant 0 : i32
      %scan3A_109 = arith.constant 40 : i32
      %scan3A_110 = arith.addi %scan3A_108, %scan3A_109 : i32
      %scan3A_111 = arith.constant 1 : i32
      %scan3A_112 = scf.for %scan3A_114 = %scan3A_108 to %scan3A_110 step %scan3A_111 iter_args(%scan3A_115 = %scan3A_89) -> (vector<16xf32>)  : i32 {
        %mul3A_116 = arith.constant 3 : i32
        %mul3A_117 = arith.muli %scan3A_114, %mul3A_116 : i32
        %add3A_118 = arith.constant 0 : i32
        %add3A_119 = arith.addi %mul3A_117, %add3A_118 : i32
        %get3A = arith.index_cast %add3A_119 : i32 to index
        %get3A_120 = arith.constant 0 : index
        %get3A_121 = tpu.vector_load %arg14[%get3A, %get3A_120] {strides = array<i32>} : memref<120x16xf32, #tpu.memory_space<vmem>>, vector<1x16xf32>,
        %get3A_122 = vector.shape_cast %get3A_121 : vector<1x16xf32> to vector<16xf32>
        %max3A_123 = arith.constant 1.000000e-16 : f32
        %max3A_124 = vector.broadcast %max3A_123 : f32 to vector<16xf32>
        %max3A_125 = arith.maximumf %get3A_122, %max3A_124 : vector<16xf32>
        %div3A_126 = arith.constant 1.000000e+00 : f32
        %div3A_127 = vector.broadcast %div3A_126 : f32 to vector<16xf32>
        %div3A_128 = arith.divf %div3A_127, %max3A_125 : vector<16xf32>
        %mul3A_129 = arith.constant 3 : i32
        %mul3A_130 = arith.muli %scan3A_114, %mul3A_129 : i32
        %add3A_131 = arith.constant 1 : i32
        %add3A_132 = arith.addi %mul3A_130, %add3A_131 : i32
        %get3A_133 = arith.index_cast %add3A_132 : i32 to index
        %get3A_134 = arith.constant 0 : index
        %get3A_135 = tpu.vector_load %arg14[%get3A_133, %get3A_134] {strides = array<i32>} : memref<120x16xf32, #tpu.memory_space<vmem>>, vector<1x16xf32>,
        %get3A_136 = vector.shape_cast %get3A_135 : vector<1x16xf32> to vector<16xf32>
        %max3A_137 = arith.constant 1.000000e-16 : f32
        %max3A_138 = vector.broadcast %max3A_137 : f32 to vector<16xf32>
        %max3A_139 = arith.maximumf %get3A_136, %max3A_138 : vector<16xf32>
        %div3A_140 = arith.constant 1.000000e+00 : f32
        %div3A_141 = vector.broadcast %div3A_140 : f32 to vector<16xf32>
        %div3A_142 = arith.divf %div3A_141, %max3A_139 : vector<16xf32>
        %mul3A_143 = arith.constant 3 : i32
        %mul3A_144 = arith.muli %scan3A_114, %mul3A_143 : i32
        %add3A_145 = arith.constant 2 : i32
        %add3A_146 = arith.addi %mul3A_144, %add3A_145 : i32
        %get3A_147 = arith.index_cast %add3A_146 : i32 to index
        %get3A_148 = arith.constant 0 : index
        %get3A_149 = tpu.vector_load %arg14[%get3A_147, %get3A_148] {strides = array<i32>} : memref<120x16xf32, #tpu.memory_space<vmem>>, vector<1x16xf32>,
        %get3A_150 = vector.shape_cast %get3A_149 : vector<1x16xf32> to vector<16xf32>
        %max3A_151 = arith.constant 1.000000e-16 : f32
        %max3A_152 = vector.broadcast %max3A_151 : f32 to vector<16xf32>
        %max3A_153 = arith.maximumf %get3A_150, %max3A_152 : vector<16xf32>
        %div3A_154 = arith.constant 1.000000e+00 : f32
        %div3A_155 = vector.broadcast %div3A_154 : f32 to vector<16xf32>
        %div3A_156 = arith.divf %div3A_155, %max3A_153 : vector<16xf32>
        %add3A_157 = arith.addf %div3A_128, %div3A_142 : vector<16xf32>
        %add3A_158 = arith.addf %add3A_157, %div3A_156 : vector<16xf32>
        %div3A_159 = arith.constant 1.000000e+00 : f32
        %div3A_160 = vector.broadcast %div3A_159 : f32 to vector<16xf32>
        %div3A_161 = arith.divf %div3A_160, %add3A_158 : vector<16xf32>
        %mul3A_162 = arith.constant 3 : i32
        %mul3A_163 = arith.muli %scan3A_114, %mul3A_162 : i32
        %get3A_164 = arith.index_cast %mul3A_163 : i32 to index
        %get3A_165 = arith.constant 0 : index
        %get3A_166 = tpu.vector_load %arg10[%get3A_164, %get3A_165] {strides = array<i32>} : memref<120x128xf32, #tpu.memory_space<vmem>>, vector<1x16xf32>,
        %get3A_167 = vector.shape_cast %get3A_166 : vector<1x16xf32> to vector<16xf32>
        %mul3A_168 = arith.mulf %get3A_167, %div3A_128 : vector<16xf32>
        %add3A_169 = arith.constant 1 : i32
        %add3A_170 = arith.addi %mul3A_163, %add3A_169 : i32
        %get3A_171 = arith.index_cast %add3A_170 : i32 to index
        %get3A_172 = arith.constant 0 : index
        %get3A_173 = tpu.vector_load %arg10[%get3A_171, %get3A_172] {strides = array<i32>} : memref<120x128xf32, #tpu.memory_space<vmem>>, vector<1x16xf32>,
        %get3A_174 = vector.shape_cast %get3A_173 : vector<1x16xf32> to vector<16xf32>
        %mul3A_175 = arith.mulf %get3A_174, %div3A_142 : vector<16xf32>
        %add3A_176 = arith.addf %mul3A_168, %mul3A_175 : vector<16xf32>
        %add3A_177 = arith.constant 2 : i32
        %add3A_178 = arith.addi %mul3A_163, %add3A_177 : i32
        %get3A_179 = arith.index_cast %add3A_178 : i32 to index
        %get3A_180 = arith.constant 0 : index
        %get3A_181 = tpu.vector_load %arg10[%get3A_179, %get3A_180] {strides = array<i32>} : memref<120x128xf32, #tpu.memory_space<vmem>>, vector<1x16xf32>,
        %get3A_182 = vector.shape_cast %get3A_181 : vector<1x16xf32> to vector<16xf32>
        %mul3A_183 = arith.mulf %get3A_182, %div3A_156 : vector<16xf32>
        %add3A_184 = arith.addf %add3A_176, %mul3A_183 : vector<16xf32>
        %mul3A_185 = arith.mulf %add3A_184, %div3A_161 : vector<16xf32>
        %get3A_186 = arith.index_cast %scan3A_114 : i32 to index
        %get3A_187 = arith.constant 0 : index
        %get3A_188 = tpu.vector_load %arg12[%get3A_186, %get3A_187] {strides = array<i32>} : memref<40x128xf32, #tpu.memory_space<vmem>>, vector<1x16xf32>,
        %get3A_189 = vector.shape_cast %get3A_188 : vector<1x16xf32> to vector<16xf32>
        %sub3A_190 = arith.subf %mul3A_185, %get3A_189 : vector<16xf32>
        %mul3A_191 = arith.mulf %sub3A_190, %sub3A_190 : vector<16xf32>
        %add3A_192 = arith.addf %scan3A_115, %mul3A_191 : vector<16xf32>
        %get3A_193 = arith.index_cast %mul3A_163 : i32 to index
        %get3A_194 = arith.constant 16 : index
        %get3A_195 = tpu.vector_load %arg10[%get3A_193, %get3A_194] {strides = array<i32>} : memref<120x128xf32, #tpu.memory_space<vmem>>, vector<1x16xf32>,
        %get3A_196 = vector.shape_cast %get3A_195 : vector<1x16xf32> to vector<16xf32>
        %mul3A_197 = arith.mulf %get3A_196, %div3A_128 : vector<16xf32>
        %add3A_198 = arith.constant 1 : i32
        %add3A_199 = arith.addi %mul3A_163, %add3A_198 : i32
        %get3A_200 = arith.index_cast %add3A_199 : i32 to index
        %get3A_201 = arith.constant 16 : index
        %get3A_202 = tpu.vector_load %arg10[%get3A_200, %get3A_201] {strides = array<i32>} : memref<120x128xf32, #tpu.memory_space<vmem>>, vector<1x16xf32>,
        %get3A_203 = vector.shape_cast %get3A_202 : vector<1x16xf32> to vector<16xf32>
        %mul3A_204 = arith.mulf %get3A_203, %div3A_142 : vector<16xf32>
        %add3A_205 = arith.addf %mul3A_197, %mul3A_204 : vector<16xf32>
        %add3A_206 = arith.constant 2 : i32
        %add3A_207 = arith.addi %mul3A_163, %add3A_206 : i32
        %get3A_208 = arith.index_cast %add3A_207 : i32 to index
        %get3A_209 = arith.constant 16 : index
        %get3A_210 = tpu.vector_load %arg10[%get3A_208, %get3A_209] {strides = array<i32>} : memref<120x128xf32, #tpu.memory_space<vmem>>, vector<1x16xf32>,
        %get3A_211 = vector.shape_cast %get3A_210 : vector<1x16xf32> to vector<16xf32>
        %mul3A_212 = arith.mulf %get3A_211, %div3A_156 : vector<16xf32>
        %add3A_213 = arith.addf %add3A_205, %mul3A_212 : vector<16xf32>
        %mul3A_214 = arith.mulf %add3A_213, %div3A_161 : vector<16xf32>
        %get3A_215 = arith.index_cast %scan3A_114 : i32 to index
        %get3A_216 = arith.constant 16 : index
        %get3A_217 = tpu.vector_load %arg12[%get3A_215, %get3A_216] {strides = array<i32>} : memref<40x128xf32, #tpu.memory_space<vmem>>, vector<1x16xf32>,
        %get3A_218 = vector.shape_cast %get3A_217 : vector<1x16xf32> to vector<16xf32>
        %sub3A_219 = arith.subf %mul3A_214, %get3A_218 : vector<16xf32>
        %mul3A_220 = arith.mulf %sub3A_219, %sub3A_219 : vector<16xf32>
        %add3A_221 = arith.addf %add3A_192, %mul3A_220 : vector<16xf32>
        %get3A_222 = arith.index_cast %mul3A_163 : i32 to index
        %get3A_223 = arith.constant 32 : index
        %get3A_224 = tpu.vector_load %arg10[%get3A_222, %get3A_223] {strides = array<i32>} : memref<120x128xf32, #tpu.memory_space<vmem>>, vector<1x16xf32>,
        %get3A_225 = vector.shape_cast %get3A_224 : vector<1x16xf32> to vector<16xf32>
        %mul3A_226 = arith.mulf %get3A_225, %div3A_128 : vector<16xf32>
        %add3A_227 = arith.constant 1 : i32
        %add3A_228 = arith.addi %mul3A_163, %add3A_227 : i32
        %get3A_229 = arith.index_cast %add3A_228 : i32 to index
        %get3A_230 = arith.constant 32 : index
        %get3A_231 = tpu.vector_load %arg10[%get3A_229, %get3A_230] {strides = array<i32>} : memref<120x128xf32, #tpu.memory_space<vmem>>, vector<1x16xf32>,
        %get3A_232 = vector.shape_cast %get3A_231 : vector<1x16xf32> to vector<16xf32>
        %mul3A_233 = arith.mulf %get3A_232, %div3A_142 : vector<16xf32>
        %add3A_234 = arith.addf %mul3A_226, %mul3A_233 : vector<16xf32>
        %add3A_235 = arith.constant 2 : i32
        %add3A_236 = arith.addi %mul3A_163, %add3A_235 : i32
        %get3A_237 = arith.index_cast %add3A_236 : i32 to index
        %get3A_238 = arith.constant 32 : index
        %get3A_239 = tpu.vector_load %arg10[%get3A_237, %get3A_238] {strides = array<i32>} : memref<120x128xf32, #tpu.memory_space<vmem>>, vector<1x16xf32>,
        %get3A_240 = vector.shape_cast %get3A_239 : vector<1x16xf32> to vector<16xf32>
        %mul3A_241 = arith.mulf %get3A_240, %div3A_156 : vector<16xf32>
        %add3A_242 = arith.addf %add3A_234, %mul3A_241 : vector<16xf32>
        %mul3A_243 = arith.mulf %add3A_242, %div3A_161 : vector<16xf32>
        %get3A_244 = arith.index_cast %scan3A_114 : i32 to index
        %get3A_245 = arith.constant 32 : index
        %get3A_246 = tpu.vector_load %arg12[%get3A_244, %get3A_245] {strides = array<i32>} : memref<40x128xf32, #tpu.memory_space<vmem>>, vector<1x16xf32>,
        %get3A_247 = vector.shape_cast %get3A_246 : vector<1x16xf32> to vector<16xf32>
        %sub3A_248 = arith.subf %mul3A_243, %get3A_247 : vector<16xf32>
        %mul3A_249 = arith.mulf %sub3A_248, %sub3A_248 : vector<16xf32>
        %add3A_250 = arith.addf %add3A_221, %mul3A_249 : vector<16xf32>
        %get3A_251 = arith.index_cast %mul3A_163 : i32 to index
        %get3A_252 = arith.constant 48 : index
        %get3A_253 = tpu.vector_load %arg10[%get3A_251, %get3A_252] {strides = array<i32>} : memref<120x128xf32, #tpu.memory_space<vmem>>, vector<1x16xf32>,
        %get3A_254 = vector.shape_cast %get3A_253 : vector<1x16xf32> to vector<16xf32>
        %mul3A_255 = arith.mulf %get3A_254, %div3A_128 : vector<16xf32>
        %add3A_256 = arith.constant 1 : i32
        %add3A_257 = arith.addi %mul3A_163, %add3A_256 : i32
        %get3A_258 = arith.index_cast %add3A_257 : i32 to index
        %get3A_259 = arith.constant 48 : index
        %get3A_260 = tpu.vector_load %arg10[%get3A_258, %get3A_259] {strides = array<i32>} : memref<120x128xf32, #tpu.memory_space<vmem>>, vector<1x16xf32>,
        %get3A_261 = vector.shape_cast %get3A_260 : vector<1x16xf32> to vector<16xf32>
        %mul3A_262 = arith.mulf %get3A_261, %div3A_142 : vector<16xf32>
        %add3A_263 = arith.addf %mul3A_255, %mul3A_262 : vector<16xf32>
        %add3A_264 = arith.constant 2 : i32
        %add3A_265 = arith.addi %mul3A_163, %add3A_264 : i32
        %get3A_266 = arith.index_cast %add3A_265 : i32 to index
        %get3A_267 = arith.constant 48 : index
        %get3A_268 = tpu.vector_load %arg10[%get3A_266, %get3A_267] {strides = array<i32>} : memref<120x128xf32, #tpu.memory_space<vmem>>, vector<1x16xf32>,
        %get3A_269 = vector.shape_cast %get3A_268 : vector<1x16xf32> to vector<16xf32>
        %mul3A_270 = arith.mulf %get3A_269, %div3A_156 : vector<16xf32>
        %add3A_271 = arith.addf %add3A_263, %mul3A_270 : vector<16xf32>
        %mul3A_272 = arith.mulf %add3A_271, %div3A_161 : vector<16xf32>
        %get3A_273 = arith.index_cast %scan3A_114 : i32 to index
        %get3A_274 = arith.constant 48 : index
        %get3A_275 = tpu.vector_load %arg12[%get3A_273, %get3A_274] {strides = array<i32>} : memref<40x128xf32, #tpu.memory_space<vmem>>, vector<1x16xf32>,
        %get3A_276 = vector.shape_cast %get3A_275 : vector<1x16xf32> to vector<16xf32>
        %sub3A_277 = arith.subf %mul3A_272, %get3A_276 : vector<16xf32>
        %mul3A_278 = arith.mulf %sub3A_277, %sub3A_277 : vector<16xf32>
        %add3A_279 = arith.addf %add3A_250, %mul3A_278 : vector<16xf32>
        %get3A_280 = arith.index_cast %mul3A_163 : i32 to index
        %get3A_281 = arith.constant 64 : index
        %get3A_282 = tpu.vector_load %arg10[%get3A_280, %get3A_281] {strides = array<i32>} : memref<120x128xf32, #tpu.memory_space<vmem>>, vector<1x16xf32>,
        %get3A_283 = vector.shape_cast %get3A_282 : vector<1x16xf32> to vector<16xf32>
        %mul3A_284 = arith.mulf %get3A_283, %div3A_128 : vector<16xf32>
        %add3A_285 = arith.constant 1 : i32
        %add3A_286 = arith.addi %mul3A_163, %add3A_285 : i32
        %get3A_287 = arith.index_cast %add3A_286 : i32 to index
        %get3A_288 = arith.constant 64 : index
        %get3A_289 = tpu.vector_load %arg10[%get3A_287, %get3A_288] {strides = array<i32>} : memref<120x128xf32, #tpu.memory_space<vmem>>, vector<1x16xf32>,
        %get3A_290 = vector.shape_cast %get3A_289 : vector<1x16xf32> to vector<16xf32>
        %mul3A_291 = arith.mulf %get3A_290, %div3A_142 : vector<16xf32>
        %add3A_292 = arith.addf %mul3A_284, %mul3A_291 : vector<16xf32>
        %add3A_293 = arith.constant 2 : i32
        %add3A_294 = arith.addi %mul3A_163, %add3A_293 : i32
        %get3A_295 = arith.index_cast %add3A_294 : i32 to index
        %get3A_296 = arith.constant 64 : index
        %get3A_297 = tpu.vector_load %arg10[%get3A_295, %get3A_296] {strides = array<i32>} : memref<120x128xf32, #tpu.memory_space<vmem>>, vector<1x16xf32>,
        %get3A_298 = vector.shape_cast %get3A_297 : vector<1x16xf32> to vector<16xf32>
        %mul3A_299 = arith.mulf %get3A_298, %div3A_156 : vector<16xf32>
        %add3A_300 = arith.addf %add3A_292, %mul3A_299 : vector<16xf32>
        %mul3A_301 = arith.mulf %add3A_300, %div3A_161 : vector<16xf32>
        %get3A_302 = arith.index_cast %scan3A_114 : i32 to index
        %get3A_303 = arith.constant 64 : index
        %get3A_304 = tpu.vector_load %arg12[%get3A_302, %get3A_303] {strides = array<i32>} : memref<40x128xf32, #tpu.memory_space<vmem>>, vector<1x16xf32>,
        %get3A_305 = vector.shape_cast %get3A_304 : vector<1x16xf32> to vector<16xf32>
        %sub3A_306 = arith.subf %mul3A_301, %get3A_305 : vector<16xf32>
        %mul3A_307 = arith.mulf %sub3A_306, %sub3A_306 : vector<16xf32>
        %add3A_308 = arith.addf %add3A_279, %mul3A_307 : vector<16xf32>
        %get3A_309 = arith.index_cast %mul3A_163 : i32 to index
        %get3A_310 = arith.constant 80 : index
        %get3A_311 = tpu.vector_load %arg10[%get3A_309, %get3A_310] {strides = array<i32>} : memref<120x128xf32, #tpu.memory_space<vmem>>, vector<1x16xf32>,
        %get3A_312 = vector.shape_cast %get3A_311 : vector<1x16xf32> to vector<16xf32>
        %mul3A_313 = arith.mulf %get3A_312, %div3A_128 : vector<16xf32>
        %add3A_314 = arith.constant 1 : i32
        %add3A_315 = arith.addi %mul3A_163, %add3A_314 : i32
        %get3A_316 = arith.index_cast %add3A_315 : i32 to index
        %get3A_317 = arith.constant 80 : index
        %get3A_318 = tpu.vector_load %arg10[%get3A_316, %get3A_317] {strides = array<i32>} : memref<120x128xf32, #tpu.memory_space<vmem>>, vector<1x16xf32>,
        %get3A_319 = vector.shape_cast %get3A_318 : vector<1x16xf32> to vector<16xf32>
        %mul3A_320 = arith.mulf %get3A_319, %div3A_142 : vector<16xf32>
        %add3A_321 = arith.addf %mul3A_313, %mul3A_320 : vector<16xf32>
        %add3A_322 = arith.constant 2 : i32
        %add3A_323 = arith.addi %mul3A_163, %add3A_322 : i32
        %get3A_324 = arith.index_cast %add3A_323 : i32 to index
        %get3A_325 = arith.constant 80 : index
        %get3A_326 = tpu.vector_load %arg10[%get3A_324, %get3A_325] {strides = array<i32>} : memref<120x128xf32, #tpu.memory_space<vmem>>, vector<1x16xf32>,
        %get3A_327 = vector.shape_cast %get3A_326 : vector<1x16xf32> to vector<16xf32>
        %mul3A_328 = arith.mulf %get3A_327, %div3A_156 : vector<16xf32>
        %add3A_329 = arith.addf %add3A_321, %mul3A_328 : vector<16xf32>
        %mul3A_330 = arith.mulf %add3A_329, %div3A_161 : vector<16xf32>
        %get3A_331 = arith.index_cast %scan3A_114 : i32 to index
        %get3A_332 = arith.constant 80 : index
        %get3A_333 = tpu.vector_load %arg12[%get3A_331, %get3A_332] {strides = array<i32>} : memref<40x128xf32, #tpu.memory_space<vmem>>, vector<1x16xf32>,
        %get3A_334 = vector.shape_cast %get3A_333 : vector<1x16xf32> to vector<16xf32>
        %sub3A_335 = arith.subf %mul3A_330, %get3A_334 : vector<16xf32>
        %mul3A_336 = arith.mulf %sub3A_335, %sub3A_335 : vector<16xf32>
        %add3A_337 = arith.addf %add3A_308, %mul3A_336 : vector<16xf32>
        %get3A_338 = arith.index_cast %mul3A_163 : i32 to index
        %get3A_339 = arith.constant 96 : index
        %get3A_340 = tpu.vector_load %arg10[%get3A_338, %get3A_339] {strides = array<i32>} : memref<120x128xf32, #tpu.memory_space<vmem>>, vector<1x16xf32>,
        %get3A_341 = vector.shape_cast %get3A_340 : vector<1x16xf32> to vector<16xf32>
        %mul3A_342 = arith.mulf %get3A_341, %div3A_128 : vector<16xf32>
        %add3A_343 = arith.constant 1 : i32
        %add3A_344 = arith.addi %mul3A_163, %add3A_343 : i32
        %get3A_345 = arith.index_cast %add3A_344 : i32 to index
        %get3A_346 = arith.constant 96 : index
        %get3A_347 = tpu.vector_load %arg10[%get3A_345, %get3A_346] {strides = array<i32>} : memref<120x128xf32, #tpu.memory_space<vmem>>, vector<1x16xf32>,
        %get3A_348 = vector.shape_cast %get3A_347 : vector<1x16xf32> to vector<16xf32>
        %mul3A_349 = arith.mulf %get3A_348, %div3A_142 : vector<16xf32>
        %add3A_350 = arith.addf %mul3A_342, %mul3A_349 : vector<16xf32>
        %add3A_351 = arith.constant 2 : i32
        %add3A_352 = arith.addi %mul3A_163, %add3A_351 : i32
        %get3A_353 = arith.index_cast %add3A_352 : i32 to index
        %get3A_354 = arith.constant 96 : index
        %get3A_355 = tpu.vector_load %arg10[%get3A_353, %get3A_354] {strides = array<i32>} : memref<120x128xf32, #tpu.memory_space<vmem>>, vector<1x16xf32>,
        %get3A_356 = vector.shape_cast %get3A_355 : vector<1x16xf32> to vector<16xf32>
        %mul3A_357 = arith.mulf %get3A_356, %div3A_156 : vector<16xf32>
        %add3A_358 = arith.addf %add3A_350, %mul3A_357 : vector<16xf32>
        %mul3A_359 = arith.mulf %add3A_358, %div3A_161 : vector<16xf32>
        %get3A_360 = arith.index_cast %scan3A_114 : i32 to index
        %get3A_361 = arith.constant 96 : index
        %get3A_362 = tpu.vector_load %arg12[%get3A_360, %get3A_361] {strides = array<i32>} : memref<40x128xf32, #tpu.memory_space<vmem>>, vector<1x16xf32>,
        %get3A_363 = vector.shape_cast %get3A_362 : vector<1x16xf32> to vector<16xf32>
        %sub3A_364 = arith.subf %mul3A_359, %get3A_363 : vector<16xf32>
        %mul3A_365 = arith.mulf %sub3A_364, %sub3A_364 : vector<16xf32>
        %add3A_366 = arith.addf %add3A_337, %mul3A_365 : vector<16xf32>
        %get3A_367 = arith.index_cast %mul3A_163 : i32 to index
        %get3A_368 = arith.constant 112 : index
        %get3A_369 = tpu.vector_load %arg10[%get3A_367, %get3A_368] {strides = array<i32>} : memref<120x128xf32, #tpu.memory_space<vmem>>, vector<1x16xf32>,
        %get3A_370 = vector.shape_cast %get3A_369 : vector<1x16xf32> to vector<16xf32>
        %mul3A_371 = arith.mulf %get3A_370, %div3A_128 : vector<16xf32>
        %add3A_372 = arith.constant 1 : i32
        %add3A_373 = arith.addi %mul3A_163, %add3A_372 : i32
        %get3A_374 = arith.index_cast %add3A_373 : i32 to index
        %get3A_375 = arith.constant 112 : index
        %get3A_376 = tpu.vector_load %arg10[%get3A_374, %get3A_375] {strides = array<i32>} : memref<120x128xf32, #tpu.memory_space<vmem>>, vector<1x16xf32>,
        %get3A_377 = vector.shape_cast %get3A_376 : vector<1x16xf32> to vector<16xf32>
        %mul3A_378 = arith.mulf %get3A_377, %div3A_142 : vector<16xf32>
        %add3A_379 = arith.addf %mul3A_371, %mul3A_378 : vector<16xf32>
        %add3A_380 = arith.constant 2 : i32
        %add3A_381 = arith.addi %mul3A_163, %add3A_380 : i32
        %get3A_382 = arith.index_cast %add3A_381 : i32 to index
        %get3A_383 = arith.constant 112 : index
        %get3A_384 = tpu.vector_load %arg10[%get3A_382, %get3A_383] {strides = array<i32>} : memref<120x128xf32, #tpu.memory_space<vmem>>, vector<1x16xf32>,
        %get3A_385 = vector.shape_cast %get3A_384 : vector<1x16xf32> to vector<16xf32>
        %mul3A_386 = arith.mulf %get3A_385, %div3A_156 : vector<16xf32>
        %add3A_387 = arith.addf %add3A_379, %mul3A_386 : vector<16xf32>
        %mul3A_388 = arith.mulf %add3A_387, %div3A_161 : vector<16xf32>
        %get3A_389 = arith.index_cast %scan3A_114 : i32 to index
        %get3A_390 = arith.constant 112 : index
        %get3A_391 = tpu.vector_load %arg12[%get3A_389, %get3A_390] {strides = array<i32>} : memref<40x128xf32, #tpu.memory_space<vmem>>, vector<1x16xf32>,
        %get3A_392 = vector.shape_cast %get3A_391 : vector<1x16xf32> to vector<16xf32>
        %sub3A_393 = arith.subf %mul3A_388, %get3A_392 : vector<16xf32>
        %mul3A_394 = arith.mulf %sub3A_393, %sub3A_393 : vector<16xf32>
        %add3A_395 = arith.addf %add3A_366, %mul3A_394 : vector<16xf32>
        scf.yield %add3A_395 : vector<16xf32>
      }
      %scan3A_113 = arith.constant 40 : i32
      scf.yield %scan3A_112 : vector<16xf32>
    }
    %swap3A = arith.constant 0 : index
    %swap3A_62 = tpu.vector_load %arg15[%swap3A] {strides = array<i32>} : memref<16xf32, #tpu.memory_space<vmem>>, vector<16xf32>,
    %swap3A_63 = vector.shape_cast %swap3A_62 : vector<16xf32> to vector<16xf32>
    %swap3A_64 = vector.shape_cast %while3A_61 : vector<16xf32> to vector<16xf32>
    tpu.vector_store %arg15[%swap3A], %swap3A_64 {strides = array<i32>} : memref<16xf32, #tpu.memory_space<vmem>>, vector<16xf32>,
    %mul3A_65 = arith.constant 16 : i32
    %mul3A_66 = arith.muli %add3A, %mul3A_65 : i32
    "tpu.region"() ({
      %run_scoped3A = tpu.sem_alloc : memref<!tpu.dma_semaphore, #tpu.memory_space<semaphore_mem>>
      %dma_start3A = tpu.memref_slice %arg6[%mul3A_66] : memref<512xf32, #tpu.memory_space<hbm>> -> memref<16xf32, #tpu.memory_space<hbm>>
      %dma_start3A_67 = tpu.memref_slice %arg6[%mul3A_66] : memref<512xf32, #tpu.memory_space<hbm>> -> memref<16xf32, #tpu.memory_space<hbm>>
      tpu.enqueue_dma source(%arg15 : memref<16xf32, #tpu.memory_space<vmem>>) target(%dma_start3A_67 : memref<16xf32, #tpu.memory_space<hbm>>) target_semaphore(%run_scoped3A : memref<!tpu.dma_semaphore, #tpu.memory_space<semaphore_mem>>)
      %dma_wait3A = tpu.memref_slice %arg6[%mul3A_66] : memref<512xf32, #tpu.memory_space<hbm>> -> memref<16xf32, #tpu.memory_space<hbm>>
      %dma_wait3A_68 = tpu.memref_slice %arg6[%mul3A_66] : memref<512xf32, #tpu.memory_space<hbm>> -> memref<16xf32, #tpu.memory_space<hbm>>
      tpu.wait_dma2 semaphore(%run_scoped3A : memref<!tpu.dma_semaphore, #tpu.memory_space<semaphore_mem>>) src(%arg15 : memref<16xf32, #tpu.memory_space<vmem>>) dst(%dma_wait3A_68 : memref<16xf32, #tpu.memory_space<hbm>>)
      tpu.yield
    }) : () -> ()
    return
  }
}

module attributes {stable_mosaic.version = 14 : i64} {
  func.func @_knn_body(%arg0: i32, %arg1: memref<160x512xf32, #tpu.memory_space<vmem>>, %arg2: memref<8x1280xf32, #tpu.memory_space<vmem>>, %arg3: memref<256x4xf32, #tpu.memory_space<vmem>>, %arg4: memref<256x8xi32, #tpu.memory_space<vmem>>, %arg5: memref<256x8xf32, #tpu.memory_space<vmem>>) attributes {dimension_semantics = [#tpu.dimension_semantics<arbitrary>], iteration_bounds = array<i64: 40>, scalar_prefetch = 0 : i64, scratch_operands = 0 : i64, tpu.core_type = #tpu.core_type<tc>, window_params = [{pipeline_mode = #tpu.pipeline_mode<synchronous>, transform_indices = @transform_0, window_bounds = array<i64: 160, 512>}, {pipeline_mode = #tpu.pipeline_mode<synchronous>, transform_indices = @transform_1, window_bounds = array<i64: 8, 1280>}, {transform_indices = @transform_2, window_bounds = array<i64: 256, 4>}, {transform_indices = @transform_3, window_bounds = array<i64: 256, 8>}, {transform_indices = @transform_4, window_bounds = array<i64: 256, 8>}]} {
    %get3A = arith.constant 0 : index
    %get3A_0 = arith.constant 0 : index
    %get3A_1 = vector.load %arg3[%get3A, %get3A_0] : memref<256x4xf32, #tpu.memory_space<vmem>>, vector<256x1xf32>
    %get3A_2 = arith.constant 0 : index
    %get3A_3 = arith.constant 1 : index
    %get3A_4 = vector.load %arg3[%get3A_2, %get3A_3] : memref<256x4xf32, #tpu.memory_space<vmem>>, vector<256x1xf32>
    %get3A_5 = arith.constant 0 : index
    %get3A_6 = arith.constant 2 : index
    %get3A_7 = vector.load %arg3[%get3A_5, %get3A_6] : memref<256x4xf32, #tpu.memory_space<vmem>>, vector<256x1xf32>
    %get3A_8 = arith.constant 0 : index
    %get3A_9 = arith.constant 3 : index
    %get3A_10 = vector.load %arg3[%get3A_8, %get3A_9] : memref<256x4xf32, #tpu.memory_space<vmem>>, vector<256x1xf32>
    %reduce_min3A = vector.shape_cast %get3A_10 : vector<256x1xf32> to vector<1x256x1xf32>
    %reduce_min3A_11 = arith.constant dense<0x7F800000> : vector<1xf32>
    %reduce_min3A_12 = vector.multi_reduction <minimumf>, %reduce_min3A, %reduce_min3A_11 [1, 2] : vector<1x256x1xf32> to vector<1xf32>
    %reduce_min3A_13 = vector.shape_cast %reduce_min3A_12 : vector<1xf32> to vector<1x1x1xf32>
    %reduce_min3A_14 = vector.extract %reduce_min3A_13[0, 0, 0] : f32 from vector<1x1x1xf32>
    %reduce_max3A = vector.shape_cast %get3A_10 : vector<256x1xf32> to vector<1x256x1xf32>
    %reduce_max3A_15 = arith.constant dense<0xFF800000> : vector<1xf32>
    %reduce_max3A_16 = vector.multi_reduction <maximumf>, %reduce_max3A, %reduce_max3A_15 [1, 2] : vector<1x256x1xf32> to vector<1xf32>
    %reduce_max3A_17 = vector.shape_cast %reduce_max3A_16 : vector<1xf32> to vector<1x1x1xf32>
    %reduce_max3A_18 = vector.extract %reduce_max3A_17[0, 0, 0] : f32 from vector<1x1x1xf32>
    %get3A_19 = arith.constant 0 : index
    %get3A_20 = arith.constant 0 : index
    %get3A_21 = vector.load %arg2[%get3A_19, %get3A_20] : memref<8x1280xf32, #tpu.memory_space<vmem>>, vector<8x1280xf32>
    %lt3A = vector.broadcast %reduce_min3A_14 : f32 to vector<8x1280xf32>
    %lt3A_22 = arith.cmpf olt, %get3A_21, %lt3A : vector<8x1280xf32>
    %convert_element_type3A = arith.extui %lt3A_22 : vector<8x1280xi1> to vector<8x1280xi32>
    %reduce_sum3A = vector.shape_cast %convert_element_type3A : vector<8x1280xi32> to vector<1x8x1280xi32>
    %reduce_sum3A_23 = arith.constant dense<0> : vector<1xi32>
    %reduce_sum3A_24 = vector.multi_reduction <add>, %reduce_sum3A, %reduce_sum3A_23 [1, 2] : vector<1x8x1280xi32> to vector<1xi32>
    %reduce_sum3A_25 = vector.shape_cast %reduce_sum3A_24 : vector<1xi32> to vector<1x1x1xi32>
    %reduce_sum3A_26 = vector.extract %reduce_sum3A_25[0, 0, 0] : i32 from vector<1x1x1xi32>
    %le3A = vector.broadcast %reduce_max3A_18 : f32 to vector<8x1280xf32>
    %le3A_27 = arith.cmpf ole, %get3A_21, %le3A : vector<8x1280xf32>
    %convert_element_type3A_28 = arith.extui %le3A_27 : vector<8x1280xi1> to vector<8x1280xi32>
    %reduce_sum3A_29 = vector.shape_cast %convert_element_type3A_28 : vector<8x1280xi32> to vector<1x8x1280xi32>
    %reduce_sum3A_30 = arith.constant dense<0> : vector<1xi32>
    %reduce_sum3A_31 = vector.multi_reduction <add>, %reduce_sum3A_29, %reduce_sum3A_30 [1, 2] : vector<1x8x1280xi32> to vector<1xi32>
    %reduce_sum3A_32 = vector.shape_cast %reduce_sum3A_31 : vector<1xi32> to vector<1x1x1xi32>
    %reduce_sum3A_33 = vector.extract %reduce_sum3A_32[0, 0, 0] : i32 from vector<1x1x1xi32>
    %jit3A = arith.constant 512 : i32
    %div3A = arith.divsi %reduce_sum3A_26, %jit3A : i32
    %sign3A = arith.constant 0 : i32
    %sign3A_34 = arith.cmpi sgt, %reduce_sum3A_26, %sign3A : i32
    %sign3A_35 = arith.extui %sign3A_34 : i1 to i32
    %sign3A_36 = arith.constant 0 : i32
    %sign3A_37 = arith.cmpi slt, %reduce_sum3A_26, %sign3A_36 : i32
    %sign3A_38 = arith.extui %sign3A_37 : i1 to i32
    %sign3A_39 = arith.subi %sign3A_35, %sign3A_38 : i32
    %sign3A_40 = arith.constant 0 : i32
    %sign3A_41 = arith.cmpi sgt, %jit3A, %sign3A_40 : i32
    %sign3A_42 = arith.extui %sign3A_41 : i1 to i32
    %sign3A_43 = arith.constant 0 : i32
    %sign3A_44 = arith.cmpi slt, %jit3A, %sign3A_43 : i32
    %sign3A_45 = arith.extui %sign3A_44 : i1 to i32
    %sign3A_46 = arith.subi %sign3A_42, %sign3A_45 : i32
    %ne3A = arith.cmpi ne, %sign3A_39, %sign3A_46 : i32
    %rem3A = arith.remsi %reduce_sum3A_26, %jit3A : i32
    %ne3A_47 = arith.constant 0 : i32
    %ne3A_48 = arith.cmpi ne, %rem3A, %ne3A_47 : i32
    %and3A = arith.andi %ne3A, %ne3A_48 : i1
    %sub3A = arith.constant 1 : i32
    %sub3A_49 = arith.subi %div3A, %sub3A : i32
    %select_n3A = arith.select %and3A, %sub3A_49, %div3A : i32
    %add3A = arith.constant 512 : i32
    %add3A_50 = arith.addi %reduce_sum3A_33, %add3A : i32
    %sub3A_51 = arith.constant 1 : i32
    %sub3A_52 = arith.subi %add3A_50, %sub3A_51 : i32
    %jit3A_53 = arith.constant 512 : i32
    %div3A_54 = arith.divsi %sub3A_52, %jit3A_53 : i32
    %sign3A_55 = arith.constant 0 : i32
    %sign3A_56 = arith.cmpi sgt, %sub3A_52, %sign3A_55 : i32
    %sign3A_57 = arith.extui %sign3A_56 : i1 to i32
    %sign3A_58 = arith.constant 0 : i32
    %sign3A_59 = arith.cmpi slt, %sub3A_52, %sign3A_58 : i32
    %sign3A_60 = arith.extui %sign3A_59 : i1 to i32
    %sign3A_61 = arith.subi %sign3A_57, %sign3A_60 : i32
    %sign3A_62 = arith.constant 0 : i32
    %sign3A_63 = arith.cmpi sgt, %jit3A_53, %sign3A_62 : i32
    %sign3A_64 = arith.extui %sign3A_63 : i1 to i32
    %sign3A_65 = arith.constant 0 : i32
    %sign3A_66 = arith.cmpi slt, %jit3A_53, %sign3A_65 : i32
    %sign3A_67 = arith.extui %sign3A_66 : i1 to i32
    %sign3A_68 = arith.subi %sign3A_64, %sign3A_67 : i32
    %ne3A_69 = arith.cmpi ne, %sign3A_61, %sign3A_68 : i32
    %rem3A_70 = arith.remsi %sub3A_52, %jit3A_53 : i32
    %ne3A_71 = arith.constant 0 : i32
    %ne3A_72 = arith.cmpi ne, %rem3A_70, %ne3A_71 : i32
    %and3A_73 = arith.andi %ne3A_69, %ne3A_72 : i1
    %sub3A_74 = arith.constant 1 : i32
    %sub3A_75 = arith.subi %div3A_54, %sub3A_74 : i32
    %select_n3A_76 = arith.select %and3A_73, %sub3A_75, %div3A_54 : i32
    %broadcast_in_dim3A = arith.constant 2130706432 : i32
    %broadcast_in_dim3A_77 = vector.broadcast %broadcast_in_dim3A : i32 to vector<256x128xi32>
    %broadcast_in_dim3A_78 = arith.constant 2130706433 : i32
    %broadcast_in_dim3A_79 = vector.broadcast %broadcast_in_dim3A_78 : i32 to vector<256x128xi32>
    %broadcast_in_dim3A_80 = arith.constant 2130706434 : i32
    %broadcast_in_dim3A_81 = vector.broadcast %broadcast_in_dim3A_80 : i32 to vector<256x128xi32>
    %while3A = arith.subi %select_n3A_76, %select_n3A : i32
    %while3A_82 = arith.addi %select_n3A, %while3A : i32
    %while3A_83 = arith.constant 1 : i32
    %while3A_84 = arith.divsi %while3A, %while3A_83 : i32
    %while3A_85 = arith.muli %while3A_84, %while3A_83 : i32
    %while3A_86 = arith.addi %select_n3A, %while3A_85 : i32
    %while3A_87 = arith.constant 1 : i32
    %while3A_88:3 = scf.for %while3A_153 = %select_n3A to %while3A_86 step %while3A_87 iter_args(%while3A_154 = %broadcast_in_dim3A_77, %while3A_155 = %broadcast_in_dim3A_79, %while3A_156 = %broadcast_in_dim3A_81) -> (vector<256x128xi32>, vector<256x128xi32>, vector<256x128xi32>)  : i32 {
      %mul3A = arith.constant 8 : i32
      %mul3A_157 = arith.muli %while3A_153, %mul3A : i32
      %get3A_158 = arith.index_cast %mul3A_157 : i32 to index
      %get3A_159 = arith.constant 0 : index
      %get3A_160 = vector.load %arg1[%get3A_158, %get3A_159] : memref<160x512xf32, #tpu.memory_space<vmem>>, vector<8x512xf32>
      %slice3A = vector.extract_strided_slice %get3A_160 {offsets = [0, 0], sizes = [1, 128], strides = [1, 1]} : vector<8x512xf32> to vector<1x128xf32>
      %slice3A_161 = vector.extract_strided_slice %get3A_160 {offsets = [1, 0], sizes = [1, 128], strides = [1, 1]} : vector<8x512xf32> to vector<1x128xf32>
      %slice3A_162 = vector.extract_strided_slice %get3A_160 {offsets = [2, 0], sizes = [1, 128], strides = [1, 1]} : vector<8x512xf32> to vector<1x128xf32>
      %slice3A_163 = vector.extract_strided_slice %get3A_160 {offsets = [3, 0], sizes = [1, 128], strides = [1, 1]} : vector<8x512xf32> to vector<1x128xf32>
      %sub3A_164 = vector.broadcast %get3A_1 : vector<256x1xf32> to vector<256x128xf32>
      %sub3A_165 = vector.broadcast %slice3A : vector<1x128xf32> to vector<256x128xf32>
      %sub3A_166 = arith.subf %sub3A_164, %sub3A_165 : vector<256x128xf32>
      %sub3A_167 = vector.broadcast %get3A_4 : vector<256x1xf32> to vector<256x128xf32>
      %sub3A_168 = vector.broadcast %slice3A_161 : vector<1x128xf32> to vector<256x128xf32>
      %sub3A_169 = arith.subf %sub3A_167, %sub3A_168 : vector<256x128xf32>
      %sub3A_170 = vector.broadcast %get3A_7 : vector<256x1xf32> to vector<256x128xf32>
      %sub3A_171 = vector.broadcast %slice3A_162 : vector<1x128xf32> to vector<256x128xf32>
      %sub3A_172 = arith.subf %sub3A_170, %sub3A_171 : vector<256x128xf32>
      %mul3A_173 = arith.mulf %sub3A_166, %sub3A_166 : vector<256x128xf32>
      %mul3A_174 = arith.mulf %sub3A_169, %sub3A_169 : vector<256x128xf32>
      %add3A_175 = arith.addf %mul3A_173, %mul3A_174 : vector<256x128xf32>
      %mul3A_176 = arith.mulf %sub3A_172, %sub3A_172 : vector<256x128xf32>
      %add3A_177 = arith.addf %add3A_175, %mul3A_176 : vector<256x128xf32>
      %ne3A_178 = vector.broadcast %get3A_10 : vector<256x1xf32> to vector<256x128xf32>
      %ne3A_179 = vector.broadcast %slice3A_163 : vector<1x128xf32> to vector<256x128xf32>
      %ne3A_180 = arith.cmpf one, %ne3A_178, %ne3A_179 : vector<256x128xf32>
      %jit3A_181 = arith.constant 1.000000e+10 : f32
      %broadcast_in_dim3A_182 = vector.broadcast %jit3A_181 : f32 to vector<256x128xf32>
      %select_n3A_183 = arith.select %ne3A_180, %broadcast_in_dim3A_182, %add3A_177 : vector<256x128xi1>, vector<256x128xf32>
      %iota3A = tpu.iota {dimensions = array<i32: 1>} : vector<1x128xi32>
      %mul3A_184 = arith.constant 512 : i32
      %mul3A_185 = arith.muli %while3A_153, %mul3A_184 : i32
      %add3A_186 = arith.constant 0 : i32
      %add3A_187 = arith.addi %mul3A_185, %add3A_186 : i32
      %add3A_188 = vector.broadcast %add3A_187 : i32 to vector<1x128xi32>
      %add3A_189 = arith.addi %iota3A, %add3A_188 : vector<1x128xi32>
      %bitcast_convert_type3A_190 = tpu.bitcast %select_n3A_183 : vector<256x128xf32> -> vector<256x128xi32>
      %and3A_191 = arith.constant -16384 : i32
      %and3A_192 = vector.broadcast %and3A_191 : i32 to vector<256x128xi32>
      %and3A_193 = arith.andi %bitcast_convert_type3A_190, %and3A_192 : vector<256x128xi32>
      %or3A = vector.broadcast %add3A_189 : vector<1x128xi32> to vector<256x128xi32>
      %or3A_194 = arith.ori %and3A_193, %or3A : vector<256x128xi32>
      %lt3A_195 = arith.cmpi slt, %or3A_194, %while3A_154 : vector<256x128xi32>
      %lt3A_196 = arith.cmpi slt, %or3A_194, %while3A_155 : vector<256x128xi32>
      %lt3A_197 = arith.cmpi slt, %or3A_194, %while3A_156 : vector<256x128xi32>
      %select_n3A_198 = arith.select %lt3A_197, %or3A_194, %while3A_156 : vector<256x128xi1>, vector<256x128xi32>
      %select_n3A_199 = arith.select %lt3A_196, %while3A_155, %select_n3A_198 : vector<256x128xi1>, vector<256x128xi32>
      %select_n3A_200 = arith.select %lt3A_196, %or3A_194, %while3A_155 : vector<256x128xi1>, vector<256x128xi32>
      %select_n3A_201 = arith.select %lt3A_195, %while3A_154, %select_n3A_200 : vector<256x128xi1>, vector<256x128xi32>
      %select_n3A_202 = arith.select %lt3A_195, %or3A_194, %while3A_154 : vector<256x128xi1>, vector<256x128xi32>
      %slice3A_203 = vector.extract_strided_slice %get3A_160 {offsets = [0, 128], sizes = [1, 128], strides = [1, 1]} : vector<8x512xf32> to vector<1x128xf32>
      %slice3A_204 = vector.extract_strided_slice %get3A_160 {offsets = [1, 128], sizes = [1, 128], strides = [1, 1]} : vector<8x512xf32> to vector<1x128xf32>
      %slice3A_205 = vector.extract_strided_slice %get3A_160 {offsets = [2, 128], sizes = [1, 128], strides = [1, 1]} : vector<8x512xf32> to vector<1x128xf32>
      %slice3A_206 = vector.extract_strided_slice %get3A_160 {offsets = [3, 128], sizes = [1, 128], strides = [1, 1]} : vector<8x512xf32> to vector<1x128xf32>
      %sub3A_207 = vector.broadcast %get3A_1 : vector<256x1xf32> to vector<256x128xf32>
      %sub3A_208 = vector.broadcast %slice3A_203 : vector<1x128xf32> to vector<256x128xf32>
      %sub3A_209 = arith.subf %sub3A_207, %sub3A_208 : vector<256x128xf32>
      %sub3A_210 = vector.broadcast %get3A_4 : vector<256x1xf32> to vector<256x128xf32>
      %sub3A_211 = vector.broadcast %slice3A_204 : vector<1x128xf32> to vector<256x128xf32>
      %sub3A_212 = arith.subf %sub3A_210, %sub3A_211 : vector<256x128xf32>
      %sub3A_213 = vector.broadcast %get3A_7 : vector<256x1xf32> to vector<256x128xf32>
      %sub3A_214 = vector.broadcast %slice3A_205 : vector<1x128xf32> to vector<256x128xf32>
      %sub3A_215 = arith.subf %sub3A_213, %sub3A_214 : vector<256x128xf32>
      %mul3A_216 = arith.mulf %sub3A_209, %sub3A_209 : vector<256x128xf32>
      %mul3A_217 = arith.mulf %sub3A_212, %sub3A_212 : vector<256x128xf32>
      %add3A_218 = arith.addf %mul3A_216, %mul3A_217 : vector<256x128xf32>
      %mul3A_219 = arith.mulf %sub3A_215, %sub3A_215 : vector<256x128xf32>
      %add3A_220 = arith.addf %add3A_218, %mul3A_219 : vector<256x128xf32>
      %ne3A_221 = vector.broadcast %get3A_10 : vector<256x1xf32> to vector<256x128xf32>
      %ne3A_222 = vector.broadcast %slice3A_206 : vector<1x128xf32> to vector<256x128xf32>
      %ne3A_223 = arith.cmpf one, %ne3A_221, %ne3A_222 : vector<256x128xf32>
      %jit3A_224 = arith.constant 1.000000e+10 : f32
      %broadcast_in_dim3A_225 = vector.broadcast %jit3A_224 : f32 to vector<256x128xf32>
      %select_n3A_226 = arith.select %ne3A_223, %broadcast_in_dim3A_225, %add3A_220 : vector<256x128xi1>, vector<256x128xf32>
      %iota3A_227 = tpu.iota {dimensions = array<i32: 1>} : vector<1x128xi32>
      %mul3A_228 = arith.constant 512 : i32
      %mul3A_229 = arith.muli %while3A_153, %mul3A_228 : i32
      %add3A_230 = arith.constant 128 : i32
      %add3A_231 = arith.addi %mul3A_229, %add3A_230 : i32
      %add3A_232 = vector.broadcast %add3A_231 : i32 to vector<1x128xi32>
      %add3A_233 = arith.addi %iota3A_227, %add3A_232 : vector<1x128xi32>
      %bitcast_convert_type3A_234 = tpu.bitcast %select_n3A_226 : vector<256x128xf32> -> vector<256x128xi32>
      %and3A_235 = arith.constant -16384 : i32
      %and3A_236 = vector.broadcast %and3A_235 : i32 to vector<256x128xi32>
      %and3A_237 = arith.andi %bitcast_convert_type3A_234, %and3A_236 : vector<256x128xi32>
      %or3A_238 = vector.broadcast %add3A_233 : vector<1x128xi32> to vector<256x128xi32>
      %or3A_239 = arith.ori %and3A_237, %or3A_238 : vector<256x128xi32>
      %lt3A_240 = arith.cmpi slt, %or3A_239, %select_n3A_202 : vector<256x128xi32>
      %lt3A_241 = arith.cmpi slt, %or3A_239, %select_n3A_201 : vector<256x128xi32>
      %lt3A_242 = arith.cmpi slt, %or3A_239, %select_n3A_199 : vector<256x128xi32>
      %select_n3A_243 = arith.select %lt3A_242, %or3A_239, %select_n3A_199 : vector<256x128xi1>, vector<256x128xi32>
      %select_n3A_244 = arith.select %lt3A_241, %select_n3A_201, %select_n3A_243 : vector<256x128xi1>, vector<256x128xi32>
      %select_n3A_245 = arith.select %lt3A_241, %or3A_239, %select_n3A_201 : vector<256x128xi1>, vector<256x128xi32>
      %select_n3A_246 = arith.select %lt3A_240, %select_n3A_202, %select_n3A_245 : vector<256x128xi1>, vector<256x128xi32>
      %select_n3A_247 = arith.select %lt3A_240, %or3A_239, %select_n3A_202 : vector<256x128xi1>, vector<256x128xi32>
      %slice3A_248 = vector.extract_strided_slice %get3A_160 {offsets = [0, 256], sizes = [1, 128], strides = [1, 1]} : vector<8x512xf32> to vector<1x128xf32>
      %slice3A_249 = vector.extract_strided_slice %get3A_160 {offsets = [1, 256], sizes = [1, 128], strides = [1, 1]} : vector<8x512xf32> to vector<1x128xf32>
      %slice3A_250 = vector.extract_strided_slice %get3A_160 {offsets = [2, 256], sizes = [1, 128], strides = [1, 1]} : vector<8x512xf32> to vector<1x128xf32>
      %slice3A_251 = vector.extract_strided_slice %get3A_160 {offsets = [3, 256], sizes = [1, 128], strides = [1, 1]} : vector<8x512xf32> to vector<1x128xf32>
      %sub3A_252 = vector.broadcast %get3A_1 : vector<256x1xf32> to vector<256x128xf32>
      %sub3A_253 = vector.broadcast %slice3A_248 : vector<1x128xf32> to vector<256x128xf32>
      %sub3A_254 = arith.subf %sub3A_252, %sub3A_253 : vector<256x128xf32>
      %sub3A_255 = vector.broadcast %get3A_4 : vector<256x1xf32> to vector<256x128xf32>
      %sub3A_256 = vector.broadcast %slice3A_249 : vector<1x128xf32> to vector<256x128xf32>
      %sub3A_257 = arith.subf %sub3A_255, %sub3A_256 : vector<256x128xf32>
      %sub3A_258 = vector.broadcast %get3A_7 : vector<256x1xf32> to vector<256x128xf32>
      %sub3A_259 = vector.broadcast %slice3A_250 : vector<1x128xf32> to vector<256x128xf32>
      %sub3A_260 = arith.subf %sub3A_258, %sub3A_259 : vector<256x128xf32>
      %mul3A_261 = arith.mulf %sub3A_254, %sub3A_254 : vector<256x128xf32>
      %mul3A_262 = arith.mulf %sub3A_257, %sub3A_257 : vector<256x128xf32>
      %add3A_263 = arith.addf %mul3A_261, %mul3A_262 : vector<256x128xf32>
      %mul3A_264 = arith.mulf %sub3A_260, %sub3A_260 : vector<256x128xf32>
      %add3A_265 = arith.addf %add3A_263, %mul3A_264 : vector<256x128xf32>
      %ne3A_266 = vector.broadcast %get3A_10 : vector<256x1xf32> to vector<256x128xf32>
      %ne3A_267 = vector.broadcast %slice3A_251 : vector<1x128xf32> to vector<256x128xf32>
      %ne3A_268 = arith.cmpf one, %ne3A_266, %ne3A_267 : vector<256x128xf32>
      %jit3A_269 = arith.constant 1.000000e+10 : f32
      %broadcast_in_dim3A_270 = vector.broadcast %jit3A_269 : f32 to vector<256x128xf32>
      %select_n3A_271 = arith.select %ne3A_268, %broadcast_in_dim3A_270, %add3A_265 : vector<256x128xi1>, vector<256x128xf32>
      %iota3A_272 = tpu.iota {dimensions = array<i32: 1>} : vector<1x128xi32>
      %mul3A_273 = arith.constant 512 : i32
      %mul3A_274 = arith.muli %while3A_153, %mul3A_273 : i32
      %add3A_275 = arith.constant 256 : i32
      %add3A_276 = arith.addi %mul3A_274, %add3A_275 : i32
      %add3A_277 = vector.broadcast %add3A_276 : i32 to vector<1x128xi32>
      %add3A_278 = arith.addi %iota3A_272, %add3A_277 : vector<1x128xi32>
      %bitcast_convert_type3A_279 = tpu.bitcast %select_n3A_271 : vector<256x128xf32> -> vector<256x128xi32>
      %and3A_280 = arith.constant -16384 : i32
      %and3A_281 = vector.broadcast %and3A_280 : i32 to vector<256x128xi32>
      %and3A_282 = arith.andi %bitcast_convert_type3A_279, %and3A_281 : vector<256x128xi32>
      %or3A_283 = vector.broadcast %add3A_278 : vector<1x128xi32> to vector<256x128xi32>
      %or3A_284 = arith.ori %and3A_282, %or3A_283 : vector<256x128xi32>
      %lt3A_285 = arith.cmpi slt, %or3A_284, %select_n3A_247 : vector<256x128xi32>
      %lt3A_286 = arith.cmpi slt, %or3A_284, %select_n3A_246 : vector<256x128xi32>
      %lt3A_287 = arith.cmpi slt, %or3A_284, %select_n3A_244 : vector<256x128xi32>
      %select_n3A_288 = arith.select %lt3A_287, %or3A_284, %select_n3A_244 : vector<256x128xi1>, vector<256x128xi32>
      %select_n3A_289 = arith.select %lt3A_286, %select_n3A_246, %select_n3A_288 : vector<256x128xi1>, vector<256x128xi32>
      %select_n3A_290 = arith.select %lt3A_286, %or3A_284, %select_n3A_246 : vector<256x128xi1>, vector<256x128xi32>
      %select_n3A_291 = arith.select %lt3A_285, %select_n3A_247, %select_n3A_290 : vector<256x128xi1>, vector<256x128xi32>
      %select_n3A_292 = arith.select %lt3A_285, %or3A_284, %select_n3A_247 : vector<256x128xi1>, vector<256x128xi32>
      %slice3A_293 = vector.extract_strided_slice %get3A_160 {offsets = [0, 384], sizes = [1, 128], strides = [1, 1]} : vector<8x512xf32> to vector<1x128xf32>
      %slice3A_294 = vector.extract_strided_slice %get3A_160 {offsets = [1, 384], sizes = [1, 128], strides = [1, 1]} : vector<8x512xf32> to vector<1x128xf32>
      %slice3A_295 = vector.extract_strided_slice %get3A_160 {offsets = [2, 384], sizes = [1, 128], strides = [1, 1]} : vector<8x512xf32> to vector<1x128xf32>
      %slice3A_296 = vector.extract_strided_slice %get3A_160 {offsets = [3, 384], sizes = [1, 128], strides = [1, 1]} : vector<8x512xf32> to vector<1x128xf32>
      %sub3A_297 = vector.broadcast %get3A_1 : vector<256x1xf32> to vector<256x128xf32>
      %sub3A_298 = vector.broadcast %slice3A_293 : vector<1x128xf32> to vector<256x128xf32>
      %sub3A_299 = arith.subf %sub3A_297, %sub3A_298 : vector<256x128xf32>
      %sub3A_300 = vector.broadcast %get3A_4 : vector<256x1xf32> to vector<256x128xf32>
      %sub3A_301 = vector.broadcast %slice3A_294 : vector<1x128xf32> to vector<256x128xf32>
      %sub3A_302 = arith.subf %sub3A_300, %sub3A_301 : vector<256x128xf32>
      %sub3A_303 = vector.broadcast %get3A_7 : vector<256x1xf32> to vector<256x128xf32>
      %sub3A_304 = vector.broadcast %slice3A_295 : vector<1x128xf32> to vector<256x128xf32>
      %sub3A_305 = arith.subf %sub3A_303, %sub3A_304 : vector<256x128xf32>
      %mul3A_306 = arith.mulf %sub3A_299, %sub3A_299 : vector<256x128xf32>
      %mul3A_307 = arith.mulf %sub3A_302, %sub3A_302 : vector<256x128xf32>
      %add3A_308 = arith.addf %mul3A_306, %mul3A_307 : vector<256x128xf32>
      %mul3A_309 = arith.mulf %sub3A_305, %sub3A_305 : vector<256x128xf32>
      %add3A_310 = arith.addf %add3A_308, %mul3A_309 : vector<256x128xf32>
      %ne3A_311 = vector.broadcast %get3A_10 : vector<256x1xf32> to vector<256x128xf32>
      %ne3A_312 = vector.broadcast %slice3A_296 : vector<1x128xf32> to vector<256x128xf32>
      %ne3A_313 = arith.cmpf one, %ne3A_311, %ne3A_312 : vector<256x128xf32>
      %jit3A_314 = arith.constant 1.000000e+10 : f32
      %broadcast_in_dim3A_315 = vector.broadcast %jit3A_314 : f32 to vector<256x128xf32>
      %select_n3A_316 = arith.select %ne3A_313, %broadcast_in_dim3A_315, %add3A_310 : vector<256x128xi1>, vector<256x128xf32>
      %iota3A_317 = tpu.iota {dimensions = array<i32: 1>} : vector<1x128xi32>
      %mul3A_318 = arith.constant 512 : i32
      %mul3A_319 = arith.muli %while3A_153, %mul3A_318 : i32
      %add3A_320 = arith.constant 384 : i32
      %add3A_321 = arith.addi %mul3A_319, %add3A_320 : i32
      %add3A_322 = vector.broadcast %add3A_321 : i32 to vector<1x128xi32>
      %add3A_323 = arith.addi %iota3A_317, %add3A_322 : vector<1x128xi32>
      %bitcast_convert_type3A_324 = tpu.bitcast %select_n3A_316 : vector<256x128xf32> -> vector<256x128xi32>
      %and3A_325 = arith.constant -16384 : i32
      %and3A_326 = vector.broadcast %and3A_325 : i32 to vector<256x128xi32>
      %and3A_327 = arith.andi %bitcast_convert_type3A_324, %and3A_326 : vector<256x128xi32>
      %or3A_328 = vector.broadcast %add3A_323 : vector<1x128xi32> to vector<256x128xi32>
      %or3A_329 = arith.ori %and3A_327, %or3A_328 : vector<256x128xi32>
      %lt3A_330 = arith.cmpi slt, %or3A_329, %select_n3A_292 : vector<256x128xi32>
      %lt3A_331 = arith.cmpi slt, %or3A_329, %select_n3A_291 : vector<256x128xi32>
      %lt3A_332 = arith.cmpi slt, %or3A_329, %select_n3A_289 : vector<256x128xi32>
      %select_n3A_333 = arith.select %lt3A_332, %or3A_329, %select_n3A_289 : vector<256x128xi1>, vector<256x128xi32>
      %select_n3A_334 = arith.select %lt3A_331, %select_n3A_291, %select_n3A_333 : vector<256x128xi1>, vector<256x128xi32>
      %select_n3A_335 = arith.select %lt3A_331, %or3A_329, %select_n3A_291 : vector<256x128xi1>, vector<256x128xi32>
      %select_n3A_336 = arith.select %lt3A_330, %select_n3A_292, %select_n3A_335 : vector<256x128xi1>, vector<256x128xi32>
      %select_n3A_337 = arith.select %lt3A_330, %or3A_329, %select_n3A_292 : vector<256x128xi1>, vector<256x128xi32>
      scf.yield %select_n3A_337, %select_n3A_336, %select_n3A_334 : vector<256x128xi32>, vector<256x128xi32>, vector<256x128xi32>
    }
    %while3A_89 = arith.constant 1 : i32
    %while3A_90:3 = scf.for %while3A_153 = %while3A_86 to %while3A_82 step %while3A_89 iter_args(%while3A_154 = %while3A_88#0, %while3A_155 = %while3A_88#1, %while3A_156 = %while3A_88#2) -> (vector<256x128xi32>, vector<256x128xi32>, vector<256x128xi32>)  : i32 {
      %mul3A = arith.constant 8 : i32
      %mul3A_157 = arith.muli %while3A_153, %mul3A : i32
      %get3A_158 = arith.index_cast %mul3A_157 : i32 to index
      %get3A_159 = arith.constant 0 : index
      %get3A_160 = vector.load %arg1[%get3A_158, %get3A_159] : memref<160x512xf32, #tpu.memory_space<vmem>>, vector<8x512xf32>
      %slice3A = vector.extract_strided_slice %get3A_160 {offsets = [0, 0], sizes = [1, 128], strides = [1, 1]} : vector<8x512xf32> to vector<1x128xf32>
      %slice3A_161 = vector.extract_strided_slice %get3A_160 {offsets = [1, 0], sizes = [1, 128], strides = [1, 1]} : vector<8x512xf32> to vector<1x128xf32>
      %slice3A_162 = vector.extract_strided_slice %get3A_160 {offsets = [2, 0], sizes = [1, 128], strides = [1, 1]} : vector<8x512xf32> to vector<1x128xf32>
      %slice3A_163 = vector.extract_strided_slice %get3A_160 {offsets = [3, 0], sizes = [1, 128], strides = [1, 1]} : vector<8x512xf32> to vector<1x128xf32>
      %sub3A_164 = vector.broadcast %get3A_1 : vector<256x1xf32> to vector<256x128xf32>
      %sub3A_165 = vector.broadcast %slice3A : vector<1x128xf32> to vector<256x128xf32>
      %sub3A_166 = arith.subf %sub3A_164, %sub3A_165 : vector<256x128xf32>
      %sub3A_167 = vector.broadcast %get3A_4 : vector<256x1xf32> to vector<256x128xf32>
      %sub3A_168 = vector.broadcast %slice3A_161 : vector<1x128xf32> to vector<256x128xf32>
      %sub3A_169 = arith.subf %sub3A_167, %sub3A_168 : vector<256x128xf32>
      %sub3A_170 = vector.broadcast %get3A_7 : vector<256x1xf32> to vector<256x128xf32>
      %sub3A_171 = vector.broadcast %slice3A_162 : vector<1x128xf32> to vector<256x128xf32>
      %sub3A_172 = arith.subf %sub3A_170, %sub3A_171 : vector<256x128xf32>
      %mul3A_173 = arith.mulf %sub3A_166, %sub3A_166 : vector<256x128xf32>
      %mul3A_174 = arith.mulf %sub3A_169, %sub3A_169 : vector<256x128xf32>
      %add3A_175 = arith.addf %mul3A_173, %mul3A_174 : vector<256x128xf32>
      %mul3A_176 = arith.mulf %sub3A_172, %sub3A_172 : vector<256x128xf32>
      %add3A_177 = arith.addf %add3A_175, %mul3A_176 : vector<256x128xf32>
      %ne3A_178 = vector.broadcast %get3A_10 : vector<256x1xf32> to vector<256x128xf32>
      %ne3A_179 = vector.broadcast %slice3A_163 : vector<1x128xf32> to vector<256x128xf32>
      %ne3A_180 = arith.cmpf one, %ne3A_178, %ne3A_179 : vector<256x128xf32>
      %jit3A_181 = arith.constant 1.000000e+10 : f32
      %broadcast_in_dim3A_182 = vector.broadcast %jit3A_181 : f32 to vector<256x128xf32>
      %select_n3A_183 = arith.select %ne3A_180, %broadcast_in_dim3A_182, %add3A_177 : vector<256x128xi1>, vector<256x128xf32>
      %iota3A = tpu.iota {dimensions = array<i32: 1>} : vector<1x128xi32>
      %mul3A_184 = arith.constant 512 : i32
      %mul3A_185 = arith.muli %while3A_153, %mul3A_184 : i32
      %add3A_186 = arith.constant 0 : i32
      %add3A_187 = arith.addi %mul3A_185, %add3A_186 : i32
      %add3A_188 = vector.broadcast %add3A_187 : i32 to vector<1x128xi32>
      %add3A_189 = arith.addi %iota3A, %add3A_188 : vector<1x128xi32>
      %bitcast_convert_type3A_190 = tpu.bitcast %select_n3A_183 : vector<256x128xf32> -> vector<256x128xi32>
      %and3A_191 = arith.constant -16384 : i32
      %and3A_192 = vector.broadcast %and3A_191 : i32 to vector<256x128xi32>
      %and3A_193 = arith.andi %bitcast_convert_type3A_190, %and3A_192 : vector<256x128xi32>
      %or3A = vector.broadcast %add3A_189 : vector<1x128xi32> to vector<256x128xi32>
      %or3A_194 = arith.ori %and3A_193, %or3A : vector<256x128xi32>
      %lt3A_195 = arith.cmpi slt, %or3A_194, %while3A_154 : vector<256x128xi32>
      %lt3A_196 = arith.cmpi slt, %or3A_194, %while3A_155 : vector<256x128xi32>
      %lt3A_197 = arith.cmpi slt, %or3A_194, %while3A_156 : vector<256x128xi32>
      %select_n3A_198 = arith.select %lt3A_197, %or3A_194, %while3A_156 : vector<256x128xi1>, vector<256x128xi32>
      %select_n3A_199 = arith.select %lt3A_196, %while3A_155, %select_n3A_198 : vector<256x128xi1>, vector<256x128xi32>
      %select_n3A_200 = arith.select %lt3A_196, %or3A_194, %while3A_155 : vector<256x128xi1>, vector<256x128xi32>
      %select_n3A_201 = arith.select %lt3A_195, %while3A_154, %select_n3A_200 : vector<256x128xi1>, vector<256x128xi32>
      %select_n3A_202 = arith.select %lt3A_195, %or3A_194, %while3A_154 : vector<256x128xi1>, vector<256x128xi32>
      %slice3A_203 = vector.extract_strided_slice %get3A_160 {offsets = [0, 128], sizes = [1, 128], strides = [1, 1]} : vector<8x512xf32> to vector<1x128xf32>
      %slice3A_204 = vector.extract_strided_slice %get3A_160 {offsets = [1, 128], sizes = [1, 128], strides = [1, 1]} : vector<8x512xf32> to vector<1x128xf32>
      %slice3A_205 = vector.extract_strided_slice %get3A_160 {offsets = [2, 128], sizes = [1, 128], strides = [1, 1]} : vector<8x512xf32> to vector<1x128xf32>
      %slice3A_206 = vector.extract_strided_slice %get3A_160 {offsets = [3, 128], sizes = [1, 128], strides = [1, 1]} : vector<8x512xf32> to vector<1x128xf32>
      %sub3A_207 = vector.broadcast %get3A_1 : vector<256x1xf32> to vector<256x128xf32>
      %sub3A_208 = vector.broadcast %slice3A_203 : vector<1x128xf32> to vector<256x128xf32>
      %sub3A_209 = arith.subf %sub3A_207, %sub3A_208 : vector<256x128xf32>
      %sub3A_210 = vector.broadcast %get3A_4 : vector<256x1xf32> to vector<256x128xf32>
      %sub3A_211 = vector.broadcast %slice3A_204 : vector<1x128xf32> to vector<256x128xf32>
      %sub3A_212 = arith.subf %sub3A_210, %sub3A_211 : vector<256x128xf32>
      %sub3A_213 = vector.broadcast %get3A_7 : vector<256x1xf32> to vector<256x128xf32>
      %sub3A_214 = vector.broadcast %slice3A_205 : vector<1x128xf32> to vector<256x128xf32>
      %sub3A_215 = arith.subf %sub3A_213, %sub3A_214 : vector<256x128xf32>
      %mul3A_216 = arith.mulf %sub3A_209, %sub3A_209 : vector<256x128xf32>
      %mul3A_217 = arith.mulf %sub3A_212, %sub3A_212 : vector<256x128xf32>
      %add3A_218 = arith.addf %mul3A_216, %mul3A_217 : vector<256x128xf32>
      %mul3A_219 = arith.mulf %sub3A_215, %sub3A_215 : vector<256x128xf32>
      %add3A_220 = arith.addf %add3A_218, %mul3A_219 : vector<256x128xf32>
      %ne3A_221 = vector.broadcast %get3A_10 : vector<256x1xf32> to vector<256x128xf32>
      %ne3A_222 = vector.broadcast %slice3A_206 : vector<1x128xf32> to vector<256x128xf32>
      %ne3A_223 = arith.cmpf one, %ne3A_221, %ne3A_222 : vector<256x128xf32>
      %jit3A_224 = arith.constant 1.000000e+10 : f32
      %broadcast_in_dim3A_225 = vector.broadcast %jit3A_224 : f32 to vector<256x128xf32>
      %select_n3A_226 = arith.select %ne3A_223, %broadcast_in_dim3A_225, %add3A_220 : vector<256x128xi1>, vector<256x128xf32>
      %iota3A_227 = tpu.iota {dimensions = array<i32: 1>} : vector<1x128xi32>
      %mul3A_228 = arith.constant 512 : i32
      %mul3A_229 = arith.muli %while3A_153, %mul3A_228 : i32
      %add3A_230 = arith.constant 128 : i32
      %add3A_231 = arith.addi %mul3A_229, %add3A_230 : i32
      %add3A_232 = vector.broadcast %add3A_231 : i32 to vector<1x128xi32>
      %add3A_233 = arith.addi %iota3A_227, %add3A_232 : vector<1x128xi32>
      %bitcast_convert_type3A_234 = tpu.bitcast %select_n3A_226 : vector<256x128xf32> -> vector<256x128xi32>
      %and3A_235 = arith.constant -16384 : i32
      %and3A_236 = vector.broadcast %and3A_235 : i32 to vector<256x128xi32>
      %and3A_237 = arith.andi %bitcast_convert_type3A_234, %and3A_236 : vector<256x128xi32>
      %or3A_238 = vector.broadcast %add3A_233 : vector<1x128xi32> to vector<256x128xi32>
      %or3A_239 = arith.ori %and3A_237, %or3A_238 : vector<256x128xi32>
      %lt3A_240 = arith.cmpi slt, %or3A_239, %select_n3A_202 : vector<256x128xi32>
      %lt3A_241 = arith.cmpi slt, %or3A_239, %select_n3A_201 : vector<256x128xi32>
      %lt3A_242 = arith.cmpi slt, %or3A_239, %select_n3A_199 : vector<256x128xi32>
      %select_n3A_243 = arith.select %lt3A_242, %or3A_239, %select_n3A_199 : vector<256x128xi1>, vector<256x128xi32>
      %select_n3A_244 = arith.select %lt3A_241, %select_n3A_201, %select_n3A_243 : vector<256x128xi1>, vector<256x128xi32>
      %select_n3A_245 = arith.select %lt3A_241, %or3A_239, %select_n3A_201 : vector<256x128xi1>, vector<256x128xi32>
      %select_n3A_246 = arith.select %lt3A_240, %select_n3A_202, %select_n3A_245 : vector<256x128xi1>, vector<256x128xi32>
      %select_n3A_247 = arith.select %lt3A_240, %or3A_239, %select_n3A_202 : vector<256x128xi1>, vector<256x128xi32>
      %slice3A_248 = vector.extract_strided_slice %get3A_160 {offsets = [0, 256], sizes = [1, 128], strides = [1, 1]} : vector<8x512xf32> to vector<1x128xf32>
      %slice3A_249 = vector.extract_strided_slice %get3A_160 {offsets = [1, 256], sizes = [1, 128], strides = [1, 1]} : vector<8x512xf32> to vector<1x128xf32>
      %slice3A_250 = vector.extract_strided_slice %get3A_160 {offsets = [2, 256], sizes = [1, 128], strides = [1, 1]} : vector<8x512xf32> to vector<1x128xf32>
      %slice3A_251 = vector.extract_strided_slice %get3A_160 {offsets = [3, 256], sizes = [1, 128], strides = [1, 1]} : vector<8x512xf32> to vector<1x128xf32>
      %sub3A_252 = vector.broadcast %get3A_1 : vector<256x1xf32> to vector<256x128xf32>
      %sub3A_253 = vector.broadcast %slice3A_248 : vector<1x128xf32> to vector<256x128xf32>
      %sub3A_254 = arith.subf %sub3A_252, %sub3A_253 : vector<256x128xf32>
      %sub3A_255 = vector.broadcast %get3A_4 : vector<256x1xf32> to vector<256x128xf32>
      %sub3A_256 = vector.broadcast %slice3A_249 : vector<1x128xf32> to vector<256x128xf32>
      %sub3A_257 = arith.subf %sub3A_255, %sub3A_256 : vector<256x128xf32>
      %sub3A_258 = vector.broadcast %get3A_7 : vector<256x1xf32> to vector<256x128xf32>
      %sub3A_259 = vector.broadcast %slice3A_250 : vector<1x128xf32> to vector<256x128xf32>
      %sub3A_260 = arith.subf %sub3A_258, %sub3A_259 : vector<256x128xf32>
      %mul3A_261 = arith.mulf %sub3A_254, %sub3A_254 : vector<256x128xf32>
      %mul3A_262 = arith.mulf %sub3A_257, %sub3A_257 : vector<256x128xf32>
      %add3A_263 = arith.addf %mul3A_261, %mul3A_262 : vector<256x128xf32>
      %mul3A_264 = arith.mulf %sub3A_260, %sub3A_260 : vector<256x128xf32>
      %add3A_265 = arith.addf %add3A_263, %mul3A_264 : vector<256x128xf32>
      %ne3A_266 = vector.broadcast %get3A_10 : vector<256x1xf32> to vector<256x128xf32>
      %ne3A_267 = vector.broadcast %slice3A_251 : vector<1x128xf32> to vector<256x128xf32>
      %ne3A_268 = arith.cmpf one, %ne3A_266, %ne3A_267 : vector<256x128xf32>
      %jit3A_269 = arith.constant 1.000000e+10 : f32
      %broadcast_in_dim3A_270 = vector.broadcast %jit3A_269 : f32 to vector<256x128xf32>
      %select_n3A_271 = arith.select %ne3A_268, %broadcast_in_dim3A_270, %add3A_265 : vector<256x128xi1>, vector<256x128xf32>
      %iota3A_272 = tpu.iota {dimensions = array<i32: 1>} : vector<1x128xi32>
      %mul3A_273 = arith.constant 512 : i32
      %mul3A_274 = arith.muli %while3A_153, %mul3A_273 : i32
      %add3A_275 = arith.constant 256 : i32
      %add3A_276 = arith.addi %mul3A_274, %add3A_275 : i32
      %add3A_277 = vector.broadcast %add3A_276 : i32 to vector<1x128xi32>
      %add3A_278 = arith.addi %iota3A_272, %add3A_277 : vector<1x128xi32>
      %bitcast_convert_type3A_279 = tpu.bitcast %select_n3A_271 : vector<256x128xf32> -> vector<256x128xi32>
      %and3A_280 = arith.constant -16384 : i32
      %and3A_281 = vector.broadcast %and3A_280 : i32 to vector<256x128xi32>
      %and3A_282 = arith.andi %bitcast_convert_type3A_279, %and3A_281 : vector<256x128xi32>
      %or3A_283 = vector.broadcast %add3A_278 : vector<1x128xi32> to vector<256x128xi32>
      %or3A_284 = arith.ori %and3A_282, %or3A_283 : vector<256x128xi32>
      %lt3A_285 = arith.cmpi slt, %or3A_284, %select_n3A_247 : vector<256x128xi32>
      %lt3A_286 = arith.cmpi slt, %or3A_284, %select_n3A_246 : vector<256x128xi32>
      %lt3A_287 = arith.cmpi slt, %or3A_284, %select_n3A_244 : vector<256x128xi32>
      %select_n3A_288 = arith.select %lt3A_287, %or3A_284, %select_n3A_244 : vector<256x128xi1>, vector<256x128xi32>
      %select_n3A_289 = arith.select %lt3A_286, %select_n3A_246, %select_n3A_288 : vector<256x128xi1>, vector<256x128xi32>
      %select_n3A_290 = arith.select %lt3A_286, %or3A_284, %select_n3A_246 : vector<256x128xi1>, vector<256x128xi32>
      %select_n3A_291 = arith.select %lt3A_285, %select_n3A_247, %select_n3A_290 : vector<256x128xi1>, vector<256x128xi32>
      %select_n3A_292 = arith.select %lt3A_285, %or3A_284, %select_n3A_247 : vector<256x128xi1>, vector<256x128xi32>
      %slice3A_293 = vector.extract_strided_slice %get3A_160 {offsets = [0, 384], sizes = [1, 128], strides = [1, 1]} : vector<8x512xf32> to vector<1x128xf32>
      %slice3A_294 = vector.extract_strided_slice %get3A_160 {offsets = [1, 384], sizes = [1, 128], strides = [1, 1]} : vector<8x512xf32> to vector<1x128xf32>
      %slice3A_295 = vector.extract_strided_slice %get3A_160 {offsets = [2, 384], sizes = [1, 128], strides = [1, 1]} : vector<8x512xf32> to vector<1x128xf32>
      %slice3A_296 = vector.extract_strided_slice %get3A_160 {offsets = [3, 384], sizes = [1, 128], strides = [1, 1]} : vector<8x512xf32> to vector<1x128xf32>
      %sub3A_297 = vector.broadcast %get3A_1 : vector<256x1xf32> to vector<256x128xf32>
      %sub3A_298 = vector.broadcast %slice3A_293 : vector<1x128xf32> to vector<256x128xf32>
      %sub3A_299 = arith.subf %sub3A_297, %sub3A_298 : vector<256x128xf32>
      %sub3A_300 = vector.broadcast %get3A_4 : vector<256x1xf32> to vector<256x128xf32>
      %sub3A_301 = vector.broadcast %slice3A_294 : vector<1x128xf32> to vector<256x128xf32>
      %sub3A_302 = arith.subf %sub3A_300, %sub3A_301 : vector<256x128xf32>
      %sub3A_303 = vector.broadcast %get3A_7 : vector<256x1xf32> to vector<256x128xf32>
      %sub3A_304 = vector.broadcast %slice3A_295 : vector<1x128xf32> to vector<256x128xf32>
      %sub3A_305 = arith.subf %sub3A_303, %sub3A_304 : vector<256x128xf32>
      %mul3A_306 = arith.mulf %sub3A_299, %sub3A_299 : vector<256x128xf32>
      %mul3A_307 = arith.mulf %sub3A_302, %sub3A_302 : vector<256x128xf32>
      %add3A_308 = arith.addf %mul3A_306, %mul3A_307 : vector<256x128xf32>
      %mul3A_309 = arith.mulf %sub3A_305, %sub3A_305 : vector<256x128xf32>
      %add3A_310 = arith.addf %add3A_308, %mul3A_309 : vector<256x128xf32>
      %ne3A_311 = vector.broadcast %get3A_10 : vector<256x1xf32> to vector<256x128xf32>
      %ne3A_312 = vector.broadcast %slice3A_296 : vector<1x128xf32> to vector<256x128xf32>
      %ne3A_313 = arith.cmpf one, %ne3A_311, %ne3A_312 : vector<256x128xf32>
      %jit3A_314 = arith.constant 1.000000e+10 : f32
      %broadcast_in_dim3A_315 = vector.broadcast %jit3A_314 : f32 to vector<256x128xf32>
      %select_n3A_316 = arith.select %ne3A_313, %broadcast_in_dim3A_315, %add3A_310 : vector<256x128xi1>, vector<256x128xf32>
      %iota3A_317 = tpu.iota {dimensions = array<i32: 1>} : vector<1x128xi32>
      %mul3A_318 = arith.constant 512 : i32
      %mul3A_319 = arith.muli %while3A_153, %mul3A_318 : i32
      %add3A_320 = arith.constant 384 : i32
      %add3A_321 = arith.addi %mul3A_319, %add3A_320 : i32
      %add3A_322 = vector.broadcast %add3A_321 : i32 to vector<1x128xi32>
      %add3A_323 = arith.addi %iota3A_317, %add3A_322 : vector<1x128xi32>
      %bitcast_convert_type3A_324 = tpu.bitcast %select_n3A_316 : vector<256x128xf32> -> vector<256x128xi32>
      %and3A_325 = arith.constant -16384 : i32
      %and3A_326 = vector.broadcast %and3A_325 : i32 to vector<256x128xi32>
      %and3A_327 = arith.andi %bitcast_convert_type3A_324, %and3A_326 : vector<256x128xi32>
      %or3A_328 = vector.broadcast %add3A_323 : vector<1x128xi32> to vector<256x128xi32>
      %or3A_329 = arith.ori %and3A_327, %or3A_328 : vector<256x128xi32>
      %lt3A_330 = arith.cmpi slt, %or3A_329, %select_n3A_292 : vector<256x128xi32>
      %lt3A_331 = arith.cmpi slt, %or3A_329, %select_n3A_291 : vector<256x128xi32>
      %lt3A_332 = arith.cmpi slt, %or3A_329, %select_n3A_289 : vector<256x128xi32>
      %select_n3A_333 = arith.select %lt3A_332, %or3A_329, %select_n3A_289 : vector<256x128xi1>, vector<256x128xi32>
      %select_n3A_334 = arith.select %lt3A_331, %select_n3A_291, %select_n3A_333 : vector<256x128xi1>, vector<256x128xi32>
      %select_n3A_335 = arith.select %lt3A_331, %or3A_329, %select_n3A_291 : vector<256x128xi1>, vector<256x128xi32>
      %select_n3A_336 = arith.select %lt3A_330, %select_n3A_292, %select_n3A_335 : vector<256x128xi1>, vector<256x128xi32>
      %select_n3A_337 = arith.select %lt3A_330, %or3A_329, %select_n3A_292 : vector<256x128xi1>, vector<256x128xi32>
      scf.yield %select_n3A_337, %select_n3A_336, %select_n3A_334 : vector<256x128xi32>, vector<256x128xi32>, vector<256x128xi32>
    }
    %reduce_min3A_91 = arith.constant dense<2147483647> : vector<256xi32>
    %reduce_min3A_92 = vector.multi_reduction <minsi>, %while3A_90#0, %reduce_min3A_91 [1] : vector<256x128xi32> to vector<256xi32>
    %broadcast_in_dim3A_93 = vector.shape_cast %reduce_min3A_92 : vector<256xi32> to vector<256x1xi32>
    %eq3A = vector.broadcast %broadcast_in_dim3A_93 : vector<256x1xi32> to vector<256x128xi32>
    %eq3A_94 = arith.cmpi eq, %while3A_90#0, %eq3A : vector<256x128xi32>
    %select_n3A_95 = arith.select %eq3A_94, %while3A_90#1, %while3A_90#0 : vector<256x128xi1>, vector<256x128xi32>
    %select_n3A_96 = arith.select %eq3A_94, %while3A_90#2, %while3A_90#1 : vector<256x128xi1>, vector<256x128xi32>
    %reduce_min3A_97 = arith.constant dense<2147483647> : vector<256xi32>
    %reduce_min3A_98 = vector.multi_reduction <minsi>, %select_n3A_95, %reduce_min3A_97 [1] : vector<256x128xi32> to vector<256xi32>
    %broadcast_in_dim3A_99 = vector.shape_cast %reduce_min3A_98 : vector<256xi32> to vector<256x1xi32>
    %eq3A_100 = vector.broadcast %broadcast_in_dim3A_99 : vector<256x1xi32> to vector<256x128xi32>
    %eq3A_101 = arith.cmpi eq, %select_n3A_95, %eq3A_100 : vector<256x128xi32>
    %select_n3A_102 = arith.select %eq3A_101, %select_n3A_96, %select_n3A_95 : vector<256x128xi1>, vector<256x128xi32>
    %reduce_min3A_103 = arith.constant dense<2147483647> : vector<256xi32>
    %reduce_min3A_104 = vector.multi_reduction <minsi>, %select_n3A_102, %reduce_min3A_103 [1] : vector<256x128xi32> to vector<256xi32>
    %broadcast_in_dim3A_105 = vector.shape_cast %reduce_min3A_104 : vector<256xi32> to vector<256x1xi32>
    %and3A_106 = arith.constant 16383 : i32
    %and3A_107 = vector.broadcast %and3A_106 : i32 to vector<256x1xi32>
    %and3A_108 = arith.andi %broadcast_in_dim3A_93, %and3A_107 : vector<256x1xi32>
    %swap3A = arith.constant 0 : index
    %swap3A_109 = arith.constant 0 : index
    %swap3A_110 = vector.load %arg4[%swap3A, %swap3A_109] : memref<256x8xi32, #tpu.memory_space<vmem>>, vector<256x1xi32>
    tpu.vector_store %arg4[%swap3A, %swap3A_109], %and3A_108 {strides = array<i32>} : memref<256x8xi32, #tpu.memory_space<vmem>>, vector<256x1xi32>,
    %and3A_111 = arith.constant 16383 : i32
    %and3A_112 = vector.broadcast %and3A_111 : i32 to vector<256x1xi32>
    %and3A_113 = arith.andi %broadcast_in_dim3A_99, %and3A_112 : vector<256x1xi32>
    %swap3A_114 = arith.constant 0 : index
    %swap3A_115 = arith.constant 1 : index
    %swap3A_116 = vector.load %arg4[%swap3A_114, %swap3A_115] : memref<256x8xi32, #tpu.memory_space<vmem>>, vector<256x1xi32>
    tpu.vector_store %arg4[%swap3A_114, %swap3A_115], %and3A_113 {strides = array<i32>} : memref<256x8xi32, #tpu.memory_space<vmem>>, vector<256x1xi32>,
    %and3A_117 = arith.constant 16383 : i32
    %and3A_118 = vector.broadcast %and3A_117 : i32 to vector<256x1xi32>
    %and3A_119 = arith.andi %broadcast_in_dim3A_105, %and3A_118 : vector<256x1xi32>
    %swap3A_120 = arith.constant 0 : index
    %swap3A_121 = arith.constant 2 : index
    %swap3A_122 = vector.load %arg4[%swap3A_120, %swap3A_121] : memref<256x8xi32, #tpu.memory_space<vmem>>, vector<256x1xi32>
    tpu.vector_store %arg4[%swap3A_120, %swap3A_121], %and3A_119 {strides = array<i32>} : memref<256x8xi32, #tpu.memory_space<vmem>>, vector<256x1xi32>,
    %broadcast_in_dim3A_123 = arith.constant 0 : i32
    %broadcast_in_dim3A_124 = vector.broadcast %broadcast_in_dim3A_123 : i32 to vector<256x5xi32>
    %swap3A_125 = arith.constant 0 : index
    %swap3A_126 = arith.constant 3 : index
    %swap3A_127 = vector.load %arg4[%swap3A_125, %swap3A_126] : memref<256x8xi32, #tpu.memory_space<vmem>>, vector<256x5xi32>
    tpu.vector_store %arg4[%swap3A_125, %swap3A_126], %broadcast_in_dim3A_124 {strides = array<i32>} : memref<256x8xi32, #tpu.memory_space<vmem>>, vector<256x5xi32>,
    %and3A_128 = arith.constant -16384 : i32
    %and3A_129 = vector.broadcast %and3A_128 : i32 to vector<256x1xi32>
    %and3A_130 = arith.andi %broadcast_in_dim3A_93, %and3A_129 : vector<256x1xi32>
    %bitcast_convert_type3A = tpu.bitcast %and3A_130 : vector<256x1xi32> -> vector<256x1xf32>
    %swap3A_131 = arith.constant 0 : index
    %swap3A_132 = arith.constant 0 : index
    %swap3A_133 = vector.load %arg5[%swap3A_131, %swap3A_132] : memref<256x8xf32, #tpu.memory_space<vmem>>, vector<256x1xf32>
    tpu.vector_store %arg5[%swap3A_131, %swap3A_132], %bitcast_convert_type3A {strides = array<i32>} : memref<256x8xf32, #tpu.memory_space<vmem>>, vector<256x1xf32>,
    %and3A_134 = arith.constant -16384 : i32
    %and3A_135 = vector.broadcast %and3A_134 : i32 to vector<256x1xi32>
    %and3A_136 = arith.andi %broadcast_in_dim3A_99, %and3A_135 : vector<256x1xi32>
    %bitcast_convert_type3A_137 = tpu.bitcast %and3A_136 : vector<256x1xi32> -> vector<256x1xf32>
    %swap3A_138 = arith.constant 0 : index
    %swap3A_139 = arith.constant 1 : index
    %swap3A_140 = vector.load %arg5[%swap3A_138, %swap3A_139] : memref<256x8xf32, #tpu.memory_space<vmem>>, vector<256x1xf32>
    tpu.vector_store %arg5[%swap3A_138, %swap3A_139], %bitcast_convert_type3A_137 {strides = array<i32>} : memref<256x8xf32, #tpu.memory_space<vmem>>, vector<256x1xf32>,
    %and3A_141 = arith.constant -16384 : i32
    %and3A_142 = vector.broadcast %and3A_141 : i32 to vector<256x1xi32>
    %and3A_143 = arith.andi %broadcast_in_dim3A_105, %and3A_142 : vector<256x1xi32>
    %bitcast_convert_type3A_144 = tpu.bitcast %and3A_143 : vector<256x1xi32> -> vector<256x1xf32>
    %swap3A_145 = arith.constant 0 : index
    %swap3A_146 = arith.constant 2 : index
    %swap3A_147 = vector.load %arg5[%swap3A_145, %swap3A_146] : memref<256x8xf32, #tpu.memory_space<vmem>>, vector<256x1xf32>
    tpu.vector_store %arg5[%swap3A_145, %swap3A_146], %bitcast_convert_type3A_144 {strides = array<i32>} : memref<256x8xf32, #tpu.memory_space<vmem>>, vector<256x1xf32>,
    %broadcast_in_dim3A_148 = arith.constant 0.000000e+00 : f32
    %broadcast_in_dim3A_149 = vector.broadcast %broadcast_in_dim3A_148 : f32 to vector<256x5xf32>
    %swap3A_150 = arith.constant 0 : index
    %swap3A_151 = arith.constant 3 : index
    %swap3A_152 = vector.load %arg5[%swap3A_150, %swap3A_151] : memref<256x8xf32, #tpu.memory_space<vmem>>, vector<256x5xf32>
    tpu.vector_store %arg5[%swap3A_150, %swap3A_151], %broadcast_in_dim3A_149 {strides = array<i32>} : memref<256x8xf32, #tpu.memory_space<vmem>>, vector<256x5xf32>,
    return
  }
  func.func @transform_0(%arg0: i32) -> (i32, i32) {
    %c0_i32 = arith.constant 0 : i32
    %c0_i32_0 = arith.constant 0 : i32
    %c0_i32_1 = arith.constant 0 : i32
    return %c0_i32, %c0_i32_0 : i32, i32
  }
  func.func @transform_1(%arg0: i32) -> (i32, i32) {
    %c0_i32 = arith.constant 0 : i32
    %c0_i32_0 = arith.constant 0 : i32
    %c0_i32_1 = arith.constant 0 : i32
    return %c0_i32, %c0_i32_0 : i32, i32
  }
  func.func @transform_2(%arg0: i32) -> (i32, i32) {
    %c0_i32 = arith.constant 0 : i32
    %c0_i32_0 = arith.constant 0 : i32
    return %arg0, %c0_i32 : i32, i32
  }
  func.func @transform_3(%arg0: i32) -> (i32, i32) {
    %c0_i32 = arith.constant 0 : i32
    %c0_i32_0 = arith.constant 0 : i32
    return %arg0, %c0_i32 : i32, i32
  }
  func.func @transform_4(%arg0: i32) -> (i32, i32) {
    %c0_i32 = arith.constant 0 : i32
    %c0_i32_0 = arith.constant 0 : i32
    return %arg0, %c0_i32 : i32, i32
  }
}

module attributes {stable_mosaic.version = 14 : i64} {
  func.func @_sum_body(%arg0: memref<32x16xf32, #tpu.memory_space<vmem>>, %arg1: memref<1x1xf32, #tpu.memory_space<vmem>>) attributes {dimension_semantics = [], scalar_prefetch = 0 : i64, scratch_operands = 0 : i64, tpu.core_type = #tpu.core_type<tc>} {
    %get3A = arith.constant 0 : index
    %get3A_0 = arith.constant 0 : index
    %get3A_1 = vector.load %arg0[%get3A, %get3A_0] : memref<32x16xf32, #tpu.memory_space<vmem>>, vector<32x16xf32>
    %reduce_sum3A = vector.shape_cast %get3A_1 : vector<32x16xf32> to vector<1x32x16xf32>
    %reduce_sum3A_2 = arith.constant dense<0.000000e+00> : vector<1xf32>
    %reduce_sum3A_3 = vector.multi_reduction <add>, %reduce_sum3A, %reduce_sum3A_2 [1, 2] : vector<1x32x16xf32> to vector<1xf32>
    %reduce_sum3A_4 = vector.shape_cast %reduce_sum3A_3 : vector<1xf32> to vector<1x1x1xf32>
    %reduce_sum3A_5 = vector.extract %reduce_sum3A_4[0, 0, 0] : f32 from vector<1x1x1xf32>
    %div3A = arith.constant 1.280000e+06 : f32
    %div3A_6 = arith.divf %reduce_sum3A_5, %div3A : f32
    %reshape3A = vector.broadcast %div3A_6 : f32 to vector<1x1xf32>
    %swap3A = arith.constant 0 : index
    %swap3A_7 = arith.constant 0 : index
    %swap3A_8 = vector.load %arg1[%swap3A, %swap3A_7] : memref<1x1xf32, #tpu.memory_space<vmem>>, vector<1x1xf32>
    tpu.vector_store %arg1[%swap3A, %swap3A_7], %reshape3A {strides = array<i32>} : memref<1x1xf32, #tpu.memory_space<vmem>>, vector<1x1xf32>,
    return
  }
}

</mosaic_0001>

<sc_bundles>
// kernel: kernel.5.cloned.1.call-start
scs
__scs_entry_jumppad:
0x0: {  	(pc) =	sbr.rel $0x88, $3  }
0x1: {  	(tag) =	ssettag $0x0;
	lr =	simm.s32 $0x1  }
0x2: {  	[smem:$0x3F9D] =	sst lr;
	_ =	strace $0xD0000000  }
0x3: {  	_ = 	snop  }
0x4: {  	_ = 	snop  }
0x5: {  	_ = 	snop  }
0x6: {  	_ = 	snop  }
0x7: {  	_ = 	snop  }
__scs_overlays_trampoline_lowered:
0x8: {  	[smem:$0x3FAC] =	sst s0  }
0x9: {  	[smem:$0x3FAD] =	sst s1  }
0xa: {  	[smem:$0x3FAE] =	sst s2  }
0xb: {  	[smem:$0x3FAF] =	sst s3  }
0xc: {  	[smem:$0x3FB0] =	sst s4  }
0xd: {  	[smem:$0x3FB1] =	sst s5  }
0xe: {  	[smem:$0x3FB2] =	sst s6  }
0xf: {  	[smem:$0x3FB3] =	sst s7  }
0x10: {  	[smem:$0x3FB4] =	sst s8  }
0x11: {  	[smem:$0x3FB5] =	sst s9;
	s0 =	simm.s32 @!p0 $0x0  }
0x12: {  	s1 =	sld [smem:$0x3F9B];
	s0 =	simm.s32 @p0 $0x1  }
0x13: {  	[smem:$0x3FB6] =	sst s0;
	s0 =	simm.s32 @!p1 $0x0  }
0x14: {  	s2 =	sld [smem:$0x3F9A];
	s0 =	simm.s32 @p1 $0x1  }
0x15: {  	[smem:$0x3FB7] =	sst s0;
	s0 =	simm.s32 @!p2 $0x0  }
0x16: {  	s3 =	sld [smem:$0x3FDB];
	s0 =	simm.s32 @p2 $0x1  }
0x17: {  	s4 =	simm.s32 $0x1BF5;
	[smem:$0x3FB9] =	sst s0  }
0x18: {  	s0 =	sld [smem:$0x3F9C];
	_ =	swait.ge [sflag:s4], $0x0  }
0x19: {  	s7 =	sld [smem:$0x3F9D]  }
0x1a: {  	s8 =	sadd.s32 $0xFFFFE003, lr  }
0x1b: {  	s9 =	sadd.s32 $0xFFFFFEF7, lr;
	s5 =	simm.s32 $0xFFFFFFFF;
	p2 =	slt.u32 s8, $0xFFFFF086  }
0x1c: {  	p1 =	slt.u32 s9, $0xF7A;
	s5 =	simm.s32 @!p2 $0x0  }
0x1d: {  	s5 =	simm.s32 @p1 $0x1;
	p0 =	seq.s32 s7, s2  }
0x1e: {  	s7 =	smul.u32 @!p0 $0xF7A, s2;
	p2 =	seq.s32 @!p0 s5, $0x0  }
0x1f: {  	s9 =	smul.u32 $0xF7A, s1;
	s8 =	simm.s32 @!p0 $0x1BF5;
	p2 =	por !p2, p0  }
0x20: {  	[sflag:s8] =	ssyncset.s32 @!p0 $0xFFFFF086;
	s6 =	sadd.s32 @!p0 s3, s7;
	s7 =	simm.s32 @!p0 $0x108  }
0x21: {  	s3 =	sadd.s32 s3, s9;
	s6 =	sadd.s32 @!p0 $0x88, s6;
	s7 =	simm.s32 @p2 $0x1082  }
0x22: {  	[simem:s7], [sflag:s8] =	dma.local @!p0 [hbm:s6], $0xF7A  }
0x23: {  	s9 =	sor.u32 $0xD0000000, s2;
	s6 =	simm.s32 $0x108;
	_ =	swait.ge @!p0 [sflag:s8], $0x0  }
0x24: {  	s3 =	sadd.s32 $0x88, s3;
	s6 =	simm.s32 @!p1 $0x1082;
	[sflag:s4] =	ssyncset.s32 $0xFFFFF086  }
0x25: {  	[simem:s6], [sflag:s4] =	dma.local [hbm:s3], $0xF7A  }
0x26: {  	[smem:$0x3F9D] =	sst s1;
	(tag) =	ssettag s2;
	_ =	strace s9  }
0x27: {  	s1 =	sld [smem:$0x3FAD]  }
0x28: {  	s2 =	sld [smem:$0x3FAE]  }
0x29: {  	s4 =	sld [smem:$0x3FB0]  }
0x2a: {  	p0 =	seq.s32 s5, $0x0;
	s5 =	sld [smem:$0x3FB1]  }
0x2b: {  	s6 =	sld [smem:$0x3FB2]  }
0x2c: {  	s7 =	sld [smem:$0x3FB3]  }
0x2d: {  	s3 =	simm.s32 $0x108;
	s8 =	sld [smem:$0x3FB4]  }
0x2e: {  	s3 =	simm.s32 @!p0 $0x1082;
	s9 =	sld [smem:$0x3FB5]  }
0x2f: {  	lr =	sadd.s32 s0, s3;
	s0 =	sld [smem:$0x3FAC]  }
0x30: {  	s3 =	sld [smem:$0x3FAF]  }
0x31: {  	[smem:$0x3FB8] =	sst s10  }
0x32: {  	s10 =	sld [smem:$0x3FB6];
	_ =	sdelay $0x3  }
0x33: {  	p0 =	seq.s32 s10, $0x1;
	s10 =	sld [smem:$0x3FB8];
	_ =	sdelay $0x3  }
0x34: {  	[smem:$0x3FB8] =	sst s10  }
0x35: {  	s10 =	sld [smem:$0x3FB7];
	_ =	sdelay $0x3  }
0x36: {  	p1 =	seq.s32 s10, $0x1;
	s10 =	sld [smem:$0x3FB8];
	_ =	sdelay $0x3  }
0x37: {  	[smem:$0x3FB8] =	sst s10  }
0x38: {  	s10 =	sld [smem:$0x3FB9]  }
0x39: {  	_ = 	snop;
	(pc) =	sbr.ind lr, $3  }
0x3a: {  	_ = 	snop  }
0x3b: {  	_ = 	snop  }
0x3c: {  	p2 =	seq.s32 s10, $0x1;
	s10 =	sld [smem:$0x3FB8]  }
0x3d: {  	_ =	shalt  }
0x3e: {  	_ =	shalt  }
0x3f: {  	_ =	shalt  }
0x40: {  	_ =	shalt  }
0x41: {  	_ =	shalt  }
0x42: {  	_ =	shalt  }
0x43: {  	_ =	shalt  }
0x44: {  	_ =	shalt  }
0x45: {  	_ =	shalt  }
0x46: {  	_ =	shalt  }
0x47: {  	_ =	shalt  }
0x48: {  	_ =	shalt  }
0x49: {  	_ =	shalt  }
0x4a: {  	_ =	shalt  }
0x4b: {  	_ =	shalt  }
0x4c: {  	_ =	shalt  }
0x4d: {  	_ =	shalt  }
0x4e: {  	_ =	shalt  }
0x4f: {  	_ =	shalt  }
0x50: {  	_ =	shalt  }
0x51: {  	_ =	shalt  }
0x52: {  	_ =	shalt  }
0x53: {  	_ =	shalt  }
0x54: {  	_ =	shalt  }
0x55: {  	_ =	shalt  }
0x56: {  	_ =	shalt  }
0x57: {  	_ =	shalt  }
0x58: {  	_ =	shalt  }
0x59: {  	_ =	shalt  }
0x5a: {  	_ =	shalt  }
0x5b: {  	_ =	shalt  }
0x5c: {  	_ =	shalt  }
0x5d: {  	_ =	shalt  }
0x5e: {  	_ =	shalt  }
0x5f: {  	_ =	shalt  }
0x60: {  	_ =	shalt  }
0x61: {  	_ =	shalt  }
0x62: {  	_ =	shalt  }
0x63: {  	_ =	shalt  }
0x64: {  	_ =	shalt  }
0x65: {  	_ =	shalt  }
0x66: {  	_ =	shalt  }
0x67: {  	_ =	shalt  }
0x68: {  	_ =	shalt  }
0x69: {  	_ =	shalt  }
0x6a: {  	_ =	shalt  }
0x6b: {  	_ =	shalt  }
0x6c: {  	_ =	shalt  }
0x6d: {  	_ =	shalt  }
0x6e: {  	_ =	shalt  }
0x6f: {  	_ =	shalt  }
0x70: {  	_ =	shalt  }
0x71: {  	_ =	shalt  }
0x72: {  	_ =	shalt  }
0x73: {  	_ =	shalt  }
0x74: {  	_ =	shalt  }
0x75: {  	_ =	shalt  }
0x76: {  	_ =	shalt  }
0x77: {  	_ =	shalt  }
0x78: {  	_ =	shalt  }
0x79: {  	_ =	shalt  }
0x7a: {  	_ =	shalt  }
0x7b: {  	_ =	shalt  }
0x7c: {  	_ =	shalt  }
0x7d: {  	_ =	shalt  }
0x7e: {  	_ =	shalt  }
0x7f: {  	_ =	shalt  }
0x80: {  	_ =	shalt  }
0x81: {  	_ =	shalt  }
0x82: {  	_ =	shalt  }
0x83: {  	_ =	shalt  }
0x84: {  	_ =	shalt  }
0x85: {  	_ =	shalt  }
0x86: {  	_ =	shalt  }
0x87: {  	_ =	shalt  }
.Lfunc_end0:
.L_simem_size_0:
called_computation_lowered:
.L_overlay_start_0:
0x88: {  	s2 =	sld [smem:$0x3FD9]  }
0x89: {  	s3 =	sld [smem:$0x3FFE];
	_ =	sdelay $0x1  }
0x8a: {  	s1 =	srdreg.scid  }
0x8b: {  	s0 =	sand.u32 $0x1, s1  }
0x8c: {  	s16 =	sshll.u32 s0, $0xA;
	s2 =	sadd.s32 s3, s2  }
0x8d: {  	s2 =	sadd.s32 s2, s16  }
0x8e: {  	[smem:$0x3FC4] =	sst s2  }
0x8f: {  	_ = 	snop  }
0x90: {  	(tm) =	ssettm $0x1  }
0x91: {  	s17 =	sld [smem:$0x3FFB];
	_ =	sdelay $0x3  }
0x92: {  	_ =	strace s17  }
0x93: {  	s2 =	sld [smem:$0x3FFC];
	_ =	sdelay $0x3  }
0x94: {  	_ =	strace s2  }
0x95: {  	s2 =	sld [smem:$0x3FFD];
	_ =	sdelay $0x3  }
0x96: {  	_ =	strace s2  }
0x97: {  	_ =	strace $0x8FFFFFFF  }
0x98: {  	s18 =	sld [smem:$0x3FDB];
	_ =	sdelay $0x1  }
0x99: {  	s19 =	simm.s32 $_scs_section_size  }
0x9a: {  	s4 =	simm.s32 $_size__tile_overlayer_lowered;
	s5 =	simm.s32 $_tile_overlayer_lowered  }
0x9b: {  	s22 =	simm.s32 $0x1BFF;
	s21 =	sshll.u32 s5, $0x1;
	s2 =	sadd.s32 s19, s18  }
0x9c: {  	s6 =	simm.s32 $0x0;
	s20 =	sshll.u32 s4, $0x1;
	s4 =	sadd.s32 s21, s2  }
0x9d: {  	[timem:s6], [sflag:s22] =	dma.local [hbm:s4], s20  }
0x9e: {  	_ =	swait.ge [sflag:s22], s20  }
0x9f: {  	s3 =	ssub.s32 $0x0, s20;
	[sflag:s22] =	ssyncset.done $0x0  }
0xa0: {  	[sflag:s22] =	ssyncadd.s32 s3;
	_ =	sdelay $0x1  }
0xa1: {  	s23 =	simm.s32 $0x1B8B  }
0xa2: {  	_ =	swait.ge [sflag:s23], $0x1  }
0xa3: {  	[sflag:s23] =	ssyncset.done $0x0  }
0xa4: {  	s25 =	simm.s32 $0x1B8E;
	s24 =	sld [smem:$0x3FFE];
	[sflag:s23] =	ssyncadd.s32 $0xFFFFFFFF  }
0xa5: {  	s26 =	simm.s32 $execute0_lowered;
	[smem:$0x3FD2] =	sst s25  }
0xa6: {  	s4 =	sshll.u32 s26, $0x1;
	_ =	strace $0x80000046;
	[dreg:$0x1] =	wrdreg $0xFFFFFFFF  }
0xa7: {  	s28 =	simm.s32 $_size_execute0_lowered;
	s2 =	sadd.s32 s2, s4;
	[dreg:$0x0] =	wrdreg $0x0  }
0xa8: {  	s4 =	sshll.u32 s28, $0x1;
	[dreg:$0x2] =	wrdreg s2  }
0xa9: {  	[dreg:$0x3] =	wrdreg s4  }
0xaa: {  	[dreg:$0x4] =	wrdreg $0xC0  }
0xab: {  	_ =	task [dreg:s6], $0x5FFFF  }
0xac: {  	[dreg:$0x1] =	wrdreg $0xFFFFFFFF  }
0xad: {  	[dreg:$0x0] =	wrdreg $0x60  }
0xae: {  	[dreg:$0x2] =	wrdreg s24  }
0xaf: {  	[dreg:$0x3] =	wrdreg $0x9  }
0xb0: {  	_ =	task.clear_ibuf [dreg:s6], $0x4FFFF;
	_ =	strace $0x90000046  }
0xb1: {  	s29 =	simm.s32 $0x9;
	_ =	strace $0x80000048  }
0xb2: {  	_ =	swait.ge [sflag:s29], $0x1  }
0xb3: {  	[sflag:s29] =	ssyncadd.s32 $0xFFFFFFFF  }
0xb4: {  	_ =	strace $0x90000048  }
0xb5: {  	_ =	sfence  }
0xb6: {  	s30 =	sld [smem:$0x0];
	_ =	sdelay $0x2  }
0xb7: {  	s31 =	sshll.u32 s1, $0xD;
	s1 =	sshrl.u32 s1, $0x2  }
0xb8: {  	s3 =	sand.u32 $0x4000, s31;
	s1 =	sadd.s32 s1, s30  }
0xb9: {  	s0 =	sor.u32 s3, s0;
	s1 =	sshll.u32 s1, $0x11  }
0xba: {  	s0 =	sor.u32 s1, s0  }
0xbb: {  	s0 =	sadd.s32 $0x8F2B, s0  }
0xbc: {  	[sflag:s0] =	ssyncadd.remote.s32 $0x1  }
0xbd: {  	_ =	sfence.sel $0xFFFF  }
0xbe: {  	[dreg:$0x0] =	wrdreg $0xFFFFFFFF;
	(pc) =	sbr.abs _section_cstart, $3  }
0xbf: {  	[dreg:$0x1] =	wrdreg $0xFFFFFFFF  }
0xc0: {  	_ =	task.clear_ibuf [dreg:s6], $0x2FFFF;
	_ =	strace $0x9FFFFFFF  }
0xc1: {  	(tm) =	ssettm $0x7FFFFFFF  }
tec
execute0_lowered:
.L_overlay_start_1:
0x0: {  	(tag) =	ssettag $0x1  }
0x1: {  	s0 =	rddreg [dreg:$0x0];
	s2 =	simm.s32 $0x0;
	s1 =	srdreg.scid  }
0x2: {  	s11 =	stileid.u32;
	s9 =	simm.s32 $0x25C0;
	s16 =	simm.s32 $0x7  }
0x3: {  	s20 =	simm.s32 $0xA100;
	s21 =	simm.s32 $0x1;
	s22 =	simm.s32 $0x3  }
0x4: {  	s23 =	simm.s32 $0x5;
	s28 =	simm.s32 $0x11900;
	s29 =	simm.s32 $0x0  }
0x5: {  	[smem:$0x7FF] =	sst s2;
	s3 =	sadd.s32 $0x2A00, s0;
	s1 =	sand.u32 $0x1, s1  }
0x6: {  	s6 =	sshll.u32 s11, $0x1;
	s4 =	sadd.s32 $0x1A00, s0;
	s5 =	sadd.s32 $0x50E00, s0  }
0x7: {  	s11 =	smul.u32 $0xFD80, s11;
	_ =	strace $0x80000047;
	s10 =	sor.u32 s1, s6  }
0x8: {  	s6 =	sadd.s32 $0x29C00, s0;
	p0 =	seq.s32 s1, $0x1;
	s7 =	smul.u32 $0x140, s10  }
0x9: {  	s1 =	ssub.s32 $0x2, s1;
	s8 =	sshll.u32 s10, $0x1;
	s13 =	smul.u32 $0x1400, s10  }
0xa: {  	s9 =	simm.s32 @!p0 $0x2700;
	s25 =	sshrl.u32 s1, $0x1;
	s14 =	smul.u32 $0x3C00, s10  }
0xb: {  	s0 =	sadd.s32 s8, s0;
	s9 =	sadd.s32 s9, s11;
	s12 =	ssub.s32 $0x2710, s7  }
0xc: {  	s8 =	smul.u32 $0x3C0, s10;
	s9 =	sor.u32 $0x10, s9;
	s12 =	sand.u32 $0xFFD0, s12  }
0xd: {  	s1 =	ssub.s32 s1, s25;
	s9 =	sand.u32 $0xFFD0, s9;
	s24 =	smul.u32 $0xCCD, s12  }
0xe: {  	s25 =	simm.s32 $0x4;
	s30 =	sshrl.u32 s8, $0x3;
	s26 =	smul.u32 $0xCCCD, s9  }
0xf: {  	s10 =	sadd.s32 s4, s30;
	s12 =	sadd.s32 s5, s14;
	s11 =	sshrl.u32 s24, $0x11  }
0x10: {  	s15 =	sshrl.u32 s26, $0x15;
	s24 =	simm.s32 $0x2;
	s26 =	simm.s32 $0x6  }
0x11: {  	s9 =	smin.u32 s11, $0x8;
	s11 =	sadd.s32 s6, s13;
	s31 =	smin.u32 s15, $0x8  }
0x12: {  	s13 =	sadd.s32 $0xC8E00, s0;
	s15 =	smax.u32 s1, $0x1;
	s14 =	sshrl.u32 s31, $0x1  }
.LBB2_1:
0x13: {  	[tilespmem:s2], [sflag:$0x7] =	stream.linear.gather [hbm4b:s10+s2], $0x78, $0x38;
	[tilespmem:$0x11980] =	vst v63  }
0x14: {  	_ =	swait.ge [sflag:s16], $0x78  }
0x15: {  	[sflag:s16] =	ssyncset.done $0x0  }
0x16: {  	s0 =	simm.s32 $0x78;
	s1 =	simm.s32 $0x100;
	[sflag:s16] =	ssyncadd.s32 $0xFFFFFF88  }
0x17: {  	[tilespmem:s1], [sflag:$0x1] =	stream.indirect.gather [hbm4b:s3+s0], $0x80, s2, s0, $0xb8;
	[tilespmem:$0x11980] =	vst v63  }
0x18: {  	s31 =	simm.s32 $0x7900  }
0x19: {  	[tilespmem:s31], [sflag:$0x3] =	stream.linear.gather [hbm4b:s11+s2], $0x1400, $0x38;
	[tilespmem:$0x11980] =	vst v63  }
0x1a: {  	s30 =	simm.s32 $0x0  }
0x1b: {  	v1 =	vimm.f32 $0.0e+00;
	[tilespmem:s20], [sflag:$0x5] =	stream.linear.gather [hbm4b:s12+s2], $0x3C00, $0x38;
	[tilespmem:$0x11980] =	vst v63  }
.LBB2_2:
0x1c: {  	s0 =	sshllo.u32 s30, $0x1  }
0x1d: {  	p0 =	sge.u32 s0, s9  }
0x1e: {  	s1 =	smul.u32 @!p0 $0x78, s0;
	_ =	sdelay $0x1  }
0x1f: {  	s1 =	sadd.s32 @!p0 s8, s1  }
0x20: {  	s17 =	sshrl.u32 @!p0 s1, $0x3  }
0x21: {  	s18 =	simm.s32 @!p0 $0x0;
	s31 =	simm.s32 @!p0 $0x80;
	s17 =	sadd.s32 @!p0 s4, s17  }
0x22: {  	[tilespmem:s31], [sflag:$0x7] =	stream.linear.gather @!p0 [hbm4b:s17+s18], $0x78, $0x38;
	[tilespmem:$0x11980] =	vst v63  }
0x23: {  	s0 =	smul.u32 @!p0 $0x28, s0;
	s17 =	simm.s32 @!p0 $0x7  }
0x24: {  	_ =	swait.ge @!p0 [sflag:s17], $0x78  }
0x25: {  	s19 =	simm.s32 @!p0 $0x3D00;
	s0 =	sadd.s32 @!p0 s7, s0;
	[sflag:s17] =	ssyncset.done @!p0 $0x0  }
0x26: {  	s0 =	sshll.u32 @!p0 s0, $0x4;
	[sflag:s17] =	ssyncadd.s32 @!p0 $0xFFFFFF88;
	s17 =	simm.s32 @!p0 $0x78  }
0x27: {  	[tilespmem:s19], [sflag:$0x2] =	stream.indirect.gather @!p0 [hbm4b:s3+s17], $0x80, s31, s17, $0xb8;
	[tilespmem:$0x11980] =	vst v63  }
0x28: {  	s0 =	sadd.s32 @!p0 s6, s0;
	s17 =	simm.s32 @!p0 $0x8D00  }
0x29: {  	[tilespmem:s17], [sflag:$0x4] =	stream.linear.gather @!p0 [hbm4b:s0+s18], $0x1400, $0x38;
	[tilespmem:$0x11980] =	vst v63  }
0x2a: {  	s0 =	sshll.u32 @!p0 s1, $0x4  }
0x2b: {  	s1 =	simm.s32 @!p0 $0xDD00;
	s0 =	sadd.s32 @!p0 s5, s0  }
0x2c: {  	[tilespmem:s1], [sflag:$0x6] =	stream.linear.gather @!p0 [hbm4b:s0+s18], $0x3C00, $0x38;
	[tilespmem:$0x11980] =	vst v63  }
0x2d: {  	_ =	swait.ge [sflag:s21], $0x3C00  }
0x2e: {  	[sflag:s21] =	ssyncset.done $0x0  }
0x2f: {  	[sflag:s21] =	ssyncadd.s32 $0xFFFFC400  }
0x30: {  	_ =	swait.ge [sflag:s22], $0x1400  }
0x31: {  	[sflag:s22] =	ssyncset.done $0x0  }
0x32: {  	[sflag:s22] =	ssyncadd.s32 $0xFFFFEC00  }
0x33: {  	_ =	swait.ge [sflag:s23], $0x3C00  }
0x34: {  	[sflag:s23] =	ssyncset.done $0x0  }
0x35: {  	s19 =	simm.s32 $0x0;
	[sflag:s23] =	ssyncadd.s32 $0xFFFFC400  }
0x36: {  	v0 =	vld [tilespmem:s19+$0xA100]  }
0x37: {  	v2 =	vld [tilespmem:s19+$0xA200]  }
0x38: {  	v3 =	vld [tilespmem:s19+$0xA180]  }
0x39: {  	v4 =	vld [tilespmem:s19+$0x270]  }
0x3a: {  	v5 =	vld [tilespmem:s19+$0x260]  }
0x3b: {  	v6 =	vld [tilespmem:s19+$0x170]  }
0x3c: {  	v7 =	vld [tilespmem:s19+$0x1F0];
	v0 =	vmax.f32 v0, $1.000000020e-16  }
0x3d: {  	v8 =	vld [tilespmem:s19+$0x250];
	(erf) = vrcp.f32 v0;
	v0 =	vmax.f32 v3, $1.000000020e-16  }
0x3e: {  	v9 =	vld [tilespmem:s19+$0x160];
	(erf) = vrcp.f32 v0  }
0x3f: {  	v10 =	vld [tilespmem:s19+$0x1E0];
	v0 =	vmax.f32 v2, $1.000000020e-16  }
0x40: {  	v11 =	vld [tilespmem:s19+$0x240];
	(erf) = vrcp.f32 v0  }
0x41: {  	v12 =	vld [tilespmem:s19+$0x230]  }
0x42: {  	s0 =	simm.s32 $0x180;
	v13 =	vld [tilespmem:s19+$0x220]  }
0x43: {  	v2 =	vld [tilespmem:s0+$0xA100]  }
0x44: {  	v14 =	vld [tilespmem:s19+$0x130]  }
0x45: {  	v24 =	vld [tilespmem:s19+$0x180]  }
0x46: {  	v18 =	vld [tilespmem:s19+$0x1B0];
	v17 =	vpop (erf)  }
0x47: {  	v16 =	vld [tilespmem:s19+$0x210];
	v19 =	vpop (erf)  }
0x48: {  	v0 =	vld [tilespmem:s19+$0x150];
	v2 =	vmax.f32 v2, $1.000000020e-16;
	v3 =	vadd.f32 v19, v17  }
0x49: {  	v23 =	vld [tilespmem:s19+$0x100];
	(erf) = vrcp.f32 v2;
	v21 =	vpop (erf)  }
0x4a: {  	v15 =	vld [tilespmem:s19+$0x200];
	v57 =	vmul.f32 v24, v19;
	v2 =	vmul.f32 v4, v21;
	v22 =	vadd.f32 v21, v3  }
0x4b: {  	v25 =	vld [tilespmem:s19+$0x110];
	v4 =	vmul.f32 v6, v17;
	v6 =	vmul.f32 v8, v21  }
0x4c: {  	v56 =	vld [tilespmem:s19+$0x190];
	v8 =	vmul.f32 v10, v19;
	(erf) = vrcp.f32 v22  }
0x4d: {  	v20 =	vld [tilespmem:s19+$0x120];
	v26 =	vmul.f32 v12, v21;
	v12 =	vmul.f32 v0, v17  }
0x4e: {  	v10 =	vld [tilespmem:s19+$0x1A0];
	v0 =	vmul.f32 v23, v17;
	v3 =	vmul.f32 v5, v21  }
0x4f: {  	v5 =	vmul.f32 v7, v19;
	v7 =	vmul.f32 v9, v17;
	v9 =	vld [tilespmem:s0+$0xA200]  }
0x50: {  	v27 =	vld [tilespmem:s0+$0xA180];
	v25 =	vmul.f32 v25, v17  }
0x51: {  	v28 =	vld [tilespmem:s19+$0x140];
	v58 =	vmul.f32 v15, v21;
	v23 =	vadd.f32 v57, v0;
	v22 =	vmul.f32 v56, v19  }
0x52: {  	s31 =	simm.s32 $0x7940;
	v30 =	vld [tilespmem:s19+$0x1C0];
	v20 =	vmul.f32 v20, v17;
	v14 =	vmul.f32 v14, v17  }
0x53: {  	v31 =	vld [tilespmem:s31+$0xFFFFFFC0];
	v18 =	vmul.f32 v18, v19;
	v59 =	vadd.f32 v58, v23;
	v22 =	vadd.f32 v22, v25  }
0x54: {  	v61 =	vld [tilespmem:s19+$0x1D0];
	v60 =	vmul.f32 v10, v19;
	v15 =	vmax.f32 v9, $1.000000020e-16;
	v9 =	vmul.f32 v16, v21;
	v0 =	vpop (erf)  }
0x55: {  	v62 =	vld [tilespmem:s31+$0xFFFFFFD0];
	v11 =	vmul.f32 v11, v21;
	v13 =	vmul.f32 v13, v21;
	v18 =	vadd.f32 v18, v14;
	v10 =	vpop (erf)  }
0x56: {  	v29 =	vld [tilespmem:s31+$0xFFFFFFE0];
	v20 =	vadd.f32 v60, v20;
	v22 =	vadd.f32 v9, v22;
	v21 =	vmul.f32 v59, v10  }
0x57: {  	v63 =	vmul.f32 v30, v19;
	v30 =	vld [tilespmem:s31+$0xFFFFFFF0];
	v17 =	vmul.f32 v28, v17;
	v32 =	vadd.f32 v26, v18  }
0x58: {  	v14 =	vld [tilespmem:s31+$0x20];
	v13 =	vadd.f32 v13, v20;
	v22 =	vmul.f32 v22, v10;
	v21 =	vsub.f32 v21, v31  }
0x59: {  	v28 =	vld [tilespmem:s31+$0x10];
	v33 =	vadd.f32 v63, v17;
	v16 =	vmax.f32 v27, $1.000000020e-16;
	v31 =	vmul.f32 v61, v19  }
0x5a: {  	s17 =	simm.s32 $0xC00;
	s1 =	sshll.u32 s30, $0x1;
	v9 =	vld [tilespmem:s31+$0x30];
	v36 =	vmul.f32 v13, v10;
	v34 =	vsub.f32 v22, v62;
	v35 =	vmul.f32 v21, v21  }
.LBB2_3:
0x5b: {  	p0 =	sne.s32 s17, $0xEA00;
	v13 =	vmul.f32 v32, v10;
	v11 =	vadd.f32 v11, v33;
	v17 =	vld [tilespmem:s31+$0x0];
	v12 =	vadd.f32 v31, v12  }
0x5c: {  	v18 =	vld [tilespmem:s0+$0x270];
	v1 =	vadd.f32 v35, v1;
	v19 =	vmul.f32 v34, v34;
	v20 =	vsub.f32 v36, v29  }
0x5d: {  	v7 =	vadd.f32 v8, v7;
	v21 =	vld [tilespmem:s0+$0x260];
	v11 =	vmul.f32 v11, v10;
	v6 =	vadd.f32 v6, v12  }
0x5e: {  	v8 =	vld [tilespmem:s0+$0x170];
	v1 =	vadd.f32 v19, v1;
	v12 =	vmul.f32 v20, v20;
	v13 =	vsub.f32 v13, v30  }
0x5f: {  	v4 =	vadd.f32 v5, v4;
	v3 =	vadd.f32 v3, v7;
	v19 =	vld [tilespmem:s0+$0x1F0];
	v6 =	vmul.f32 v6, v10  }
0x60: {  	v7 =	vld [tilespmem:s0+$0x250];
	v1 =	vadd.f32 v12, v1;
	v5 =	vmul.f32 v13, v13;
	v11 =	vsub.f32 v11, v17  }
0x61: {  	v2 =	vadd.f32 v2, v4;
	v3 =	vmul.f32 v3, v10;
	v12 =	vld [tilespmem:s0+$0x160];
	(erf) = vrcp.f32 v16  }
0x62: {  	v13 =	vld [tilespmem:s0+$0x1E0];
	v1 =	vadd.f32 v5, v1;
	v4 =	vmul.f32 v11, v11;
	v5 =	vsub.f32 v6, v28  }
0x63: {  	v2 =	vmul.f32 v2, v10;
	v11 =	vld [tilespmem:s0+$0x240];
	(erf) = vrcp.f32 v15  }
0x64: {  	v3 =	vsub.f32 v3, v14;
	v10 =	vld [tilespmem:s0+$0x150];
	v1 =	vadd.f32 v4, v1;
	v4 =	vmul.f32 v5, v5  }
0x65: {  	v14 =	vld [tilespmem:s0+$0x230]  }
0x66: {  	s18 =	sshra.s32 s17, $0x2;
	v2 =	vsub.f32 v2, v9;
	v3 =	vmul.f32 v3, v3;
	v15 =	vld [tilespmem:s0+$0x220];
	v1 =	vadd.f32 v4, v1  }
0x67: {  	v4 =	vld [tilespmem:s18+$0xA100]  }
0x68: {  	v2 =	vmul.f32 v2, v2;
	v9 =	vld [tilespmem:s0+$0x130];
	v1 =	vadd.f32 v3, v1  }
0x69: {  	v17 =	vld [tilespmem:s0+$0x1B0]  }
0x6a: {  	v16 =	vld [tilespmem:s0+$0x210];
	v20 =	vpop (erf);
	v1 =	vadd.f32 v2, v1  }
0x6b: {  	v2 =	vadd.f32 v20, v0;
	v22 =	vld [tilespmem:s0+$0x120]  }
0x6c: {  	v3 =	vmax.f32 v4, $1.000000020e-16;
	v23 =	vld [tilespmem:s0+$0x200];
	v24 =	vpop (erf)  }
0x6d: {  	(erf) = vrcp.f32 v3;
	v6 =	vadd.f32 v24, v2;
	v25 =	vld [tilespmem:s0+$0x100];
	v2 =	vmul.f32 v18, v24  }
0x6e: {  	v4 =	vmul.f32 v8, v0;
	v3 =	vmul.f32 v21, v24;
	v18 =	vld [tilespmem:s0+$0x180]  }
0x6f: {  	v5 =	vmul.f32 v19, v20;
	v21 =	vld [tilespmem:s0+$0x110];
	(erf) = vrcp.f32 v6  }
0x70: {  	v6 =	vmul.f32 v7, v24;
	v7 =	vmul.f32 v12, v0;
	v19 =	vld [tilespmem:s0+$0x190]  }
0x71: {  	v8 =	vmul.f32 v13, v20;
	v11 =	vmul.f32 v11, v24;
	v26 =	vld [tilespmem:s18+$0xA200]  }
0x72: {  	v27 =	vmul.f32 v14, v24;
	v12 =	vmul.f32 v10, v0;
	v13 =	vld [tilespmem:s0+$0x1A0]  }
0x73: {  	v14 =	vmul.f32 v25, v0;
	v10 =	vld [tilespmem:s18+$0xA180];
	v18 =	vmul.f32 v18, v20  }
0x74: {  	v23 =	vmul.f32 v23, v24;
	v25 =	vmul.f32 v15, v24;
	v28 =	vld [tilespmem:s0+$0x140]  }
0x75: {  	s31 =	sadd.s32 $0x80, s31;
	v14 =	vadd.f32 v18, v14;
	v18 =	vmul.f32 v21, v0;
	v19 =	vmul.f32 v19, v20;
	v21 =	vld [tilespmem:s0+$0x1C0]  }
0x76: {  	v22 =	vmul.f32 v22, v0;
	v24 =	vmul.f32 v16, v24;
	v15 =	vmax.f32 v26, $1.000000020e-16;
	v26 =	vpop (erf);
	v30 =	vld [tilespmem:s31+$0xFFFFFFC0]  }
0x77: {  	v14 =	vadd.f32 v23, v14;
	v18 =	vadd.f32 v19, v18;
	v13 =	vmul.f32 v13, v20;
	v19 =	vld [tilespmem:s0+$0x1D0];
	s0 =	smov.u32 s18  }
0x78: {  	v31 =	vmul.f32 v9, v0;
	v17 =	vmul.f32 v17, v20;
	v16 =	vmax.f32 v10, $1.000000020e-16;
	v23 =	vld [tilespmem:s31+$0xFFFFFFD0];
	v10 =	vpop (erf)  }
.Ltmp0:
0x79: {  	v14 =	vmul.f32 v14, v10;
	v18 =	vadd.f32 v24, v18;
	v13 =	vadd.f32 v13, v22;
	v9 =	vld [tilespmem:s31+$0x30];
	(pc) =	sbr.rel @p0 .LBB2_3-.Ltmp0, $4  }
0x7a: {  	v17 =	vadd.f32 v17, v31;
	v22 =	vmul.f32 v28, v0;
	v0 =	vmovc v26;
	v29 =	vld [tilespmem:s31+$0xFFFFFFE0];
	v21 =	vmul.f32 v21, v20  }
0x7b: {  	v24 =	vsub.f32 v14, v30;
	v18 =	vmul.f32 v18, v10;
	v13 =	vadd.f32 v25, v13;
	v14 =	vld [tilespmem:s31+$0x20]  }
0x7c: {  	v32 =	vadd.f32 v27, v17;
	v30 =	vld [tilespmem:s31+$0xFFFFFFF0];
	v33 =	vadd.f32 v21, v22;
	v31 =	vmul.f32 v19, v20  }
0x7d: {  	s17 =	sadd.s32 $0x600, s17;
	v35 =	vmul.f32 v24, v24;
	v34 =	vsub.f32 v18, v23;
	v36 =	vmul.f32 v13, v10;
	v28 =	vld [tilespmem:s31+$0x10]  }
0x7e: {  	v18 =	vld [tilespmem:s0+$0x270]  }
0x7f: {  	v13 =	vld [tilespmem:s0+$0x260]  }
0x80: {  	v38 =	vld [tilespmem:s0+$0x170]  }
0x81: {  	v25 =	vld [tilespmem:s0+$0x1F0]  }
0x82: {  	v21 =	vld [tilespmem:s0+$0x250]  }
0x83: {  	v39 =	vld [tilespmem:s0+$0x160]  }
0x84: {  	v23 =	vld [tilespmem:s0+$0x1E0]  }
0x85: {  	v26 =	vld [tilespmem:s0+$0x240]  }
0x86: {  	v40 =	vld [tilespmem:s0+$0x150]  }
0x87: {  	v41 =	vld [tilespmem:s0+$0x230]  }
0x88: {  	(erf) = vrcp.f32 v16;
	v42 =	vld [tilespmem:s0+$0x220]  }
0x89: {  	v43 =	vld [tilespmem:s0+$0x130]  }
0x8a: {  	v44 =	vld [tilespmem:s0+$0x1B0];
	(erf) = vrcp.f32 v15  }
0x8b: {  	v45 =	vld [tilespmem:s0+$0x210]  }
0x8c: {  	v46 =	vld [tilespmem:s0+$0x120]  }
0x8d: {  	v47 =	vld [tilespmem:s0+$0x200]  }
0x8e: {  	v48 =	vld [tilespmem:s0+$0x100]  }
0x8f: {  	v49 =	vld [tilespmem:s0+$0x180]  }
0x90: {  	v50 =	vld [tilespmem:s0+$0x110]  }
0x91: {  	v52 =	vld [tilespmem:s0+$0x190];
	v51 =	vpop (erf)  }
0x92: {  	v53 =	vld [tilespmem:s0+$0x1A0];
	v15 =	vadd.f32 v51, v0  }
0x93: {  	v54 =	vld [tilespmem:s0+$0x140];
	v19 =	vpop (erf)  }
0x94: {  	v55 =	vld [tilespmem:s0+$0x1C0];
	v15 =	vadd.f32 v19, v15  }
0x95: {  	s17 =	sadd.s32 $0x80, s31;
	v57 =	vld [tilespmem:s0+$0x1D0]  }
0x96: {  	v56 =	vld [tilespmem:s17+$0xFFFFFFC0];
	(erf) = vrcp.f32 v15  }
0x97: {  	s0 =	sadd.s32 $0x2, s1;
	v58 =	vld [tilespmem:s17+$0xFFFFFFD0]  }
0x98: {  	p0 =	sge.u32 s0, s9;
	v27 =	vld [tilespmem:s17+$0xFFFFFFE0]  }
0x99: {  	v16 =	vld [tilespmem:s17+$0x20];
	s1 =	smul.u32 @!p0 $0x78, s0  }
0x9a: {  	v24 =	vld [tilespmem:s17+$0xFFFFFFF0]  }
0x9b: {  	v17 =	vld [tilespmem:s17+$0x10];
	s1 =	sadd.s32 @!p0 s8, s1  }
0x9c: {  	v11 =	vadd.f32 v11, v33;
	v12 =	vadd.f32 v31, v12;
	v20 =	vld [tilespmem:s17+$0x0];
	s18 =	sshrl.u32 @!p0 s1, $0x3  }
0x9d: {  	v7 =	vadd.f32 v8, v7;
	v4 =	vadd.f32 v5, v4;
	v15 =	vld [tilespmem:s17+$0x30];
	s17 =	sadd.s32 @!p0 s4, s18;
	s18 =	simm.s32 @!p0 $0x0  }
0x9e: {  	v37 =	vld [tilespmem:s31+$0x0];
	v1 =	vadd.f32 v35, v1;
	v29 =	vsub.f32 v36, v29;
	v34 =	vmul.f32 v34, v34;
	[tilespmem:s18], [sflag:$0x7] =	stream.linear.gather @!p0 [hbm4b:s17+s18], $0x78, $0x38  }
0x9f: {  	v32 =	vmul.f32 v32, v10;
	s0 =	smul.u32 @!p0 $0x28, s0;
	v6 =	vadd.f32 v6, v12;
	v3 =	vadd.f32 v3, v7;
	s17 =	simm.s32 @!p0 $0x7;
	v22 =	vpop (erf)  }
0xa0: {  	v2 =	vadd.f32 v2, v4;
	v1 =	vadd.f32 v34, v1;
	v29 =	vmul.f32 v29, v29;
	_ =	swait.ge @!p0 [sflag:s17], $0x78  }
0xa1: {  	s19 =	simm.s32 @!p0 $0x100;
	v8 =	vmul.f32 v11, v10;
	v30 =	vsub.f32 v32, v30;
	s0 =	sadd.s32 @!p0 s7, s0;
	v6 =	vmul.f32 v6, v10;
	[sflag:s17] =	ssyncset.done @!p0 $0x0  }
0xa2: {  	v3 =	vmul.f32 v3, v10;
	v2 =	vmul.f32 v2, v10;
	v1 =	vadd.f32 v29, v1;
	s0 =	sshll.u32 @!p0 s0, $0x4;
	[sflag:s17] =	ssyncadd.s32 @!p0 $0xFFFFFF88;
	s17 =	simm.s32 @!p0 $0x78  }
0xa3: {  	v5 =	vmul.f32 v30, v30;
	v7 =	vsub.f32 v8, v37;
	v4 =	vsub.f32 v6, v28;
	[tilespmem:s19], [sflag:$0x1] =	stream.indirect.gather @!p0 [hbm4b:s3+s17], $0x80, s18, s17, $0xb8;
	[tilespmem:$0x11980] =	vst v63  }
0xa4: {  	s0 =	sadd.s32 @!p0 s6, s0;
	v3 =	vsub.f32 v3, v14;
	v2 =	vsub.f32 v2, v9;
	s17 =	simm.s32 @!p0 $0x7900  }
0xa5: {  	v9 =	vmul.f32 v40, v0;
	v1 =	vadd.f32 v5, v1;
	v5 =	vmul.f32 v7, v7;
	[tilespmem:s17], [sflag:$0x3] =	stream.linear.gather @!p0 [hbm4b:s0+s18], $0x1400, $0x38;
	[tilespmem:$0x11980] =	vst v63  }
0xa6: {  	v4 =	vmul.f32 v4, v4;
	v3 =	vmul.f32 v3, v3;
	s0 =	sshll.u32 @!p0 s1, $0x4  }
0xa7: {  	v2 =	vmul.f32 v2, v2;
	v1 =	vadd.f32 v5, v1;
	v5 =	vmul.f32 v50, v0;
	s1 =	simm.s32 @!p0 $0xA100;
	s0 =	sadd.s32 @!p0 s5, s0  }
0xa8: {  	v6 =	vmul.f32 v52, v51;
	v7 =	vmul.f32 v53, v51;
	[tilespmem:s1], [sflag:$0x5] =	stream.linear.gather @!p0 [hbm4b:s0+s18], $0x3C00, $0x38;
	[tilespmem:$0x11980] =	vst v63  }
0xa9: {  	v8 =	vmul.f32 v44, v51;
	v14 =	vmul.f32 v25, v51;
	v1 =	vadd.f32 v4, v1;
	_ =	swait.ge [sflag:s24], $0x3C00  }
0xaa: {  	v25 =	vmul.f32 v55, v51;
	v23 =	vmul.f32 v23, v51;
	[sflag:s24] =	ssyncset.done $0x0  }
0xab: {  	v4 =	vmul.f32 v49, v51;
	v1 =	vadd.f32 v3, v1;
	v3 =	vmul.f32 v48, v0;
	[sflag:s24] =	ssyncadd.s32 $0xFFFFC400  }
0xac: {  	v10 =	vmul.f32 v42, v19;
	v11 =	vmul.f32 v41, v19;
	_ =	swait.ge [sflag:s25], $0x1400  }
0xad: {  	v1 =	vadd.f32 v2, v1;
	v2 =	vadd.f32 v4, v3;
	v3 =	vmul.f32 v47, v19;
	[sflag:s25] =	ssyncset.done $0x0  }
0xae: {  	v26 =	vmul.f32 v26, v19;
	v4 =	vadd.f32 v6, v5;
	v6 =	vmul.f32 v45, v19;
	[sflag:s25] =	ssyncadd.s32 $0xFFFFEC00  }
0xaf: {  	v18 =	vmul.f32 v18, v19;
	v2 =	vadd.f32 v3, v2;
	v3 =	vmul.f32 v46, v0;
	_ =	swait.ge [sflag:s26], $0x3C00  }
0xb0: {  	v21 =	vmul.f32 v21, v19;
	v4 =	vadd.f32 v6, v4;
	v6 =	vmul.f32 v43, v0;
	[sflag:s26] =	ssyncset.done $0x0  }
0xb1: {  	v5 =	vmul.f32 v38, v0;
	v3 =	vadd.f32 v7, v3;
	v2 =	vmul.f32 v2, v22;
	s19 =	simm.s32 $0x0;
	[sflag:s26] =	ssyncadd.s32 $0xFFFFC400  }
0xb2: {  	v7 =	vmul.f32 v39, v0;
	v6 =	vadd.f32 v8, v6;
	v0 =	vmul.f32 v54, v0;
	v8 =	vld [tilespmem:s19+$0xDD00]  }
0xb3: {  	v5 =	vadd.f32 v14, v5;
	v4 =	vmul.f32 v4, v22;
	v2 =	vsub.f32 v2, v56;
	v12 =	vld [tilespmem:s19+$0xDE00]  }
0xb4: {  	v3 =	vadd.f32 v10, v3;
	v0 =	vadd.f32 v25, v0;
	v25 =	vmul.f32 v57, v51;
	v10 =	vld [tilespmem:s19+$0xDD80]  }
0xb5: {  	v6 =	vadd.f32 v11, v6;
	v4 =	vsub.f32 v4, v58;
	v2 =	vmul.f32 v2, v2;
	v11 =	vld [tilespmem:s19+$0x3E70]  }
0xb6: {  	v0 =	vadd.f32 v26, v0;
	v9 =	vadd.f32 v25, v9;
	v3 =	vmul.f32 v3, v22;
	v56 =	vld [tilespmem:s19+$0x3E60]  }
0xb7: {  	v6 =	vmul.f32 v6, v22;
	v1 =	vadd.f32 v2, v1;
	v2 =	vmul.f32 v4, v4;
	v57 =	vld [tilespmem:s19+$0x3D70]  }
0xb8: {  	v9 =	vadd.f32 v21, v9;
	v3 =	vsub.f32 v3, v27;
	v26 =	vld [tilespmem:s19+$0x3DF0];
	v8 =	vmax.f32 v8, $1.000000020e-16  }
0xb9: {  	v1 =	vadd.f32 v2, v1;
	v25 =	vld [tilespmem:s19+$0x3D60];
	(erf) = vrcp.f32 v8;
	v8 =	vmax.f32 v10, $1.000000020e-16  }
0xba: {  	v2 =	vmul.f32 v3, v3;
	v3 =	vsub.f32 v6, v24;
	v14 =	vld [tilespmem:s19+$0x3E30];
	(erf) = vrcp.f32 v8  }
0xbb: {  	s31 =	simm.s32 $0x180;
	v5 =	vadd.f32 v18, v5;
	v6 =	vmul.f32 v9, v22;
	v18 =	vld [tilespmem:s19+$0x3E20];
	v4 =	vmax.f32 v12, $1.000000020e-16  }
0xbc: {  	v1 =	vadd.f32 v2, v1;
	v2 =	vmul.f32 v3, v3;
	v3 =	vld [tilespmem:s31+$0xDD00];
	(erf) = vrcp.f32 v4  }
0xbd: {  	v7 =	vadd.f32 v23, v7;
	v5 =	vmul.f32 v5, v22;
	v9 =	vld [tilespmem:s19+$0x3D30];
	v4 =	vmul.f32 v13, v19  }
0xbe: {  	v0 =	vmul.f32 v0, v22;
	v2 =	vadd.f32 v2, v1;
	v1 =	vsub.f32 v6, v17;
	v17 =	vld [tilespmem:s19+$0x3DB0]  }
0xbf: {  	v5 =	vsub.f32 v5, v15;
	v15 =	vld [tilespmem:s19+$0x3E10];
	v4 =	vadd.f32 v4, v7  }
0xc0: {  	v0 =	vsub.f32 v0, v20;
	v20 =	vld [tilespmem:s19+$0x3D20]  }
0xc1: {  	v13 =	vld [tilespmem:s19+$0x3D50];
	v4 =	vmul.f32 v4, v22  }
0xc2: {  	v24 =	vld [tilespmem:s19+$0x3D00];
	v19 =	vpop (erf)  }
0xc3: {  	v5 =	vmul.f32 v5, v5;
	v0 =	vmul.f32 v0, v0;
	v27 =	vld [tilespmem:s19+$0x3D80];
	v4 =	vsub.f32 v4, v16;
	v16 =	vpop (erf)  }
0xc4: {  	v6 =	vmul.f32 v1, v1;
	v3 =	vmax.f32 v3, $1.000000020e-16;
	v8 =	vld [tilespmem:s19+$0x3DE0];
	v1 =	vadd.f32 v16, v19  }
0xc5: {  	v0 =	vadd.f32 v0, v2;
	v10 =	vld [tilespmem:s19+$0x3E50];
	(erf) = vrcp.f32 v3;
	v21 =	vmul.f32 v4, v4;
	v23 =	vpop (erf)  }
0xc6: {  	v12 =	vld [tilespmem:s19+$0x3E40];
	v3 =	vmul.f32 v57, v19;
	v13 =	vmul.f32 v13, v19;
	v7 =	vadd.f32 v23, v1  }
0xc7: {  	v58 =	vld [tilespmem:s19+$0x3D10];
	v24 =	vmul.f32 v24, v19;
	v20 =	vmul.f32 v20, v19  }
0xc8: {  	v0 =	vadd.f32 v6, v0;
	v22 =	vld [tilespmem:s19+$0x3E00];
	v4 =	vmul.f32 v26, v16;
	(erf) = vrcp.f32 v7  }
0xc9: {  	v26 =	vld [tilespmem:s19+$0x3D90];
	v8 =	vmul.f32 v8, v16;
	v62 =	vmul.f32 v17, v16  }
0xca: {  	v6 =	vmul.f32 v10, v23;
	v10 =	vld [tilespmem:s31+$0xDE00];
	v0 =	vadd.f32 v21, v0;
	v21 =	vmul.f32 v14, v23  }
0xcb: {  	v1 =	vmul.f32 v11, v23;
	v11 =	vmul.f32 v12, v23;
	v12 =	vld [tilespmem:s19+$0x3DA0]  }
0xcc: {  	v14 =	vld [tilespmem:s31+$0xDD80];
	v7 =	vmul.f32 v25, v19;
	v25 =	vmul.f32 v27, v16  }
0xcd: {  	v59 =	vld [tilespmem:s19+$0x3DC0];
	v2 =	vmul.f32 v56, v23;
	v22 =	vmul.f32 v22, v23  }
0xce: {  	s0 =	simm.s32 $0x8D40;
	v27 =	vld [tilespmem:s19+$0x3D40];
	v26 =	vmul.f32 v26, v16;
	v24 =	vadd.f32 v25, v24;
	v25 =	vmul.f32 v58, v19  }
0xcf: {  	v60 =	vld [tilespmem:s0+$0xFFFFFFC0];
	v18 =	vmul.f32 v18, v23;
	v23 =	vmul.f32 v15, v23;
	v5 =	vadd.f32 v5, v0  }
0xd0: {  	v0 =	vpop (erf);
	v22 =	vadd.f32 v22, v24;
	v24 =	vadd.f32 v26, v25;
	v25 =	vmul.f32 v12, v16;
	v26 =	vld [tilespmem:s19+$0x3DD0]  }
0xd1: {  	v61 =	vld [tilespmem:s0+$0xFFFFFFD0];
	v10 =	vmax.f32 v10, $1.000000020e-16;
	v15 =	vmax.f32 v14, $1.000000020e-16;
	v14 =	vmul.f32 v9, v19;
	v12 =	vpop (erf)  }
0xd2: {  	v17 =	vld [tilespmem:s0+$0xFFFFFFE0];
	v23 =	vadd.f32 v23, v24;
	v20 =	vadd.f32 v25, v20;
	v22 =	vmul.f32 v22, v12  }
0xd3: {  	v9 =	vld [tilespmem:s0+$0x30];
	v19 =	vmul.f32 v27, v19;
	v24 =	vadd.f32 v62, v14;
	v25 =	vmul.f32 v59, v16  }
0xd4: {  	v14 =	vld [tilespmem:s0+$0x20];
	v63 =	vadd.f32 v18, v20;
	v27 =	vmul.f32 v23, v12;
	v22 =	vsub.f32 v22, v60  }
0xd5: {  	v20 =	vadd.f32 v21, v24;
	v18 =	vld [tilespmem:s0+$0xFFFFFFF0];
	v24 =	vadd.f32 v25, v19;
	v23 =	vmul.f32 v26, v16  }
0xd6: {  	s1 =	simm.s32 $0xC00;
	v19 =	vmul.f32 v63, v12;
	v16 =	vld [tilespmem:s0+$0x10];
	v21 =	vsub.f32 v27, v61;
	v22 =	vmul.f32 v22, v22  }
.LBB2_5:
0xd7: {  	p0 =	sne.s32 s1, $0xEA00;
	v20 =	vmul.f32 v20, v12;
	v11 =	vadd.f32 v11, v24;
	v24 =	vld [tilespmem:s0+$0x0];
	v13 =	vadd.f32 v23, v13  }
0xd8: {  	v23 =	vld [tilespmem:s31+$0x3E70];
	v5 =	vadd.f32 v22, v5;
	v21 =	vmul.f32 v21, v21;
	v17 =	vsub.f32 v19, v17  }
0xd9: {  	v7 =	vadd.f32 v8, v7;
	v19 =	vld [tilespmem:s31+$0x3E60];
	v11 =	vmul.f32 v11, v12;
	v6 =	vadd.f32 v6, v13  }
0xda: {  	v8 =	vld [tilespmem:s31+$0x3D70];
	v5 =	vadd.f32 v21, v5;
	v13 =	vmul.f32 v17, v17;
	v17 =	vsub.f32 v20, v18  }
0xdb: {  	v3 =	vadd.f32 v4, v3;
	v2 =	vadd.f32 v2, v7;
	v18 =	vld [tilespmem:s31+$0x3DF0];
	v6 =	vmul.f32 v6, v12  }
0xdc: {  	v7 =	vld [tilespmem:s31+$0x3E50];
	v4 =	vadd.f32 v13, v5;
	v5 =	vmul.f32 v17, v17;
	v11 =	vsub.f32 v11, v24  }
0xdd: {  	v1 =	vadd.f32 v1, v3;
	v2 =	vmul.f32 v2, v12;
	v13 =	vld [tilespmem:s31+$0x3D60];
	(erf) = vrcp.f32 v15  }
0xde: {  	v15 =	vld [tilespmem:s31+$0x3DE0];
	v3 =	vadd.f32 v5, v4;
	v4 =	vmul.f32 v11, v11;
	v5 =	vsub.f32 v6, v16  }
0xdf: {  	v1 =	vmul.f32 v1, v12;
	v11 =	vld [tilespmem:s31+$0x3E40];
	(erf) = vrcp.f32 v10  }
0xe0: {  	v2 =	vsub.f32 v2, v14;
	v10 =	vld [tilespmem:s31+$0x3D50];
	v3 =	vadd.f32 v4, v3;
	v4 =	vmul.f32 v5, v5  }
0xe1: {  	v12 =	vld [tilespmem:s31+$0x3E30]  }
0xe2: {  	s17 =	sshra.s32 s1, $0x2;
	v1 =	vsub.f32 v1, v9;
	v2 =	vmul.f32 v2, v2;
	v14 =	vld [tilespmem:s31+$0x3E20];
	v3 =	vadd.f32 v4, v3  }
0xe3: {  	v4 =	vld [tilespmem:s17+$0xDD00]  }
0xe4: {  	v1 =	vmul.f32 v1, v1;
	v9 =	vld [tilespmem:s31+$0x3D30];
	v2 =	vadd.f32 v2, v3  }
0xe5: {  	v16 =	vld [tilespmem:s31+$0x3DB0]  }
0xe6: {  	v17 =	vld [tilespmem:s31+$0x3E10];
	v21 =	vpop (erf);
	v5 =	vadd.f32 v1, v2  }
0xe7: {  	v1 =	vadd.f32 v21, v0;
	v20 =	vld [tilespmem:s31+$0x3D20]  }
0xe8: {  	v2 =	vmax.f32 v4, $1.000000020e-16;
	v22 =	vld [tilespmem:s31+$0x3E00];
	v24 =	vpop (erf)  }
0xe9: {  	(erf) = vrcp.f32 v2;
	v6 =	vadd.f32 v24, v1;
	v25 =	vld [tilespmem:s31+$0x3D00];
	v1 =	vmul.f32 v23, v24  }
0xea: {  	v3 =	vmul.f32 v8, v0;
	v2 =	vmul.f32 v19, v24;
	v23 =	vld [tilespmem:s31+$0x3D80]  }
0xeb: {  	v4 =	vmul.f32 v18, v21;
	v19 =	vld [tilespmem:s31+$0x3D10];
	(erf) = vrcp.f32 v6  }
0xec: {  	v6 =	vmul.f32 v7, v24;
	v7 =	vmul.f32 v13, v0;
	v18 =	vld [tilespmem:s31+$0x3D90]  }
0xed: {  	v8 =	vmul.f32 v15, v21;
	v11 =	vmul.f32 v11, v24;
	v26 =	vld [tilespmem:s17+$0xDE00]  }
0xee: {  	v27 =	vmul.f32 v12, v24;
	v13 =	vmul.f32 v10, v0;
	v15 =	vld [tilespmem:s31+$0x3DA0]  }
0xef: {  	v10 =	vmul.f32 v25, v0;
	v12 =	vld [tilespmem:s17+$0xDD80];
	v23 =	vmul.f32 v23, v21  }
0xf0: {  	v14 =	vmul.f32 v14, v24;
	v22 =	vmul.f32 v22, v24;
	v25 =	vld [tilespmem:s31+$0x3D40]  }
0xf1: {  	s0 =	sadd.s32 $0x80, s0;
	v19 =	vmul.f32 v19, v0;
	v23 =	vadd.f32 v23, v10;
	v18 =	vmul.f32 v18, v21;
	v28 =	vld [tilespmem:s31+$0x3DC0]  }
0xf2: {  	v17 =	vmul.f32 v17, v24;
	v20 =	vmul.f32 v20, v0;
	v10 =	vmax.f32 v26, $1.000000020e-16;
	v26 =	vpop (erf);
	v29 =	vld [tilespmem:s0+$0xFFFFFFC0]  }
0xf3: {  	v22 =	vadd.f32 v22, v23;
	v18 =	vadd.f32 v18, v19;
	v19 =	vmul.f32 v15, v21;
	v23 =	vld [tilespmem:s31+$0x3DD0];
	s31 =	smov.u32 s17  }
0xf4: {  	v16 =	vmul.f32 v16, v21;
	v24 =	vmul.f32 v9, v0;
	v15 =	vmax.f32 v12, $1.000000020e-16;
	v30 =	vld [tilespmem:s0+$0xFFFFFFD0];
	v12 =	vpop (erf)  }
.Ltmp1:
0xf5: {  	v22 =	vmul.f32 v22, v12;
	v18 =	vadd.f32 v17, v18;
	v19 =	vadd.f32 v19, v20;
	v9 =	vld [tilespmem:s0+$0x30];
	(pc) =	sbr.rel @p0 .LBB2_5-.Ltmp1, $4  }
0xf6: {  	v16 =	vadd.f32 v16, v24;
	v24 =	vmul.f32 v25, v0;
	v0 =	vmovc v26;
	v17 =	vld [tilespmem:s0+$0xFFFFFFE0];
	v25 =	vmul.f32 v28, v21  }
0xf7: {  	v22 =	vsub.f32 v22, v29;
	v26 =	vmul.f32 v18, v12;
	v19 =	vadd.f32 v14, v19;
	v14 =	vld [tilespmem:s0+$0x20]  }
0xf8: {  	v20 =	vadd.f32 v27, v16;
	v18 =	vld [tilespmem:s0+$0xFFFFFFF0];
	v24 =	vadd.f32 v25, v24;
	v23 =	vmul.f32 v23, v21  }
0xf9: {  	s1 =	sadd.s32 $0x600, s1;
	v22 =	vmul.f32 v22, v22;
	v21 =	vsub.f32 v26, v30;
	v19 =	vmul.f32 v19, v12;
	v16 =	vld [tilespmem:s0+$0x10]  }
0xfa: {  	v25 =	vld [tilespmem:s0+$0x0]  }
0xfb: {  	v26 =	vld [tilespmem:s31+$0x3E70]  }
0xfc: {  	v27 =	vld [tilespmem:s31+$0x3E60]  }
0xfd: {  	v28 =	vld [tilespmem:s31+$0x3D70];
	(erf) = vrcp.f32 v15  }
0xfe: {  	v48 =	vld [tilespmem:s31+$0x3DF0]  }
0xff: {  	v11 =	vadd.f32 v11, v24;
	v49 =	vld [tilespmem:s31+$0x3E50];
	v13 =	vadd.f32 v23, v13;
	(erf) = vrcp.f32 v10  }
0x100: {  	v7 =	vadd.f32 v8, v7;
	v50 =	vld [tilespmem:s31+$0x3D60];
	v3 =	vadd.f32 v4, v3  }
0x101: {  	v20 =	vmul.f32 v20, v12;
	v51 =	vld [tilespmem:s31+$0x3DE0];
	v5 =	vadd.f32 v22, v5;
	v53 =	vsub.f32 v19, v17  }
0x102: {  	v63 =	vld [tilespmem:s31+$0x3D00];
	v21 =	vmul.f32 v21, v21;
	v6 =	vadd.f32 v6, v13;
	v2 =	vadd.f32 v2, v7  }
0x103: {  	v34 =	vld [tilespmem:s31+$0x3D10];
	v11 =	vmul.f32 v11, v12;
	v1 =	vadd.f32 v1, v3;
	v54 =	vsub.f32 v20, v18  }
0x104: {  	v57 =	vld [tilespmem:s31+$0x3D30];
	v13 =	vmul.f32 v53, v53;
	v5 =	vadd.f32 v21, v5;
	v6 =	vmul.f32 v6, v12  }
0x105: {  	v3 =	vld [tilespmem:s31+$0x3D50];
	v2 =	vmul.f32 v2, v12;
	v1 =	vmul.f32 v1, v12  }
0x106: {  	v31 =	vld [tilespmem:s31+$0x3D80];
	v11 =	vsub.f32 v11, v25;
	v17 =	vmul.f32 v54, v54;
	v5 =	vadd.f32 v13, v5;
	v58 =	vpop (erf)  }
0x107: {  	v35 =	vld [tilespmem:s31+$0x3D90];
	v33 =	vmul.f32 v28, v0;
	v8 =	vmul.f32 v50, v0;
	v60 =	vadd.f32 v58, v0  }
0x108: {  	v37 =	vld [tilespmem:s31+$0x3DA0];
	v22 =	vmul.f32 v63, v0;
	v41 =	vmul.f32 v34, v0;
	v6 =	vsub.f32 v6, v16;
	v62 =	vpop (erf)  }
0x109: {  	v38 =	vld [tilespmem:s31+$0x3DB0];
	v2 =	vsub.f32 v2, v14;
	v14 =	vmul.f32 v57, v0;
	v19 =	vadd.f32 v62, v60  }
0x10a: {  	v42 =	vld [tilespmem:s31+$0x3DC0];
	v1 =	vsub.f32 v1, v9;
	v11 =	vmul.f32 v11, v11;
	v3 =	vmul.f32 v3, v0  }
0x10b: {  	v46 =	vld [tilespmem:s31+$0x3DD0];
	v6 =	vmul.f32 v6, v6;
	(erf) = vrcp.f32 v19  }
0x10c: {  	v61 =	vld [tilespmem:s31+$0x3E00];
	v5 =	vadd.f32 v17, v5;
	v2 =	vmul.f32 v2, v2;
	v1 =	vmul.f32 v1, v1  }
0x10d: {  	v59 =	vld [tilespmem:s31+$0x3E10];
	v15 =	vmul.f32 v48, v58;
	v4 =	vmul.f32 v51, v58  }
0x10e: {  	v36 =	vld [tilespmem:s31+$0x3D20];
	v5 =	vadd.f32 v11, v5;
	v13 =	vmul.f32 v31, v58;
	v17 =	vmul.f32 v35, v58  }
0x10f: {  	v56 =	vld [tilespmem:s31+$0x3E20];
	v11 =	vmul.f32 v37, v58;
	v47 =	vmul.f32 v38, v58  }
0x110: {  	v55 =	vld [tilespmem:s31+$0x3E30];
	v50 =	vmul.f32 v42, v58;
	v54 =	vmul.f32 v46, v58;
	v5 =	vadd.f32 v6, v5  }
0x111: {  	v40 =	vld [tilespmem:s31+$0x3D40];
	s19 =	sadd.s32 $0x80, s0;
	v30 =	vmul.f32 v26, v62;
	v39 =	vmul.f32 v61, v62;
	v13 =	vadd.f32 v13, v22  }
0x112: {  	v44 =	vld [tilespmem:s19+$0xFFFFFFC0];
	v32 =	vmul.f32 v27, v62;
	v43 =	vmul.f32 v59, v62;
	v2 =	vadd.f32 v2, v5  }
0x113: {  	v52 =	vld [tilespmem:s31+$0x3E40];
	v45 =	vadd.f32 v17, v41;
	v19 =	vmul.f32 v36, v0;
	v6 =	vadd.f32 v39, v13  }
0x114: {  	v10 =	vmul.f32 v49, v62;
	v12 =	vmul.f32 v56, v62;
	v1 =	vadd.f32 v1, v2;
	v2 =	vld [tilespmem:s19+$0xFFFFFFD0];
	v48 =	vpop (erf)  }
0x115: {  	v5 =	vadd.f32 v43, v45;
	v11 =	vadd.f32 v11, v19;
	v6 =	vmul.f32 v6, v48  }
0x116: {  	v18 =	vmul.f32 v55, v62;
	v49 =	vld [tilespmem:s19+$0xFFFFFFE0];
	v14 =	vadd.f32 v47, v14;
	v0 =	vmul.f32 v40, v0  }
0x117: {  	v51 =	vadd.f32 v12, v11;
	v5 =	vmul.f32 v5, v48;
	v6 =	vsub.f32 v6, v44  }
0x118: {  	v53 =	vld [tilespmem:s19+$0xFFFFFFF0];
	v7 =	vmul.f32 v52, v62;
	v52 =	vadd.f32 v18, v14;
	v0 =	vadd.f32 v50, v0  }
0x119: {  	v55 =	vmul.f32 v51, v48;
	v2 =	vsub.f32 v5, v2;
	v6 =	vmul.f32 v6, v6  }
0x11a: {  	v57 =	vld [tilespmem:s19+$0x0];
	v3 =	vadd.f32 v54, v3;
	v0 =	vadd.f32 v7, v0;
	v56 =	vmul.f32 v52, v48  }
0x11b: {  	v5 =	vsub.f32 v55, v49;
	v2 =	vmul.f32 v2, v2;
	v1 =	vadd.f32 v6, v1  }
0x11c: {  	v58 =	vld [tilespmem:s19+$0x10];
	v4 =	vadd.f32 v4, v8;
	v3 =	vadd.f32 v10, v3;
	v0 =	vmul.f32 v0, v48  }
0x11d: {  	v59 =	vsub.f32 v56, v53;
	v1 =	vadd.f32 v2, v1;
	v2 =	vmul.f32 v5, v5  }
0x11e: {  	v60 =	vld [tilespmem:s19+$0x20];
	v61 =	vadd.f32 v15, v33;
	v4 =	vadd.f32 v32, v4;
	v3 =	vmul.f32 v3, v48  }
0x11f: {  	v0 =	vsub.f32 v0, v57;
	v1 =	vadd.f32 v2, v1;
	v2 =	vmul.f32 v59, v59  }
0x120: {  	v62 =	vld [tilespmem:s19+$0x30];
	v63 =	vadd.f32 v30, v61;
	v4 =	vmul.f32 v4, v48  }
0x121: {  	v0 =	vmul.f32 v0, v0;
	v1 =	vadd.f32 v2, v1;
	v2 =	vsub.f32 v3, v58  }
0x122: {  	v3 =	vmul.f32 v63, v48  }
0x123: {  	s30 =	sadd.s32 $0x1, s30;
	v0 =	vadd.f32 v0, v1;
	v1 =	vmul.f32 v2, v2;
	v2 =	vsub.f32 v4, v60  }
0x124: {  	p0 =	sne.s32 s30, s14  }
.Ltmp2:
0x125: {  	v0 =	vadd.f32 v1, v0;
	v1 =	vmul.f32 v2, v2;
	v2 =	vsub.f32 v3, v62;
	(pc) =	sbr.rel @p0 .LBB2_2-.Ltmp2, $3  }
0x126: {  	_ = 	snop  }
0x127: {  	v0 =	vadd.f32 v1, v0;
	v1 =	vmul.f32 v2, v2;
	_ =	sdelay $0x1  }
0x128: {  	v1 =	vadd.f32 v1, v0  }
0x129: {  	s29 =	sadd.s32 $0x1, s29  }
0x12a: {  	p0 =	sne.s32 s29, s15  }
.Ltmp3:
0x12b: {  	[tilespmem:$0x11900] =	vst v1;
	(pc) =	sbr.rel @p0 .LBB2_1-.Ltmp3, $4  }
0x12c: {  	[hbm4b:s13+s2] =	stream.linear.scatter [tilespmem:s28], [sflag:$0x7], $0x10, $0x38;
	[tilespmem:$0x11980] =	vst v63  }
0x12d: {  	_ =	swait.ge [sflag:s16], $0x10  }
0x12e: {  	[sflag:s16] =	ssyncset.done $0x0  }
0x12f: {  	[sflag:s16] =	ssyncadd.s32 $0xFFFFFFF0  }
0x130: {  	_ =	sfence.sel $0x180000  }
0x131: {  	[bflag:$0x0] =	sbarrier.arrive $0xFFFF  }
0x132: {  	_ =	strace $0x90000047  }
0x133: {  	s0 =	stileid.u32;
	[bflag:$0x2] =	sbarrier.arrive $0xFFFF  }
0x134: {  	p0 =	sne.s32 s0, $0x0;
	s0 =	rddreg [dreg:$0x1]  }
0x135: {  	s0 =	sadd.s32 @!p0 $0x100000, s0  }
0x136: {  	[sflag:s0] =	ssyncadd.tile.s32 @!p0 $0x1;
	_ =	shalt  }
.Lfunc_end2:
_tile_overlayer_lowered:
.L_overlay_start_2:
0x137: {  	(tag) =	ssettag $0x2  }
0x138: {  	s0 =	rddreg [dreg:$0x0];
	s2 =	stileid.u32  }
0x139: {  	s1 =	rddreg [dreg:$0x1];
	p0 =	sne.s32 s2, $0x0  }
0x13a: {  	s3 =	rddreg [dreg:$0x2];
	[bflag:$0x3] =	sbarrier.arrive $0xFFFF;
	s2 =	simm.s32 @!p0 $0x1C07  }
0x13b: {  	[timem:s3], [sflag:s2] =	dma.local @!p0 [hbm:s0], s1  }
0x13c: {  	s0 =	simm.s32 @!p0 $0x7  }
0x13d: {  	_ =	swait.ge @!p0 [sflag:s0], s1  }
0x13e: {  	s1 =	ssub.s32 @!p0 $0x0, s1;
	[sflag:s0] =	ssyncset.done @!p0 $0x0  }
0x13f: {  	[sflag:s0] =	ssyncadd.s32 @!p0 s1  }
0x140: {  	[bflag:$0x3] =	sbarrier.arrive $0xFFFF  }
0x141: {  	_ =	shalt  }

</sc_bundles>
